<compile_context>
chip_gen: v7x
topology: tpu7x:2x2x1
jax: 0.10.2.dev20260603
libtpu: 0.0.44.dev20260713+nightly
codegen_flags: <defaults>
</compile_context>

<pallas_src>
import functools

import jax
import jax.numpy as jnp
from jax import lax
from jax.experimental import pallas as pl
from jax.experimental.pallas import tpu as pltpu
from jax.experimental.pallas import tpu_sc as plsc

NC = 2
NS = 16
LANES = 128


def _deg_body(dst2, degp, acc, zbuf, ones, didx, sem, dsem0, dsem1):
    c = lax.axis_index("c")
    s = lax.axis_index("s")
    wid = s * NC + c
    acc_rows = acc.shape[0]
    zt = zbuf.shape[0]

    z16 = jnp.zeros((16,), jnp.float32)

    def zb(i, _):
        zbuf[pl.ds(i * 16, 16)] = z16
        return 0

    lax.fori_loop(0, zt // 16, zb, 0)

    def ob(i, _):
        ones[pl.ds(i * 16, 16)] = z16 + 1.0
        return 0

    lax.fori_loop(0, 128 // 16, ob, 0)

    pltpu.sync_copy(zbuf, acc.at[pl.ds(s * zt, zt)])
    plsc.subcore_barrier()

    rows_per_tile = dst2.shape[0] // (NC * NS)
    row0 = wid * rows_per_tile
    ng = rows_per_tile // 4

    pltpu.sync_copy(dst2.at[pl.ds(row0, 4)], didx.at[0])
    dsems = (dsem0, dsem1)

    def outer(g, _):
        p = lax.rem(g, 2)
        q = 1 - p

        @pl.when(g + 1 < ng)
        def _():
            pltpu.async_copy(dst2.at[pl.ds(row0 + (g + 1) * 4, 4)],
                             didx.at[q], sem)

        for j in range(4):
            if j >= 2:
                pltpu.make_async_copy(ones, acc.at[didx.at[p, j - 2]],
                                      dsems[j & 1]).wait()
            else:
                @pl.when(g > 0)
                def _():
                    pltpu.make_async_copy(
                        ones, acc.at[didx.at[lax.rem(g + 1, 2), j + 2]],
                        dsems[j & 1]).wait()
            pltpu.async_copy(ones, acc.at[didx.at[p, j]], dsems[j & 1],
                             add=True)

        @pl.when(g + 1 < ng)
        def _():
            pltpu.make_async_copy(dst2.at[pl.ds(0, 4)], didx.at[q],
                                  sem).wait()
        return 0

    lax.fori_loop(0, ng, outer, 0)
    pf = (ng - 1) % 2
    pltpu.make_async_copy(ones, acc.at[didx.at[pf, 2]], dsems[0]).wait()
    pltpu.make_async_copy(ones, acc.at[didx.at[pf, 3]], dsems[1]).wait()
    plsc.subcore_barrier()

    wt = acc_rows // NS

    @pl.when(c == 0)
    def _():
        pltpu.sync_copy(acc.at[pl.ds(s * wt, wt)], degp.at[0, pl.ds(s * wt, wt)])

    @pl.when(c == 1)
    def _():
        pltpu.sync_copy(acc.at[pl.ds(s * wt, wt)], degp.at[1, pl.ds(s * wt, wt)])


def _gather_body(hs0, hs1, src2, dst2, out_s, acc, rows, zbuf, sidx, didx,
                 gsem0, gsem1, gsem2, gsem3, ssem0, isem, zsem):
    c = lax.axis_index("c")
    s = lax.axis_index("s")
    acc_rows = acc.shape[0]

    z16 = jnp.zeros((16,), jnp.float32)

    def zrow(r, _):
        zbuf[r, pl.ds(0, 16)] = z16
        zbuf[r, pl.ds(16, 16)] = z16
        return 0

    lax.fori_loop(0, 128, zrow, 0)

    zt = acc_rows // NS

    def zcopy(i, _):
        pltpu.async_copy(zbuf, acc.at[pl.ds(s * zt + i * 128, 128)], zsem)
        return 0

    lax.fori_loop(0, zt // 128, zcopy, 0)

    rows_per_tile = src2.shape[0] // NS
    row0 = s * rows_per_tile
    ng = rows_per_tile // 8
    gsems = (gsem0, gsem1, gsem2, gsem3)

    def run(hs_ref):
        pltpu.sync_copy(src2.at[pl.ds(row0, 8)], sidx.at[0])
        pltpu.sync_copy(dst2.at[pl.ds(row0, 8)], didx.at[0])
        for j in range(3):
            pltpu.async_copy(hs_ref.at[sidx.at[0, j]], rows.at[j], gsems[j])

        def zdrain(i, _):
            pltpu.make_async_copy(
                zbuf, acc.at[pl.ds(s * zt + i * 128, 128)], zsem).wait()
            return 0

        lax.fori_loop(0, zt // 128, zdrain, 0)
        plsc.subcore_barrier()

        def group(g, _):
            p = lax.rem(g, 2)
            q = 1 - p

            @pl.when(g + 1 < ng)
            def _():
                pltpu.async_copy(src2.at[pl.ds(row0 + (g + 1) * 8, 8)],
                                 sidx.at[q], isem)
                pltpu.async_copy(dst2.at[pl.ds(row0 + (g + 1) * 8, 8)],
                                 didx.at[q], isem)

            for j in range(8):
                jb = j & 3
                pltpu.make_async_copy(hs_ref.at[sidx.at[p, j]],
                                      rows.at[jb], gsems[j & 3]).wait()
                if j >= 1:
                    pltpu.make_async_copy(
                        rows.at[(j - 1) & 3],
                        acc.at[didx.at[p, j - 1]], ssem0).wait()
                else:
                    @pl.when(g > 0)
                    def _():
                        pltpu.make_async_copy(
                            rows.at[3],
                            acc.at[didx.at[lax.rem(g + 1, 2), 7]],
                            ssem0).wait()
                nsem = gsems[(j + 3) & 3]
                if j < 5:
                    pltpu.async_copy(hs_ref.at[sidx.at[p, j + 3]],
                                     rows.at[(j + 3) & 3], nsem)
                elif j == 5:
                    @pl.when(g + 1 < ng)
                    def _():
                        pltpu.make_async_copy(src2.at[pl.ds(0, 8)],
                                              sidx.at[q], isem).wait()
                        pltpu.make_async_copy(dst2.at[pl.ds(0, 8)],
                                              didx.at[q], isem).wait()
                        pltpu.async_copy(hs_ref.at[sidx.at[q, 0]],
                                         rows.at[(j + 3) & 3], nsem)
                else:
                    jn = j - 5
                    @pl.when(g + 1 < ng)
                    def _():
                        pltpu.async_copy(hs_ref.at[sidx.at[q, jn]],
                                         rows.at[(j + 3) & 3], nsem)
                pltpu.async_copy(rows.at[jb], acc.at[didx.at[p, j]],
                                 ssem0, add=True)
            return 0

        lax.fori_loop(0, ng, group, 0)
        pf = (ng - 1) % 2
        pltpu.make_async_copy(rows.at[3], acc.at[didx.at[pf, 7]],
                              ssem0).wait()

    @pl.when(c == 0)
    def _():
        run(hs0)

    @pl.when(c == 1)
    def _():
        run(hs1)

    plsc.subcore_barrier()
    wt = acc_rows // NS

    @pl.when(c == 0)
    def _():
        pltpu.sync_copy(acc.at[pl.ds(s * wt, wt)],
                        out_s.at[0, pl.ds(s * wt, wt)])

    @pl.when(c == 1)
    def _():
        pltpu.sync_copy(acc.at[pl.ds(s * wt, wt)],
                        out_s.at[1, pl.ds(s * wt, wt)])


def _proj_body(xp_ref, w0_ref, w1_ref, dp_ref, hs0_ref, hs1_ref):
    xb = xp_ref[...]
    d = dp_ref[...]
    hs0_ref[...] = d * jnp.dot(xb, w0_ref[...],
                               preferred_element_type=jnp.float32)
    hs1_ref[...] = d * jnp.dot(xb, w1_ref[...],
                               preferred_element_type=jnp.float32)


def _epi_body(s0_ref, s1_ref, h0_ref, h1_ref, dp_ref, b10_ref, b11_ref,
              w20_ref, w21_ref, b2p_ref, out_ref):
    d = dp_ref[...]
    t0 = jnp.maximum((s0_ref[...] + h0_ref[...]) * d + b10_ref[...], 0.0)
    t1 = jnp.maximum((s1_ref[...] + h1_ref[...]) * d + b11_ref[...], 0.0)
    out_ref[...] = (
        jnp.dot(t0, w20_ref[...], preferred_element_type=jnp.float32)
        + jnp.dot(t1, w21_ref[...], preferred_element_type=jnp.float32)
        + b2p_ref[...])


def kernel(x, edge_index, W1, b1, W2, b2):
    n = x.shape[0]
    e = edge_index.shape[1]
    d_hid = W1.shape[1]
    d_out = W2.shape[1]
    half = d_hid // 2

    group = LANES * NS * 8
    ep = ((e + group - 1) // group) * group
    acc_rows = ((n + 1 + NS * 128 - 1) // (NS * 128)) * (NS * 128)

    src = edge_index[0]
    dst = edge_index[1]
    pad = ep - e
    src_p = jnp.concatenate([src, jnp.zeros((pad,), jnp.int32)])
    dst_p = jnp.concatenate([dst, jnp.full((pad,), n, jnp.int32)])
    src2 = src_p.reshape(ep // LANES, LANES)
    dst2 = dst_p.reshape(ep // LANES, LANES)

    mesh = plsc.VectorSubcoreMesh(core_axis_name="c", subcore_axis_name="s")
    sc_params = pltpu.CompilerParams(use_tc_tiling_on_sc=False)

    degp = pl.kernel(
        _deg_body,
        out_type=jax.ShapeDtypeStruct((2, acc_rows), jnp.float32),
        mesh=mesh,
        scratch_types=[
            pltpu.VMEM_SHARED((acc_rows,), jnp.float32),
            pltpu.VMEM((acc_rows // NS,), jnp.float32),
            pltpu.VMEM((LANES,), jnp.float32),
            pltpu.VMEM((2, 4, LANES), jnp.int32),
            pltpu.SemaphoreType.DMA,
            pltpu.SemaphoreType.DMA,
            pltpu.SemaphoreType.DMA,
        ],
        compiler_params=sc_params,
    )(dst2)

    pb = 1024
    g = (n + pb - 1) // pb
    np_pad = g * pb
    prows = np_pad // 4

    deg = degp[0, :np_pad] + degp[1, :np_pad] + 1.0
    disp = jnp.repeat(lax.rsqrt(deg), half).reshape(prows, 128)

    x_p = x.reshape(n // 4, 4 * x.shape[1])
    eye4 = jnp.eye(4, dtype=jnp.float32)
    w1b0 = jnp.kron(eye4, W1[:, :half])
    w1b1 = jnp.kron(eye4, W1[:, half:])

    hsp0, hsp1 = pl.pallas_call(
        _proj_body,
        grid=(g,),
        in_specs=[
            pl.BlockSpec((pb // 4, 4 * x.shape[1]), lambda j: (j, 0)),
            pl.BlockSpec((4 * x.shape[1], 128), lambda j: (0, 0)),
            pl.BlockSpec((4 * x.shape[1], 128), lambda j: (0, 0)),
            pl.BlockSpec((pb // 4, 128), lambda j: (j, 0)),
        ],
        out_specs=[
            pl.BlockSpec((pb // 4, 128), lambda j: (j, 0)),
            pl.BlockSpec((pb // 4, 128), lambda j: (j, 0)),
        ],
        out_shape=[
            jax.ShapeDtypeStruct((prows, 128), jnp.float32),
            jax.ShapeDtypeStruct((prows, 128), jnp.float32),
        ],
    )(x_p, w1b0, w1b1, disp)

    hs0_lin = hsp0.reshape(np_pad, half)
    hs1_lin = hsp1.reshape(np_pad, half)

    s_agg = pl.kernel(
        _gather_body,
        out_type=jax.ShapeDtypeStruct((2, acc_rows, half), jnp.float32),
        mesh=mesh,
        scratch_types=[
            pltpu.VMEM_SHARED((acc_rows, half), jnp.float32),
            pltpu.VMEM((4, LANES, half), jnp.float32),
            pltpu.VMEM((LANES, half), jnp.float32),
            pltpu.VMEM((2, 8, LANES), jnp.int32),
            pltpu.VMEM((2, 8, LANES), jnp.int32),
            pltpu.SemaphoreType.DMA,
            pltpu.SemaphoreType.DMA,
            pltpu.SemaphoreType.DMA,
            pltpu.SemaphoreType.DMA,
            pltpu.SemaphoreType.DMA,
            pltpu.SemaphoreType.DMA,
            pltpu.SemaphoreType.DMA,
        ],
        compiler_params=sc_params,
    )(hs0_lin, hs1_lin, src2, dst2)

    s_lin = s_agg.reshape(2 * acc_rows * half // 128, 128)
    off1 = acc_rows * half // 128 // (pb // 4)

    w2b0 = jnp.kron(eye4, W2[:half, :])
    w2b1 = jnp.kron(eye4, W2[half:, :])
    b1p0 = jnp.tile(b1[:half], 4).reshape(1, 128)
    b1p1 = jnp.tile(b1[half:], 4).reshape(1, 128)
    b2p = jnp.tile(b2, 4).reshape(1, 4 * d_out)

    out_p = pl.pallas_call(
        _epi_body,
        grid=(g,),
        in_specs=[
            pl.BlockSpec((pb // 4, 128), lambda j: (j, 0)),
            pl.BlockSpec((pb // 4, 128), lambda j: (j + off1, 0)),
            pl.BlockSpec((pb // 4, 128), lambda j: (j, 0)),
            pl.BlockSpec((pb // 4, 128), lambda j: (j, 0)),
            pl.BlockSpec((pb // 4, 128), lambda j: (j, 0)),
            pl.BlockSpec((1, 128), lambda j: (0, 0)),
            pl.BlockSpec((1, 128), lambda j: (0, 0)),
            pl.BlockSpec((128, 4 * d_out), lambda j: (0, 0)),
            pl.BlockSpec((128, 4 * d_out), lambda j: (0, 0)),
            pl.BlockSpec((1, 4 * d_out), lambda j: (0, 0)),
        ],
        out_specs=pl.BlockSpec((pb // 4, 4 * d_out), lambda j: (j, 0)),
        out_shape=jax.ShapeDtypeStruct((prows, 4 * d_out), jnp.float32),
    )(s_lin, s_lin, hsp0, hsp1, disp, b1p0, b1p1, w2b0, w2b1, b2p)

    return out_p.reshape(np_pad, d_out)[:n]

# --- scband reference (transcript-rebuilt; emitter-appended) ---
"""Pipeline reference for scband-traffic-signal-controller-44049184588392 (READ-ONLY COPY).

The authoritative reference and input builder live on the scoring server;
editing this copy changes nothing except your own understanding.
"""

import jax, jax.numpy as jnp
import numpy as np

N = 50000
E = 800000
D_IN = 128
D_HID = 64
D_OUT = 2


def setup_inputs(seed: int = 0) -> dict:
    key = jax.random.key(seed)
    k1, k2, k3, k4, k5, k6 = jax.random.split(key, 6)
    x = jax.random.normal(k1, (N, D_IN), dtype=jnp.float32)
    edge_index = jax.random.randint(k2, (2, E), 0, N, dtype=jnp.int32)
    # GCNConv params (glorot for weight, zeros for bias, as in PyG)
    lim1 = float(np.sqrt(6.0 / (D_IN + D_HID)))
    W1 = jax.random.uniform(k3, (D_IN, D_HID), dtype=jnp.float32, minval=-lim1, maxval=lim1)
    b1 = jnp.zeros((D_HID,), dtype=jnp.float32)
    # nn.Linear params (kaiming-uniform-ish)
    lim2 = float(1.0 / np.sqrt(D_HID))
    W2 = jax.random.uniform(k4, (D_HID, D_OUT), dtype=jnp.float32, minval=-lim2, maxval=lim2)
    b2 = jax.random.uniform(k5, (D_OUT,), dtype=jnp.float32, minval=-lim2, maxval=lim2)
    return {"x": x, "edge_index": edge_index, "W1": W1, "b1": b1, "W2": W2, "b2": b2}


def reference(x, edge_index, W1, b1, W2, b2):
    n = x.shape[0]
    src = edge_index[0]
    dst = edge_index[1]
    # add self loops (PyG GCNConv default add_self_loops=True)
    loop = jnp.arange(n, dtype=src.dtype)
    src = jnp.concatenate([src, loop])
    dst = jnp.concatenate([dst, loop])
    # project first (as PyG GCNConv does), then propagate
    h = x @ W1
    # symmetric normalization: deg computed on dst (col) including self loops
    deg = jnp.zeros((n,), dtype=h.dtype).at[dst].add(1.0)
    deg_inv_sqrt = jnp.where(deg > 0, jax.lax.rsqrt(jnp.maximum(deg, 1e-12)), 0.0)
    norm = deg_inv_sqrt[src] * deg_inv_sqrt[dst]
    # gather messages from src, scale, scatter-add to dst
    msg = h[src] * norm[:, None]
    agg = jax.ops.segment_sum(msg, dst, num_segments=n)
    agg = agg + b1
    # relu; dropout is identity in eval mode
    hr = jax.nn.relu(agg)
    out = hr @ W2 + b2
    return out

if __name__ == "__main__":
    import jax
    _d = setup_inputs()
    print(jax.jit(kernel)(*tuple(_d.values())))

</pallas_src>

<mosaic_0001>
#map = affine_map<(d0, d1) -> (0, 0)>
#map1 = affine_map<(d0, d1) -> (0, 0, 0)>
module attributes {stable_mosaic.version = 14 : i64} {
  func.func @_gather_body(%arg0: i32, %arg1: i32, %arg2: memref<50176x32xf32, #tpu.memory_space<hbm>>, %arg3: memref<50176x32xf32, #tpu.memory_space<hbm>>, %arg4: memref<6272x128xi32, #tpu.memory_space<hbm>>, %arg5: memref<6272x128xi32, #tpu.memory_space<hbm>>, %arg6: memref<2x51200x32xf32, #tpu.memory_space<hbm>>, %arg7: memref<51200x32xf32, #tpu.memory_space<vmem_shared>>, %arg8: memref<4x128x32xf32, #tpu.memory_space<vmem>>, %arg9: memref<128x32xf32, #tpu.memory_space<vmem>>, %arg10: memref<2x8x128xi32, #tpu.memory_space<vmem>>, %arg11: memref<2x8x128xi32, #tpu.memory_space<vmem>>, %arg12: memref<!tpu.dma_semaphore, #tpu.memory_space<semaphore_mem>>, %arg13: memref<!tpu.dma_semaphore, #tpu.memory_space<semaphore_mem>>, %arg14: memref<!tpu.dma_semaphore, #tpu.memory_space<semaphore_mem>>, %arg15: memref<!tpu.dma_semaphore, #tpu.memory_space<semaphore_mem>>, %arg16: memref<!tpu.dma_semaphore, #tpu.memory_space<semaphore_mem>>, %arg17: memref<!tpu.dma_semaphore, #tpu.memory_space<semaphore_mem>>, %arg18: memref<!tpu.dma_semaphore, #tpu.memory_space<semaphore_mem>>) attributes {dimension_semantics = [#tpu.dimension_semantics<core_parallel>, #tpu.dimension_semantics<subcore_parallel>], iteration_bounds = array<i64: 2, 16>, scalar_prefetch = 0 : i64, scratch_operands = 12 : i64, tpu.core_type = #tpu.core_type<sc_vector_subcore>, window_params = [{transform_indices = #map}, {transform_indices = #map}, {transform_indices = #map}, {transform_indices = #map}, {transform_indices = #map1}]} {
    %broadcast_in_dim3A = arith.constant 0.000000e+00 : f32
    %broadcast_in_dim3A_0 = vector.broadcast %broadcast_in_dim3A : f32 to vector<16xf32>
    %scan3A = arith.constant 0 : i32
    %scan3A_1 = arith.constant 0 : i32
    %scan3A_2 = arith.constant 128 : i32
    %scan3A_3 = arith.addi %scan3A_1, %scan3A_2 : i32
    %scan3A_4 = arith.constant 1 : i32
    %scan3A_5 = scf.for %scan3A_32 = %scan3A_1 to %scan3A_3 step %scan3A_4 iter_args(%scan3A_33 = %scan3A) -> (i32)  : i32 {
      %swap3A = arith.index_cast %scan3A_32 : i32 to index
      %swap3A_34 = arith.constant 0 : index
      %swap3A_35 = tpu.vector_load %arg9[%swap3A, %swap3A_34] {strides = array<i32>} : memref<128x32xf32, #tpu.memory_space<vmem>>, vector<1x16xf32>,
      %swap3A_36 = vector.shape_cast %swap3A_35 : vector<1x16xf32> to vector<16xf32>
      %swap3A_37 = vector.shape_cast %broadcast_in_dim3A_0 : vector<16xf32> to vector<1x16xf32>
      tpu.vector_store %arg9[%swap3A, %swap3A_34], %swap3A_37 {strides = array<i32>} : memref<128x32xf32, #tpu.memory_space<vmem>>, vector<1x16xf32>,
      %swap3A_38 = arith.index_cast %scan3A_32 : i32 to index
      %swap3A_39 = arith.constant 16 : index
      %swap3A_40 = tpu.vector_load %arg9[%swap3A_38, %swap3A_39] {strides = array<i32>} : memref<128x32xf32, #tpu.memory_space<vmem>>, vector<1x16xf32>,
      %swap3A_41 = vector.shape_cast %swap3A_40 : vector<1x16xf32> to vector<16xf32>
      %swap3A_42 = vector.shape_cast %broadcast_in_dim3A_0 : vector<16xf32> to vector<1x16xf32>
      tpu.vector_store %arg9[%swap3A_38, %swap3A_39], %swap3A_42 {strides = array<i32>} : memref<128x32xf32, #tpu.memory_space<vmem>>, vector<1x16xf32>,
      %scan3A_43 = arith.constant 0 : i32
      scf.yield %scan3A_43 : i32
    }
    %scan3A_6 = arith.constant 128 : i32
    %scan3A_7 = arith.constant 0 : i32
    %scan3A_8 = arith.constant 0 : i32
    %scan3A_9 = arith.constant 25 : i32
    %scan3A_10 = arith.addi %scan3A_8, %scan3A_9 : i32
    %scan3A_11 = arith.constant 1 : i32
    %scan3A_12 = scf.for %scan3A_32 = %scan3A_8 to %scan3A_10 step %scan3A_11 iter_args(%scan3A_33 = %scan3A_7) -> (i32)  : i32 {
      %mul3A_34 = arith.constant 3200 : i32
      %mul3A_35 = arith.muli %arg1, %mul3A_34 : i32
      %mul3A_36 = arith.constant 128 : i32
      %mul3A_37 = arith.muli %scan3A_32, %mul3A_36 : i32
      %add3A = arith.addi %mul3A_35, %mul3A_37 : i32
      %dma_start3A = arith.constant 0 : i32
      %dma_start3A_38 = tpu.memref_slice %arg7[%add3A, %dma_start3A] : memref<51200x32xf32, #tpu.memory_space<vmem_shared>> -> memref<128x32xf32, #tpu.memory_space<vmem_shared>>
      %dma_start3A_39 = arith.constant 0 : i32
      %dma_start3A_40 = tpu.memref_slice %arg7[%add3A, %dma_start3A_39] : memref<51200x32xf32, #tpu.memory_space<vmem_shared>> -> memref<128x32xf32, #tpu.memory_space<vmem_shared>>
      tpu.enqueue_dma source(%arg9 : memref<128x32xf32, #tpu.memory_space<vmem>>) target(%dma_start3A_40 : memref<128x32xf32, #tpu.memory_space<vmem_shared>>) target_semaphore(%arg18 : memref<!tpu.dma_semaphore, #tpu.memory_space<semaphore_mem>>)
      %scan3A_41 = arith.constant 0 : i32
      scf.yield %scan3A_41 : i32
    }
    %scan3A_13 = arith.constant 25 : i32
    %mul3A = arith.constant 392 : i32
    %mul3A_14 = arith.muli %arg1, %mul3A : i32
    %eq3A = arith.constant 0 : i32
    %eq3A_15 = arith.cmpi eq, %arg0, %eq3A : i32
    %convert_element_type3A = arith.extui %eq3A_15 : i1 to i32
    %cond3A = arith.constant 0 : i32
    %cond3A_16 = arith.cmpi ne, %convert_element_type3A, %cond3A : i32
    scf.if %cond3A_16 {
      %run_scoped3A = arith.constant 0 : i32
      "tpu.region"() ({
        %run_scoped3A_98 = tpu.sem_alloc : memref<!tpu.dma_semaphore, #tpu.memory_space<semaphore_mem>>
        %dma_start3A_99 = arith.constant 0 : i32
        %dma_start3A_100 = arith.constant 0 : i32
        %dma_start3A_101 = tpu.memref_slice %arg10[%run_scoped3A, %dma_start3A_99, %dma_start3A_100] : memref<2x8x128xi32, #tpu.memory_space<vmem>> -> memref<1x8x128xi32, #tpu.memory_space<vmem>>
        %dma_start3A_102 = tpu.memref_squeeze %dma_start3A_101 : memref<1x8x128xi32, #tpu.memory_space<vmem>> -> memref<8x128xi32, #tpu.memory_space<vmem>>
        %dma_start3A_103 = arith.constant 0 : i32
        %dma_start3A_104 = tpu.memref_slice %arg4[%mul3A_14, %dma_start3A_103] : memref<6272x128xi32, #tpu.memory_space<hbm>> -> memref<8x128xi32, #tpu.memory_space<hbm>>
        %dma_start3A_105 = arith.constant 0 : i32
        %dma_start3A_106 = arith.constant 0 : i32
        %dma_start3A_107 = tpu.memref_slice %arg10[%run_scoped3A, %dma_start3A_105, %dma_start3A_106] : memref<2x8x128xi32, #tpu.memory_space<vmem>> -> memref<1x8x128xi32, #tpu.memory_space<vmem>>
        %dma_start3A_108 = tpu.memref_squeeze %dma_start3A_107 : memref<1x8x128xi32, #tpu.memory_space<vmem>> -> memref<8x128xi32, #tpu.memory_space<vmem>>
        %dma_start3A_109 = arith.constant 0 : i32
        %dma_start3A_110 = tpu.memref_slice %arg4[%mul3A_14, %dma_start3A_109] : memref<6272x128xi32, #tpu.memory_space<hbm>> -> memref<8x128xi32, #tpu.memory_space<hbm>>
        tpu.enqueue_dma source(%dma_start3A_110 : memref<8x128xi32, #tpu.memory_space<hbm>>) target(%dma_start3A_108 : memref<8x128xi32, #tpu.memory_space<vmem>>) target_semaphore(%run_scoped3A_98 : memref<!tpu.dma_semaphore, #tpu.memory_space<semaphore_mem>>)
        %dma_wait3A_111 = arith.constant 0 : i32
        %dma_wait3A_112 = arith.constant 0 : i32
        %dma_wait3A_113 = tpu.memref_slice %arg10[%run_scoped3A, %dma_wait3A_111, %dma_wait3A_112] : memref<2x8x128xi32, #tpu.memory_space<vmem>> -> memref<1x8x128xi32, #tpu.memory_space<vmem>>
        %dma_wait3A_114 = tpu.memref_squeeze %dma_wait3A_113 : memref<1x8x128xi32, #tpu.memory_space<vmem>> -> memref<8x128xi32, #tpu.memory_space<vmem>>
        %dma_wait3A_115 = arith.constant 0 : i32
        %dma_wait3A_116 = tpu.memref_slice %arg4[%mul3A_14, %dma_wait3A_115] : memref<6272x128xi32, #tpu.memory_space<hbm>> -> memref<8x128xi32, #tpu.memory_space<hbm>>
        %dma_wait3A_117 = arith.constant 0 : i32
        %dma_wait3A_118 = arith.constant 0 : i32
        %dma_wait3A_119 = tpu.memref_slice %arg10[%run_scoped3A, %dma_wait3A_117, %dma_wait3A_118] : memref<2x8x128xi32, #tpu.memory_space<vmem>> -> memref<1x8x128xi32, #tpu.memory_space<vmem>>
        %dma_wait3A_120 = tpu.memref_squeeze %dma_wait3A_119 : memref<1x8x128xi32, #tpu.memory_space<vmem>> -> memref<8x128xi32, #tpu.memory_space<vmem>>
        %dma_wait3A_121 = arith.constant 0 : i32
        %dma_wait3A_122 = tpu.memref_slice %arg4[%mul3A_14, %dma_wait3A_121] : memref<6272x128xi32, #tpu.memory_space<hbm>> -> memref<8x128xi32, #tpu.memory_space<hbm>>
        tpu.wait_dma2 semaphore(%run_scoped3A_98 : memref<!tpu.dma_semaphore, #tpu.memory_space<semaphore_mem>>) src(%dma_wait3A_122 : memref<8x128xi32, #tpu.memory_space<hbm>>) dst(%dma_wait3A_120 : memref<8x128xi32, #tpu.memory_space<vmem>>)
        tpu.yield
      }) : () -> ()
      %run_scoped3A_32 = arith.constant 0 : i32
      "tpu.region"() ({
        %run_scoped3A_98 = tpu.sem_alloc : memref<!tpu.dma_semaphore, #tpu.memory_space<semaphore_mem>>
        %dma_start3A_99 = arith.constant 0 : i32
        %dma_start3A_100 = arith.constant 0 : i32
        %dma_start3A_101 = tpu.memref_slice %arg11[%run_scoped3A_32, %dma_start3A_99, %dma_start3A_100] : memref<2x8x128xi32, #tpu.memory_space<vmem>> -> memref<1x8x128xi32, #tpu.memory_space<vmem>>
        %dma_start3A_102 = tpu.memref_squeeze %dma_start3A_101 : memref<1x8x128xi32, #tpu.memory_space<vmem>> -> memref<8x128xi32, #tpu.memory_space<vmem>>
        %dma_start3A_103 = arith.constant 0 : i32
        %dma_start3A_104 = tpu.memref_slice %arg5[%mul3A_14, %dma_start3A_103] : memref<6272x128xi32, #tpu.memory_space<hbm>> -> memref<8x128xi32, #tpu.memory_space<hbm>>
        %dma_start3A_105 = arith.constant 0 : i32
        %dma_start3A_106 = arith.constant 0 : i32
        %dma_start3A_107 = tpu.memref_slice %arg11[%run_scoped3A_32, %dma_start3A_105, %dma_start3A_106] : memref<2x8x128xi32, #tpu.memory_space<vmem>> -> memref<1x8x128xi32, #tpu.memory_space<vmem>>
        %dma_start3A_108 = tpu.memref_squeeze %dma_start3A_107 : memref<1x8x128xi32, #tpu.memory_space<vmem>> -> memref<8x128xi32, #tpu.memory_space<vmem>>
        %dma_start3A_109 = arith.constant 0 : i32
        %dma_start3A_110 = tpu.memref_slice %arg5[%mul3A_14, %dma_start3A_109] : memref<6272x128xi32, #tpu.memory_space<hbm>> -> memref<8x128xi32, #tpu.memory_space<hbm>>
        tpu.enqueue_dma source(%dma_start3A_110 : memref<8x128xi32, #tpu.memory_space<hbm>>) target(%dma_start3A_108 : memref<8x128xi32, #tpu.memory_space<vmem>>) target_semaphore(%run_scoped3A_98 : memref<!tpu.dma_semaphore, #tpu.memory_space<semaphore_mem>>)
        %dma_wait3A_111 = arith.constant 0 : i32
        %dma_wait3A_112 = arith.constant 0 : i32
        %dma_wait3A_113 = tpu.memref_slice %arg11[%run_scoped3A_32, %dma_wait3A_111, %dma_wait3A_112] : memref<2x8x128xi32, #tpu.memory_space<vmem>> -> memref<1x8x128xi32, #tpu.memory_space<vmem>>
        %dma_wait3A_114 = tpu.memref_squeeze %dma_wait3A_113 : memref<1x8x128xi32, #tpu.memory_space<vmem>> -> memref<8x128xi32, #tpu.memory_space<vmem>>
        %dma_wait3A_115 = arith.constant 0 : i32
        %dma_wait3A_116 = tpu.memref_slice %arg5[%mul3A_14, %dma_wait3A_115] : memref<6272x128xi32, #tpu.memory_space<hbm>> -> memref<8x128xi32, #tpu.memory_space<hbm>>
        %dma_wait3A_117 = arith.constant 0 : i32
        %dma_wait3A_118 = arith.constant 0 : i32
        %dma_wait3A_119 = tpu.memref_slice %arg11[%run_scoped3A_32, %dma_wait3A_117, %dma_wait3A_118] : memref<2x8x128xi32, #tpu.memory_space<vmem>> -> memref<1x8x128xi32, #tpu.memory_space<vmem>>
        %dma_wait3A_120 = tpu.memref_squeeze %dma_wait3A_119 : memref<1x8x128xi32, #tpu.memory_space<vmem>> -> memref<8x128xi32, #tpu.memory_space<vmem>>
        %dma_wait3A_121 = arith.constant 0 : i32
        %dma_wait3A_122 = tpu.memref_slice %arg5[%mul3A_14, %dma_wait3A_121] : memref<6272x128xi32, #tpu.memory_space<hbm>> -> memref<8x128xi32, #tpu.memory_space<hbm>>
        tpu.wait_dma2 semaphore(%run_scoped3A_98 : memref<!tpu.dma_semaphore, #tpu.memory_space<semaphore_mem>>) src(%dma_wait3A_122 : memref<8x128xi32, #tpu.memory_space<hbm>>) dst(%dma_wait3A_120 : memref<8x128xi32, #tpu.memory_space<vmem>>)
        tpu.yield
      }) : () -> ()
      %dma_start3A = arith.constant 0 : i32
      %dma_start3A_33 = arith.constant 0 : i32
      %dma_start3A_34 = arith.constant 0 : i32
      %dma_start3A_35 = arith.constant 0 : i32
      %dma_start3A_36 = arith.constant 0 : i32
      %dma_start3A_37 = tpu.memref_slice %arg8[%dma_start3A_34, %dma_start3A_35, %dma_start3A_36] : memref<4x128x32xf32, #tpu.memory_space<vmem>> -> memref<1x128x32xf32, #tpu.memory_space<vmem>>
      %dma_start3A_38 = tpu.memref_squeeze %dma_start3A_37 : memref<1x128x32xf32, #tpu.memory_space<vmem>> -> memref<128x32xf32, #tpu.memory_space<vmem>>
      %dma_start3A_39 = arith.constant 0 : i32
      %dma_start3A_40 = tpu.memref_slice %arg10[%dma_start3A, %dma_start3A_33, %dma_start3A_39] : memref<2x8x128xi32, #tpu.memory_space<vmem>> -> memref<1x1x128xi32, #tpu.memory_space<vmem>>
      %dma_start3A_41 = tpu.memref_squeeze %dma_start3A_40 : memref<1x1x128xi32, #tpu.memory_space<vmem>> -> memref<128xi32, #tpu.memory_space<vmem>>
      %dma_start3A_42 = arith.constant 0 : i32
      %dma_start3A_43 = arith.constant 0 : i32
      %dma_start3A_44 = tpu.memref_slice %arg2[%dma_start3A_42, %dma_start3A_43] : memref<50176x32xf32, #tpu.memory_space<hbm>> -> memref<50176x32xf32, #tpu.memory_space<hbm>>
      tpu.enqueue_indirect_dma source(%dma_start3A_44 : memref<50176x32xf32, #tpu.memory_space<hbm>>) target(%dma_start3A_38 : memref<128x32xf32, #tpu.memory_space<vmem>>) offsets(%dma_start3A_41 : memref<128xi32, #tpu.memory_space<vmem>>) semaphore(%arg12 : memref<!tpu.dma_semaphore, #tpu.memory_space<semaphore_mem>>)
      %dma_start3A_45 = arith.constant 0 : i32
      %dma_start3A_46 = arith.constant 1 : i32
      %dma_start3A_47 = arith.constant 1 : i32
      %dma_start3A_48 = arith.constant 0 : i32
      %dma_start3A_49 = arith.constant 0 : i32
      %dma_start3A_50 = tpu.memref_slice %arg8[%dma_start3A_47, %dma_start3A_48, %dma_start3A_49] : memref<4x128x32xf32, #tpu.memory_space<vmem>> -> memref<1x128x32xf32, #tpu.memory_space<vmem>>
      %dma_start3A_51 = tpu.memref_squeeze %dma_start3A_50 : memref<1x128x32xf32, #tpu.memory_space<vmem>> -> memref<128x32xf32, #tpu.memory_space<vmem>>
      %dma_start3A_52 = arith.constant 0 : i32
      %dma_start3A_53 = tpu.memref_slice %arg10[%dma_start3A_45, %dma_start3A_46, %dma_start3A_52] : memref<2x8x128xi32, #tpu.memory_space<vmem>> -> memref<1x1x128xi32, #tpu.memory_space<vmem>>
      %dma_start3A_54 = tpu.memref_squeeze %dma_start3A_53 : memref<1x1x128xi32, #tpu.memory_space<vmem>> -> memref<128xi32, #tpu.memory_space<vmem>>
      %dma_start3A_55 = arith.constant 0 : i32
      %dma_start3A_56 = arith.constant 0 : i32
      %dma_start3A_57 = tpu.memref_slice %arg2[%dma_start3A_55, %dma_start3A_56] : memref<50176x32xf32, #tpu.memory_space<hbm>> -> memref<50176x32xf32, #tpu.memory_space<hbm>>
      tpu.enqueue_indirect_dma source(%dma_start3A_57 : memref<50176x32xf32, #tpu.memory_space<hbm>>) target(%dma_start3A_51 : memref<128x32xf32, #tpu.memory_space<vmem>>) offsets(%dma_start3A_54 : memref<128xi32, #tpu.memory_space<vmem>>) semaphore(%arg13 : memref<!tpu.dma_semaphore, #tpu.memory_space<semaphore_mem>>)
      %dma_start3A_58 = arith.constant 0 : i32
      %dma_start3A_59 = arith.constant 2 : i32
      %dma_start3A_60 = arith.constant 2 : i32
      %dma_start3A_61 = arith.constant 0 : i32
      %dma_start3A_62 = arith.constant 0 : i32
      %dma_start3A_63 = tpu.memref_slice %arg8[%dma_start3A_60, %dma_start3A_61, %dma_start3A_62] : memref<4x128x32xf32, #tpu.memory_space<vmem>> -> memref<1x128x32xf32, #tpu.memory_space<vmem>>
      %dma_start3A_64 = tpu.memref_squeeze %dma_start3A_63 : memref<1x128x32xf32, #tpu.memory_space<vmem>> -> memref<128x32xf32, #tpu.memory_space<vmem>>
      %dma_start3A_65 = arith.constant 0 : i32
      %dma_start3A_66 = tpu.memref_slice %arg10[%dma_start3A_58, %dma_start3A_59, %dma_start3A_65] : memref<2x8x128xi32, #tpu.memory_space<vmem>> -> memref<1x1x128xi32, #tpu.memory_space<vmem>>
      %dma_start3A_67 = tpu.memref_squeeze %dma_start3A_66 : memref<1x1x128xi32, #tpu.memory_space<vmem>> -> memref<128xi32, #tpu.memory_space<vmem>>
      %dma_start3A_68 = arith.constant 0 : i32
      %dma_start3A_69 = arith.constant 0 : i32
      %dma_start3A_70 = tpu.memref_slice %arg2[%dma_start3A_68, %dma_start3A_69] : memref<50176x32xf32, #tpu.memory_space<hbm>> -> memref<50176x32xf32, #tpu.memory_space<hbm>>
      tpu.enqueue_indirect_dma source(%dma_start3A_70 : memref<50176x32xf32, #tpu.memory_space<hbm>>) target(%dma_start3A_64 : memref<128x32xf32, #tpu.memory_space<vmem>>) offsets(%dma_start3A_67 : memref<128xi32, #tpu.memory_space<vmem>>) semaphore(%arg14 : memref<!tpu.dma_semaphore, #tpu.memory_space<semaphore_mem>>)
      %scan3A_71 = arith.constant 0 : i32
      %scan3A_72 = arith.constant 0 : i32
      %scan3A_73 = arith.constant 25 : i32
      %scan3A_74 = arith.addi %scan3A_72, %scan3A_73 : i32
      %scan3A_75 = arith.constant 1 : i32
      %scan3A_76 = scf.for %scan3A_98 = %scan3A_72 to %scan3A_74 step %scan3A_75 iter_args(%scan3A_99 = %scan3A_71) -> (i32)  : i32 {
        %mul3A_100 = arith.constant 3200 : i32
        %mul3A_101 = arith.muli %arg1, %mul3A_100 : i32
        %mul3A_102 = arith.constant 128 : i32
        %mul3A_103 = arith.muli %scan3A_98, %mul3A_102 : i32
        %add3A = arith.addi %mul3A_101, %mul3A_103 : i32
        %dma_wait3A_104 = arith.constant 0 : i32
        %dma_wait3A_105 = tpu.memref_slice %arg7[%add3A, %dma_wait3A_104] : memref<51200x32xf32, #tpu.memory_space<vmem_shared>> -> memref<128x32xf32, #tpu.memory_space<vmem_shared>>
        %dma_wait3A_106 = arith.constant 0 : i32
        %dma_wait3A_107 = tpu.memref_slice %arg7[%add3A, %dma_wait3A_106] : memref<51200x32xf32, #tpu.memory_space<vmem_shared>> -> memref<128x32xf32, #tpu.memory_space<vmem_shared>>
        tpu.wait_dma2 semaphore(%arg18 : memref<!tpu.dma_semaphore, #tpu.memory_space<semaphore_mem>>) src(%arg9 : memref<128x32xf32, #tpu.memory_space<vmem>>) dst(%dma_wait3A_107 : memref<128x32xf32, #tpu.memory_space<vmem_shared>>)
        %scan3A_108 = arith.constant 0 : i32
        scf.yield %scan3A_108 : i32
      }
      %scan3A_77 = arith.constant 25 : i32
      %barrier3A_78 = arith.constant 0 : index
      tpu.barrier barrier_id(%barrier3A_78)
      %scan3A_79 = arith.constant 0 : i32
      %scan3A_80 = arith.constant 0 : i32
      %scan3A_81 = arith.constant 49 : i32
      %scan3A_82 = arith.addi %scan3A_80, %scan3A_81 : i32
      %scan3A_83 = arith.constant 1 : i32
      %scan3A_84 = scf.for %scan3A_98 = %scan3A_80 to %scan3A_82 step %scan3A_83 iter_args(%scan3A_99 = %scan3A_79) -> (i32)  : i32 {
        %rem3A = arith.constant 2 : i32
        %rem3A_100 = arith.remsi %scan3A_98, %rem3A : i32
        %sub3A = arith.constant 1 : i32
        %sub3A_101 = arith.subi %sub3A, %rem3A_100 : i32
        %add3A = arith.constant 1 : i32
        %add3A_102 = arith.addi %scan3A_98, %add3A : i32
        %lt3A = arith.constant 49 : i32
        %lt3A_103 = arith.cmpi slt, %add3A_102, %lt3A : i32
        %convert_element_type3A_104 = arith.extui %lt3A_103 : i1 to i32
        %cond3A_105 = arith.constant 0 : i32
        %cond3A_106 = arith.cmpi ne, %convert_element_type3A_104, %cond3A_105 : i32
        scf.if %cond3A_106 {
          %add3A_469 = arith.constant 1 : i32
          %add3A_470 = arith.addi %scan3A_98, %add3A_469 : i32
          %mul3A_471 = arith.constant 8 : i32
          %mul3A_472 = arith.muli %add3A_470, %mul3A_471 : i32
          %add3A_473 = arith.addi %mul3A_14, %mul3A_472 : i32
          %dma_start3A_474 = arith.constant 0 : i32
          %dma_start3A_475 = arith.constant 0 : i32
          %dma_start3A_476 = tpu.memref_slice %arg10[%sub3A_101, %dma_start3A_474, %dma_start3A_475] : memref<2x8x128xi32, #tpu.memory_space<vmem>> -> memref<1x8x128xi32, #tpu.memory_space<vmem>>
          %dma_start3A_477 = tpu.memref_squeeze %dma_start3A_476 : memref<1x8x128xi32, #tpu.memory_space<vmem>> -> memref<8x128xi32, #tpu.memory_space<vmem>>
          %dma_start3A_478 = arith.constant 0 : i32
          %dma_start3A_479 = tpu.memref_slice %arg4[%add3A_473, %dma_start3A_478] : memref<6272x128xi32, #tpu.memory_space<hbm>> -> memref<8x128xi32, #tpu.memory_space<hbm>>
          %dma_start3A_480 = arith.constant 0 : i32
          %dma_start3A_481 = arith.constant 0 : i32
          %dma_start3A_482 = tpu.memref_slice %arg10[%sub3A_101, %dma_start3A_480, %dma_start3A_481] : memref<2x8x128xi32, #tpu.memory_space<vmem>> -> memref<1x8x128xi32, #tpu.memory_space<vmem>>
          %dma_start3A_483 = tpu.memref_squeeze %dma_start3A_482 : memref<1x8x128xi32, #tpu.memory_space<vmem>> -> memref<8x128xi32, #tpu.memory_space<vmem>>
          %dma_start3A_484 = arith.constant 0 : i32
          %dma_start3A_485 = tpu.memref_slice %arg4[%add3A_473, %dma_start3A_484] : memref<6272x128xi32, #tpu.memory_space<hbm>> -> memref<8x128xi32, #tpu.memory_space<hbm>>
          tpu.enqueue_dma source(%dma_start3A_485 : memref<8x128xi32, #tpu.memory_space<hbm>>) target(%dma_start3A_483 : memref<8x128xi32, #tpu.memory_space<vmem>>) target_semaphore(%arg17 : memref<!tpu.dma_semaphore, #tpu.memory_space<semaphore_mem>>)
          %add3A_486 = arith.constant 1 : i32
          %add3A_487 = arith.addi %scan3A_98, %add3A_486 : i32
          %mul3A_488 = arith.constant 8 : i32
          %mul3A_489 = arith.muli %add3A_487, %mul3A_488 : i32
          %add3A_490 = arith.addi %mul3A_14, %mul3A_489 : i32
          %dma_start3A_491 = arith.constant 0 : i32
          %dma_start3A_492 = arith.constant 0 : i32
          %dma_start3A_493 = tpu.memref_slice %arg11[%sub3A_101, %dma_start3A_491, %dma_start3A_492] : memref<2x8x128xi32, #tpu.memory_space<vmem>> -> memref<1x8x128xi32, #tpu.memory_space<vmem>>
          %dma_start3A_494 = tpu.memref_squeeze %dma_start3A_493 : memref<1x8x128xi32, #tpu.memory_space<vmem>> -> memref<8x128xi32, #tpu.memory_space<vmem>>
          %dma_start3A_495 = arith.constant 0 : i32
          %dma_start3A_496 = tpu.memref_slice %arg5[%add3A_490, %dma_start3A_495] : memref<6272x128xi32, #tpu.memory_space<hbm>> -> memref<8x128xi32, #tpu.memory_space<hbm>>
          %dma_start3A_497 = arith.constant 0 : i32
          %dma_start3A_498 = arith.constant 0 : i32
          %dma_start3A_499 = tpu.memref_slice %arg11[%sub3A_101, %dma_start3A_497, %dma_start3A_498] : memref<2x8x128xi32, #tpu.memory_space<vmem>> -> memref<1x8x128xi32, #tpu.memory_space<vmem>>
          %dma_start3A_500 = tpu.memref_squeeze %dma_start3A_499 : memref<1x8x128xi32, #tpu.memory_space<vmem>> -> memref<8x128xi32, #tpu.memory_space<vmem>>
          %dma_start3A_501 = arith.constant 0 : i32
          %dma_start3A_502 = tpu.memref_slice %arg5[%add3A_490, %dma_start3A_501] : memref<6272x128xi32, #tpu.memory_space<hbm>> -> memref<8x128xi32, #tpu.memory_space<hbm>>
          tpu.enqueue_dma source(%dma_start3A_502 : memref<8x128xi32, #tpu.memory_space<hbm>>) target(%dma_start3A_500 : memref<8x128xi32, #tpu.memory_space<vmem>>) target_semaphore(%arg17 : memref<!tpu.dma_semaphore, #tpu.memory_space<semaphore_mem>>)
        } else {
        }
        %dma_wait3A_107 = arith.constant 0 : i32
        %dma_wait3A_108 = arith.constant 0 : i32
        %dma_wait3A_109 = arith.constant 0 : i32
        %dma_wait3A_110 = arith.constant 0 : i32
        %dma_wait3A_111 = tpu.memref_slice %arg8[%dma_wait3A_108, %dma_wait3A_109, %dma_wait3A_110] : memref<4x128x32xf32, #tpu.memory_space<vmem>> -> memref<1x128x32xf32, #tpu.memory_space<vmem>>
        %dma_wait3A_112 = tpu.memref_squeeze %dma_wait3A_111 : memref<1x128x32xf32, #tpu.memory_space<vmem>> -> memref<128x32xf32, #tpu.memory_space<vmem>>
        %dma_wait3A_113 = arith.constant 0 : i32
        %dma_wait3A_114 = tpu.memref_slice %arg10[%rem3A_100, %dma_wait3A_107, %dma_wait3A_113] : memref<2x8x128xi32, #tpu.memory_space<vmem>> -> memref<1x1x128xi32, #tpu.memory_space<vmem>>
        %dma_wait3A_115 = tpu.memref_squeeze %dma_wait3A_114 : memref<1x1x128xi32, #tpu.memory_space<vmem>> -> memref<128xi32, #tpu.memory_space<vmem>>
        %dma_wait3A_116 = arith.constant 0 : i32
        %dma_wait3A_117 = arith.constant 0 : i32
        %dma_wait3A_118 = tpu.memref_slice %arg2[%dma_wait3A_116, %dma_wait3A_117] : memref<50176x32xf32, #tpu.memory_space<hbm>> -> memref<50176x32xf32, #tpu.memory_space<hbm>>
        tpu.wait_indirect_dma semaphore(%arg12 : memref<!tpu.dma_semaphore, #tpu.memory_space<semaphore_mem>>) src(%dma_wait3A_118 : memref<50176x32xf32, #tpu.memory_space<hbm>>) dst(%dma_wait3A_112 : memref<128x32xf32, #tpu.memory_space<vmem>>)
        %gt3A = arith.constant 0 : i32
        %gt3A_119 = arith.cmpi sgt, %scan3A_98, %gt3A : i32
        %convert_element_type3A_120 = arith.extui %gt3A_119 : i1 to i32
        %cond3A_121 = arith.constant 0 : i32
        %cond3A_122 = arith.cmpi ne, %convert_element_type3A_120, %cond3A_121 : i32
        scf.if %cond3A_122 {
          %add3A_469 = arith.constant 1 : i32
          %add3A_470 = arith.addi %scan3A_98, %add3A_469 : i32
          %rem3A_471 = arith.constant 2 : i32
          %rem3A_472 = arith.remsi %add3A_470, %rem3A_471 : i32
          %dma_wait3A_473 = arith.constant 3 : i32
          %dma_wait3A_474 = arith.constant 7 : i32
          %dma_wait3A_475 = arith.constant 0 : i32
          %dma_wait3A_476 = arith.constant 0 : i32
          %dma_wait3A_477 = tpu.memref_slice %arg8[%dma_wait3A_473, %dma_wait3A_475, %dma_wait3A_476] : memref<4x128x32xf32, #tpu.memory_space<vmem>> -> memref<1x128x32xf32, #tpu.memory_space<vmem>>
          %dma_wait3A_478 = tpu.memref_squeeze %dma_wait3A_477 : memref<1x128x32xf32, #tpu.memory_space<vmem>> -> memref<128x32xf32, #tpu.memory_space<vmem>>
          %dma_wait3A_479 = arith.constant 0 : i32
          %dma_wait3A_480 = tpu.memref_slice %arg11[%rem3A_472, %dma_wait3A_474, %dma_wait3A_479] : memref<2x8x128xi32, #tpu.memory_space<vmem>> -> memref<1x1x128xi32, #tpu.memory_space<vmem>>
          %dma_wait3A_481 = tpu.memref_squeeze %dma_wait3A_480 : memref<1x1x128xi32, #tpu.memory_space<vmem>> -> memref<128xi32, #tpu.memory_space<vmem>>
          %dma_wait3A_482 = arith.constant 0 : i32
          %dma_wait3A_483 = arith.constant 0 : i32
          %dma_wait3A_484 = tpu.memref_slice %arg7[%dma_wait3A_482, %dma_wait3A_483] : memref<51200x32xf32, #tpu.memory_space<vmem_shared>> -> memref<51200x32xf32, #tpu.memory_space<vmem_shared>>
          tpu.wait_indirect_dma semaphore(%arg16 : memref<!tpu.dma_semaphore, #tpu.memory_space<semaphore_mem>>) src(%dma_wait3A_478 : memref<128x32xf32, #tpu.memory_space<vmem>>) dst(%dma_wait3A_484 : memref<51200x32xf32, #tpu.memory_space<vmem_shared>>)
        } else {
        }
        %dma_start3A_123 = arith.constant 3 : i32
        %dma_start3A_124 = arith.constant 3 : i32
        %dma_start3A_125 = arith.constant 0 : i32
        %dma_start3A_126 = arith.constant 0 : i32
        %dma_start3A_127 = tpu.memref_slice %arg8[%dma_start3A_124, %dma_start3A_125, %dma_start3A_126] : memref<4x128x32xf32, #tpu.memory_space<vmem>> -> memref<1x128x32xf32, #tpu.memory_space<vmem>>
        %dma_start3A_128 = tpu.memref_squeeze %dma_start3A_127 : memref<1x128x32xf32, #tpu.memory_space<vmem>> -> memref<128x32xf32, #tpu.memory_space<vmem>>
        %dma_start3A_129 = arith.constant 0 : i32
        %dma_start3A_130 = tpu.memref_slice %arg10[%rem3A_100, %dma_start3A_123, %dma_start3A_129] : memref<2x8x128xi32, #tpu.memory_space<vmem>> -> memref<1x1x128xi32, #tpu.memory_space<vmem>>
        %dma_start3A_131 = tpu.memref_squeeze %dma_start3A_130 : memref<1x1x128xi32, #tpu.memory_space<vmem>> -> memref<128xi32, #tpu.memory_space<vmem>>
        %dma_start3A_132 = arith.constant 0 : i32
        %dma_start3A_133 = arith.constant 0 : i32
        %dma_start3A_134 = tpu.memref_slice %arg2[%dma_start3A_132, %dma_start3A_133] : memref<50176x32xf32, #tpu.memory_space<hbm>> -> memref<50176x32xf32, #tpu.memory_space<hbm>>
        tpu.enqueue_indirect_dma source(%dma_start3A_134 : memref<50176x32xf32, #tpu.memory_space<hbm>>) target(%dma_start3A_128 : memref<128x32xf32, #tpu.memory_space<vmem>>) offsets(%dma_start3A_131 : memref<128xi32, #tpu.memory_space<vmem>>) semaphore(%arg15 : memref<!tpu.dma_semaphore, #tpu.memory_space<semaphore_mem>>)
        %dma_start3A_135 = arith.constant 0 : i32
        %dma_start3A_136 = arith.constant 0 : i32
        %dma_start3A_137 = arith.constant 0 : i32
        %dma_start3A_138 = arith.constant 0 : i32
        %dma_start3A_139 = tpu.memref_slice %arg8[%dma_start3A_135, %dma_start3A_137, %dma_start3A_138] : memref<4x128x32xf32, #tpu.memory_space<vmem>> -> memref<1x128x32xf32, #tpu.memory_space<vmem>>
        %dma_start3A_140 = tpu.memref_squeeze %dma_start3A_139 : memref<1x128x32xf32, #tpu.memory_space<vmem>> -> memref<128x32xf32, #tpu.memory_space<vmem>>
        %dma_start3A_141 = arith.constant 0 : i32
        %dma_start3A_142 = tpu.memref_slice %arg11[%rem3A_100, %dma_start3A_136, %dma_start3A_141] : memref<2x8x128xi32, #tpu.memory_space<vmem>> -> memref<1x1x128xi32, #tpu.memory_space<vmem>>
        %dma_start3A_143 = tpu.memref_squeeze %dma_start3A_142 : memref<1x1x128xi32, #tpu.memory_space<vmem>> -> memref<128xi32, #tpu.memory_space<vmem>>
        %dma_start3A_144 = arith.constant 0 : i32
        %dma_start3A_145 = arith.constant 0 : i32
        %dma_start3A_146 = tpu.memref_slice %arg7[%dma_start3A_144, %dma_start3A_145] : memref<51200x32xf32, #tpu.memory_space<vmem_shared>> -> memref<51200x32xf32, #tpu.memory_space<vmem_shared>>
        tpu.enqueue_indirect_dma source(%dma_start3A_140 : memref<128x32xf32, #tpu.memory_space<vmem>>) target(%dma_start3A_146 : memref<51200x32xf32, #tpu.memory_space<vmem_shared>>) offsets(%dma_start3A_143 : memref<128xi32, #tpu.memory_space<vmem>>) semaphore(%arg16 : memref<!tpu.dma_semaphore, #tpu.memory_space<semaphore_mem>>) {add = true}
        %dma_wait3A_147 = arith.constant 1 : i32
        %dma_wait3A_148 = arith.constant 1 : i32
        %dma_wait3A_149 = arith.constant 0 : i32
        %dma_wait3A_150 = arith.constant 0 : i32
        %dma_wait3A_151 = tpu.memref_slice %arg8[%dma_wait3A_148, %dma_wait3A_149, %dma_wait3A_150] : memref<4x128x32xf32, #tpu.memory_space<vmem>> -> memref<1x128x32xf32, #tpu.memory_space<vmem>>
        %dma_wait3A_152 = tpu.memref_squeeze %dma_wait3A_151 : memref<1x128x32xf32, #tpu.memory_space<vmem>> -> memref<128x32xf32, #tpu.memory_space<vmem>>
        %dma_wait3A_153 = arith.constant 0 : i32
        %dma_wait3A_154 = tpu.memref_slice %arg10[%rem3A_100, %dma_wait3A_147, %dma_wait3A_153] : memref<2x8x128xi32, #tpu.memory_space<vmem>> -> memref<1x1x128xi32, #tpu.memory_space<vmem>>
        %dma_wait3A_155 = tpu.memref_squeeze %dma_wait3A_154 : memref<1x1x128xi32, #tpu.memory_space<vmem>> -> memref<128xi32, #tpu.memory_space<vmem>>
        %dma_wait3A_156 = arith.constant 0 : i32
        %dma_wait3A_157 = arith.constant 0 : i32
        %dma_wait3A_158 = tpu.memref_slice %arg2[%dma_wait3A_156, %dma_wait3A_157] : memref<50176x32xf32, #tpu.memory_space<hbm>> -> memref<50176x32xf32, #tpu.memory_space<hbm>>
        tpu.wait_indirect_dma semaphore(%arg13 : memref<!tpu.dma_semaphore, #tpu.memory_space<semaphore_mem>>) src(%dma_wait3A_158 : memref<50176x32xf32, #tpu.memory_space<hbm>>) dst(%dma_wait3A_152 : memref<128x32xf32, #tpu.memory_space<vmem>>)
        %dma_wait3A_159 = arith.constant 0 : i32
        %dma_wait3A_160 = arith.constant 0 : i32
        %dma_wait3A_161 = arith.constant 0 : i32
        %dma_wait3A_162 = arith.constant 0 : i32
        %dma_wait3A_163 = tpu.memref_slice %arg8[%dma_wait3A_159, %dma_wait3A_161, %dma_wait3A_162] : memref<4x128x32xf32, #tpu.memory_space<vmem>> -> memref<1x128x32xf32, #tpu.memory_space<vmem>>
        %dma_wait3A_164 = tpu.memref_squeeze %dma_wait3A_163 : memref<1x128x32xf32, #tpu.memory_space<vmem>> -> memref<128x32xf32, #tpu.memory_space<vmem>>
        %dma_wait3A_165 = arith.constant 0 : i32
        %dma_wait3A_166 = tpu.memref_slice %arg11[%rem3A_100, %dma_wait3A_160, %dma_wait3A_165] : memref<2x8x128xi32, #tpu.memory_space<vmem>> -> memref<1x1x128xi32, #tpu.memory_space<vmem>>
        %dma_wait3A_167 = tpu.memref_squeeze %dma_wait3A_166 : memref<1x1x128xi32, #tpu.memory_space<vmem>> -> memref<128xi32, #tpu.memory_space<vmem>>
        %dma_wait3A_168 = arith.constant 0 : i32
        %dma_wait3A_169 = arith.constant 0 : i32
        %dma_wait3A_170 = tpu.memref_slice %arg7[%dma_wait3A_168, %dma_wait3A_169] : memref<51200x32xf32, #tpu.memory_space<vmem_shared>> -> memref<51200x32xf32, #tpu.memory_space<vmem_shared>>
        tpu.wait_indirect_dma semaphore(%arg16 : memref<!tpu.dma_semaphore, #tpu.memory_space<semaphore_mem>>) src(%dma_wait3A_164 : memref<128x32xf32, #tpu.memory_space<vmem>>) dst(%dma_wait3A_170 : memref<51200x32xf32, #tpu.memory_space<vmem_shared>>)
        %dma_start3A_171 = arith.constant 4 : i32
        %dma_start3A_172 = arith.constant 0 : i32
        %dma_start3A_173 = arith.constant 0 : i32
        %dma_start3A_174 = arith.constant 0 : i32
        %dma_start3A_175 = tpu.memref_slice %arg8[%dma_start3A_172, %dma_start3A_173, %dma_start3A_174] : memref<4x128x32xf32, #tpu.memory_space<vmem>> -> memref<1x128x32xf32, #tpu.memory_space<vmem>>
        %dma_start3A_176 = tpu.memref_squeeze %dma_start3A_175 : memref<1x128x32xf32, #tpu.memory_space<vmem>> -> memref<128x32xf32, #tpu.memory_space<vmem>>
        %dma_start3A_177 = arith.constant 0 : i32
        %dma_start3A_178 = tpu.memref_slice %arg10[%rem3A_100, %dma_start3A_171, %dma_start3A_177] : memref<2x8x128xi32, #tpu.memory_space<vmem>> -> memref<1x1x128xi32, #tpu.memory_space<vmem>>
        %dma_start3A_179 = tpu.memref_squeeze %dma_start3A_178 : memref<1x1x128xi32, #tpu.memory_space<vmem>> -> memref<128xi32, #tpu.memory_space<vmem>>
        %dma_start3A_180 = arith.constant 0 : i32
        %dma_start3A_181 = arith.constant 0 : i32
        %dma_start3A_182 = tpu.memref_slice %arg2[%dma_start3A_180, %dma_start3A_181] : memref<50176x32xf32, #tpu.memory_space<hbm>> -> memref<50176x32xf32, #tpu.memory_space<hbm>>
        tpu.enqueue_indirect_dma source(%dma_start3A_182 : memref<50176x32xf32, #tpu.memory_space<hbm>>) target(%dma_start3A_176 : memref<128x32xf32, #tpu.memory_space<vmem>>) offsets(%dma_start3A_179 : memref<128xi32, #tpu.memory_space<vmem>>) semaphore(%arg12 : memref<!tpu.dma_semaphore, #tpu.memory_space<semaphore_mem>>)
        %dma_start3A_183 = arith.constant 1 : i32
        %dma_start3A_184 = arith.constant 1 : i32
        %dma_start3A_185 = arith.constant 0 : i32
        %dma_start3A_186 = arith.constant 0 : i32
        %dma_start3A_187 = tpu.memref_slice %arg8[%dma_start3A_183, %dma_start3A_185, %dma_start3A_186] : memref<4x128x32xf32, #tpu.memory_space<vmem>> -> memref<1x128x32xf32, #tpu.memory_space<vmem>>
        %dma_start3A_188 = tpu.memref_squeeze %dma_start3A_187 : memref<1x128x32xf32, #tpu.memory_space<vmem>> -> memref<128x32xf32, #tpu.memory_space<vmem>>
        %dma_start3A_189 = arith.constant 0 : i32
        %dma_start3A_190 = tpu.memref_slice %arg11[%rem3A_100, %dma_start3A_184, %dma_start3A_189] : memref<2x8x128xi32, #tpu.memory_space<vmem>> -> memref<1x1x128xi32, #tpu.memory_space<vmem>>
        %dma_start3A_191 = tpu.memref_squeeze %dma_start3A_190 : memref<1x1x128xi32, #tpu.memory_space<vmem>> -> memref<128xi32, #tpu.memory_space<vmem>>
        %dma_start3A_192 = arith.constant 0 : i32
        %dma_start3A_193 = arith.constant 0 : i32
        %dma_start3A_194 = tpu.memref_slice %arg7[%dma_start3A_192, %dma_start3A_193] : memref<51200x32xf32, #tpu.memory_space<vmem_shared>> -> memref<51200x32xf32, #tpu.memory_space<vmem_shared>>
        tpu.enqueue_indirect_dma source(%dma_start3A_188 : memref<128x32xf32, #tpu.memory_space<vmem>>) target(%dma_start3A_194 : memref<51200x32xf32, #tpu.memory_space<vmem_shared>>) offsets(%dma_start3A_191 : memref<128xi32, #tpu.memory_space<vmem>>) semaphore(%arg16 : memref<!tpu.dma_semaphore, #tpu.memory_space<semaphore_mem>>) {add = true}
        %dma_wait3A_195 = arith.constant 2 : i32
        %dma_wait3A_196 = arith.constant 2 : i32
        %dma_wait3A_197 = arith.constant 0 : i32
        %dma_wait3A_198 = arith.constant 0 : i32
        %dma_wait3A_199 = tpu.memref_slice %arg8[%dma_wait3A_196, %dma_wait3A_197, %dma_wait3A_198] : memref<4x128x32xf32, #tpu.memory_space<vmem>> -> memref<1x128x32xf32, #tpu.memory_space<vmem>>
        %dma_wait3A_200 = tpu.memref_squeeze %dma_wait3A_199 : memref<1x128x32xf32, #tpu.memory_space<vmem>> -> memref<128x32xf32, #tpu.memory_space<vmem>>
        %dma_wait3A_201 = arith.constant 0 : i32
        %dma_wait3A_202 = tpu.memref_slice %arg10[%rem3A_100, %dma_wait3A_195, %dma_wait3A_201] : memref<2x8x128xi32, #tpu.memory_space<vmem>> -> memref<1x1x128xi32, #tpu.memory_space<vmem>>
        %dma_wait3A_203 = tpu.memref_squeeze %dma_wait3A_202 : memref<1x1x128xi32, #tpu.memory_space<vmem>> -> memref<128xi32, #tpu.memory_space<vmem>>
        %dma_wait3A_204 = arith.constant 0 : i32
        %dma_wait3A_205 = arith.constant 0 : i32
        %dma_wait3A_206 = tpu.memref_slice %arg2[%dma_wait3A_204, %dma_wait3A_205] : memref<50176x32xf32, #tpu.memory_space<hbm>> -> memref<50176x32xf32, #tpu.memory_space<hbm>>
        tpu.wait_indirect_dma semaphore(%arg14 : memref<!tpu.dma_semaphore, #tpu.memory_space<semaphore_mem>>) src(%dma_wait3A_206 : memref<50176x32xf32, #tpu.memory_space<hbm>>) dst(%dma_wait3A_200 : memref<128x32xf32, #tpu.memory_space<vmem>>)
        %dma_wait3A_207 = arith.constant 1 : i32
        %dma_wait3A_208 = arith.constant 1 : i32
        %dma_wait3A_209 = arith.constant 0 : i32
        %dma_wait3A_210 = arith.constant 0 : i32
        %dma_wait3A_211 = tpu.memref_slice %arg8[%dma_wait3A_207, %dma_wait3A_209, %dma_wait3A_210] : memref<4x128x32xf32, #tpu.memory_space<vmem>> -> memref<1x128x32xf32, #tpu.memory_space<vmem>>
        %dma_wait3A_212 = tpu.memref_squeeze %dma_wait3A_211 : memref<1x128x32xf32, #tpu.memory_space<vmem>> -> memref<128x32xf32, #tpu.memory_space<vmem>>
        %dma_wait3A_213 = arith.constant 0 : i32
        %dma_wait3A_214 = tpu.memref_slice %arg11[%rem3A_100, %dma_wait3A_208, %dma_wait3A_213] : memref<2x8x128xi32, #tpu.memory_space<vmem>> -> memref<1x1x128xi32, #tpu.memory_space<vmem>>
        %dma_wait3A_215 = tpu.memref_squeeze %dma_wait3A_214 : memref<1x1x128xi32, #tpu.memory_space<vmem>> -> memref<128xi32, #tpu.memory_space<vmem>>
        %dma_wait3A_216 = arith.constant 0 : i32
        %dma_wait3A_217 = arith.constant 0 : i32
        %dma_wait3A_218 = tpu.memref_slice %arg7[%dma_wait3A_216, %dma_wait3A_217] : memref<51200x32xf32, #tpu.memory_space<vmem_shared>> -> memref<51200x32xf32, #tpu.memory_space<vmem_shared>>
        tpu.wait_indirect_dma semaphore(%arg16 : memref<!tpu.dma_semaphore, #tpu.memory_space<semaphore_mem>>) src(%dma_wait3A_212 : memref<128x32xf32, #tpu.memory_space<vmem>>) dst(%dma_wait3A_218 : memref<51200x32xf32, #tpu.memory_space<vmem_shared>>)
        %dma_start3A_219 = arith.constant 5 : i32
        %dma_start3A_220 = arith.constant 1 : i32
        %dma_start3A_221 = arith.constant 0 : i32
        %dma_start3A_222 = arith.constant 0 : i32
        %dma_start3A_223 = tpu.memref_slice %arg8[%dma_start3A_220, %dma_start3A_221, %dma_start3A_222] : memref<4x128x32xf32, #tpu.memory_space<vmem>> -> memref<1x128x32xf32, #tpu.memory_space<vmem>>
        %dma_start3A_224 = tpu.memref_squeeze %dma_start3A_223 : memref<1x128x32xf32, #tpu.memory_space<vmem>> -> memref<128x32xf32, #tpu.memory_space<vmem>>
        %dma_start3A_225 = arith.constant 0 : i32
        %dma_start3A_226 = tpu.memref_slice %arg10[%rem3A_100, %dma_start3A_219, %dma_start3A_225] : memref<2x8x128xi32, #tpu.memory_space<vmem>> -> memref<1x1x128xi32, #tpu.memory_space<vmem>>
        %dma_start3A_227 = tpu.memref_squeeze %dma_start3A_226 : memref<1x1x128xi32, #tpu.memory_space<vmem>> -> memref<128xi32, #tpu.memory_space<vmem>>
        %dma_start3A_228 = arith.constant 0 : i32
        %dma_start3A_229 = arith.constant 0 : i32
        %dma_start3A_230 = tpu.memref_slice %arg2[%dma_start3A_228, %dma_start3A_229] : memref<50176x32xf32, #tpu.memory_space<hbm>> -> memref<50176x32xf32, #tpu.memory_space<hbm>>
        tpu.enqueue_indirect_dma source(%dma_start3A_230 : memref<50176x32xf32, #tpu.memory_space<hbm>>) target(%dma_start3A_224 : memref<128x32xf32, #tpu.memory_space<vmem>>) offsets(%dma_start3A_227 : memref<128xi32, #tpu.memory_space<vmem>>) semaphore(%arg13 : memref<!tpu.dma_semaphore, #tpu.memory_space<semaphore_mem>>)
        %dma_start3A_231 = arith.constant 2 : i32
        %dma_start3A_232 = arith.constant 2 : i32
        %dma_start3A_233 = arith.constant 0 : i32
        %dma_start3A_234 = arith.constant 0 : i32
        %dma_start3A_235 = tpu.memref_slice %arg8[%dma_start3A_231, %dma_start3A_233, %dma_start3A_234] : memref<4x128x32xf32, #tpu.memory_space<vmem>> -> memref<1x128x32xf32, #tpu.memory_space<vmem>>
        %dma_start3A_236 = tpu.memref_squeeze %dma_start3A_235 : memref<1x128x32xf32, #tpu.memory_space<vmem>> -> memref<128x32xf32, #tpu.memory_space<vmem>>
        %dma_start3A_237 = arith.constant 0 : i32
        %dma_start3A_238 = tpu.memref_slice %arg11[%rem3A_100, %dma_start3A_232, %dma_start3A_237] : memref<2x8x128xi32, #tpu.memory_space<vmem>> -> memref<1x1x128xi32, #tpu.memory_space<vmem>>
        %dma_start3A_239 = tpu.memref_squeeze %dma_start3A_238 : memref<1x1x128xi32, #tpu.memory_space<vmem>> -> memref<128xi32, #tpu.memory_space<vmem>>
        %dma_start3A_240 = arith.constant 0 : i32
        %dma_start3A_241 = arith.constant 0 : i32
        %dma_start3A_242 = tpu.memref_slice %arg7[%dma_start3A_240, %dma_start3A_241] : memref<51200x32xf32, #tpu.memory_space<vmem_shared>> -> memref<51200x32xf32, #tpu.memory_space<vmem_shared>>
        tpu.enqueue_indirect_dma source(%dma_start3A_236 : memref<128x32xf32, #tpu.memory_space<vmem>>) target(%dma_start3A_242 : memref<51200x32xf32, #tpu.memory_space<vmem_shared>>) offsets(%dma_start3A_239 : memref<128xi32, #tpu.memory_space<vmem>>) semaphore(%arg16 : memref<!tpu.dma_semaphore, #tpu.memory_space<semaphore_mem>>) {add = true}
        %dma_wait3A_243 = arith.constant 3 : i32
        %dma_wait3A_244 = arith.constant 3 : i32
        %dma_wait3A_245 = arith.constant 0 : i32
        %dma_wait3A_246 = arith.constant 0 : i32
        %dma_wait3A_247 = tpu.memref_slice %arg8[%dma_wait3A_244, %dma_wait3A_245, %dma_wait3A_246] : memref<4x128x32xf32, #tpu.memory_space<vmem>> -> memref<1x128x32xf32, #tpu.memory_space<vmem>>
        %dma_wait3A_248 = tpu.memref_squeeze %dma_wait3A_247 : memref<1x128x32xf32, #tpu.memory_space<vmem>> -> memref<128x32xf32, #tpu.memory_space<vmem>>
        %dma_wait3A_249 = arith.constant 0 : i32
        %dma_wait3A_250 = tpu.memref_slice %arg10[%rem3A_100, %dma_wait3A_243, %dma_wait3A_249] : memref<2x8x128xi32, #tpu.memory_space<vmem>> -> memref<1x1x128xi32, #tpu.memory_space<vmem>>
        %dma_wait3A_251 = tpu.memref_squeeze %dma_wait3A_250 : memref<1x1x128xi32, #tpu.memory_space<vmem>> -> memref<128xi32, #tpu.memory_space<vmem>>
        %dma_wait3A_252 = arith.constant 0 : i32
        %dma_wait3A_253 = arith.constant 0 : i32
        %dma_wait3A_254 = tpu.memref_slice %arg2[%dma_wait3A_252, %dma_wait3A_253] : memref<50176x32xf32, #tpu.memory_space<hbm>> -> memref<50176x32xf32, #tpu.memory_space<hbm>>
        tpu.wait_indirect_dma semaphore(%arg15 : memref<!tpu.dma_semaphore, #tpu.memory_space<semaphore_mem>>) src(%dma_wait3A_254 : memref<50176x32xf32, #tpu.memory_space<hbm>>) dst(%dma_wait3A_248 : memref<128x32xf32, #tpu.memory_space<vmem>>)
        %dma_wait3A_255 = arith.constant 2 : i32
        %dma_wait3A_256 = arith.constant 2 : i32
        %dma_wait3A_257 = arith.constant 0 : i32
        %dma_wait3A_258 = arith.constant 0 : i32
        %dma_wait3A_259 = tpu.memref_slice %arg8[%dma_wait3A_255, %dma_wait3A_257, %dma_wait3A_258] : memref<4x128x32xf32, #tpu.memory_space<vmem>> -> memref<1x128x32xf32, #tpu.memory_space<vmem>>
        %dma_wait3A_260 = tpu.memref_squeeze %dma_wait3A_259 : memref<1x128x32xf32, #tpu.memory_space<vmem>> -> memref<128x32xf32, #tpu.memory_space<vmem>>
        %dma_wait3A_261 = arith.constant 0 : i32
        %dma_wait3A_262 = tpu.memref_slice %arg11[%rem3A_100, %dma_wait3A_256, %dma_wait3A_261] : memref<2x8x128xi32, #tpu.memory_space<vmem>> -> memref<1x1x128xi32, #tpu.memory_space<vmem>>
        %dma_wait3A_263 = tpu.memref_squeeze %dma_wait3A_262 : memref<1x1x128xi32, #tpu.memory_space<vmem>> -> memref<128xi32, #tpu.memory_space<vmem>>
        %dma_wait3A_264 = arith.constant 0 : i32
        %dma_wait3A_265 = arith.constant 0 : i32
        %dma_wait3A_266 = tpu.memref_slice %arg7[%dma_wait3A_264, %dma_wait3A_265] : memref<51200x32xf32, #tpu.memory_space<vmem_shared>> -> memref<51200x32xf32, #tpu.memory_space<vmem_shared>>
        tpu.wait_indirect_dma semaphore(%arg16 : memref<!tpu.dma_semaphore, #tpu.memory_space<semaphore_mem>>) src(%dma_wait3A_260 : memref<128x32xf32, #tpu.memory_space<vmem>>) dst(%dma_wait3A_266 : memref<51200x32xf32, #tpu.memory_space<vmem_shared>>)
        %dma_start3A_267 = arith.constant 6 : i32
        %dma_start3A_268 = arith.constant 2 : i32
        %dma_start3A_269 = arith.constant 0 : i32
        %dma_start3A_270 = arith.constant 0 : i32
        %dma_start3A_271 = tpu.memref_slice %arg8[%dma_start3A_268, %dma_start3A_269, %dma_start3A_270] : memref<4x128x32xf32, #tpu.memory_space<vmem>> -> memref<1x128x32xf32, #tpu.memory_space<vmem>>
        %dma_start3A_272 = tpu.memref_squeeze %dma_start3A_271 : memref<1x128x32xf32, #tpu.memory_space<vmem>> -> memref<128x32xf32, #tpu.memory_space<vmem>>
        %dma_start3A_273 = arith.constant 0 : i32
        %dma_start3A_274 = tpu.memref_slice %arg10[%rem3A_100, %dma_start3A_267, %dma_start3A_273] : memref<2x8x128xi32, #tpu.memory_space<vmem>> -> memref<1x1x128xi32, #tpu.memory_space<vmem>>
        %dma_start3A_275 = tpu.memref_squeeze %dma_start3A_274 : memref<1x1x128xi32, #tpu.memory_space<vmem>> -> memref<128xi32, #tpu.memory_space<vmem>>
        %dma_start3A_276 = arith.constant 0 : i32
        %dma_start3A_277 = arith.constant 0 : i32
        %dma_start3A_278 = tpu.memref_slice %arg2[%dma_start3A_276, %dma_start3A_277] : memref<50176x32xf32, #tpu.memory_space<hbm>> -> memref<50176x32xf32, #tpu.memory_space<hbm>>
        tpu.enqueue_indirect_dma source(%dma_start3A_278 : memref<50176x32xf32, #tpu.memory_space<hbm>>) target(%dma_start3A_272 : memref<128x32xf32, #tpu.memory_space<vmem>>) offsets(%dma_start3A_275 : memref<128xi32, #tpu.memory_space<vmem>>) semaphore(%arg14 : memref<!tpu.dma_semaphore, #tpu.memory_space<semaphore_mem>>)
        %dma_start3A_279 = arith.constant 3 : i32
        %dma_start3A_280 = arith.constant 3 : i32
        %dma_start3A_281 = arith.constant 0 : i32
        %dma_start3A_282 = arith.constant 0 : i32
        %dma_start3A_283 = tpu.memref_slice %arg8[%dma_start3A_279, %dma_start3A_281, %dma_start3A_282] : memref<4x128x32xf32, #tpu.memory_space<vmem>> -> memref<1x128x32xf32, #tpu.memory_space<vmem>>
        %dma_start3A_284 = tpu.memref_squeeze %dma_start3A_283 : memref<1x128x32xf32, #tpu.memory_space<vmem>> -> memref<128x32xf32, #tpu.memory_space<vmem>>
        %dma_start3A_285 = arith.constant 0 : i32
        %dma_start3A_286 = tpu.memref_slice %arg11[%rem3A_100, %dma_start3A_280, %dma_start3A_285] : memref<2x8x128xi32, #tpu.memory_space<vmem>> -> memref<1x1x128xi32, #tpu.memory_space<vmem>>
        %dma_start3A_287 = tpu.memref_squeeze %dma_start3A_286 : memref<1x1x128xi32, #tpu.memory_space<vmem>> -> memref<128xi32, #tpu.memory_space<vmem>>
        %dma_start3A_288 = arith.constant 0 : i32
        %dma_start3A_289 = arith.constant 0 : i32
        %dma_start3A_290 = tpu.memref_slice %arg7[%dma_start3A_288, %dma_start3A_289] : memref<51200x32xf32, #tpu.memory_space<vmem_shared>> -> memref<51200x32xf32, #tpu.memory_space<vmem_shared>>
        tpu.enqueue_indirect_dma source(%dma_start3A_284 : memref<128x32xf32, #tpu.memory_space<vmem>>) target(%dma_start3A_290 : memref<51200x32xf32, #tpu.memory_space<vmem_shared>>) offsets(%dma_start3A_287 : memref<128xi32, #tpu.memory_space<vmem>>) semaphore(%arg16 : memref<!tpu.dma_semaphore, #tpu.memory_space<semaphore_mem>>) {add = true}
        %dma_wait3A_291 = arith.constant 4 : i32
        %dma_wait3A_292 = arith.constant 0 : i32
        %dma_wait3A_293 = arith.constant 0 : i32
        %dma_wait3A_294 = arith.constant 0 : i32
        %dma_wait3A_295 = tpu.memref_slice %arg8[%dma_wait3A_292, %dma_wait3A_293, %dma_wait3A_294] : memref<4x128x32xf32, #tpu.memory_space<vmem>> -> memref<1x128x32xf32, #tpu.memory_space<vmem>>
        %dma_wait3A_296 = tpu.memref_squeeze %dma_wait3A_295 : memref<1x128x32xf32, #tpu.memory_space<vmem>> -> memref<128x32xf32, #tpu.memory_space<vmem>>
        %dma_wait3A_297 = arith.constant 0 : i32
        %dma_wait3A_298 = tpu.memref_slice %arg10[%rem3A_100, %dma_wait3A_291, %dma_wait3A_297] : memref<2x8x128xi32, #tpu.memory_space<vmem>> -> memref<1x1x128xi32, #tpu.memory_space<vmem>>
        %dma_wait3A_299 = tpu.memref_squeeze %dma_wait3A_298 : memref<1x1x128xi32, #tpu.memory_space<vmem>> -> memref<128xi32, #tpu.memory_space<vmem>>
        %dma_wait3A_300 = arith.constant 0 : i32
        %dma_wait3A_301 = arith.constant 0 : i32
        %dma_wait3A_302 = tpu.memref_slice %arg2[%dma_wait3A_300, %dma_wait3A_301] : memref<50176x32xf32, #tpu.memory_space<hbm>> -> memref<50176x32xf32, #tpu.memory_space<hbm>>
        tpu.wait_indirect_dma semaphore(%arg12 : memref<!tpu.dma_semaphore, #tpu.memory_space<semaphore_mem>>) src(%dma_wait3A_302 : memref<50176x32xf32, #tpu.memory_space<hbm>>) dst(%dma_wait3A_296 : memref<128x32xf32, #tpu.memory_space<vmem>>)
        %dma_wait3A_303 = arith.constant 3 : i32
        %dma_wait3A_304 = arith.constant 3 : i32
        %dma_wait3A_305 = arith.constant 0 : i32
        %dma_wait3A_306 = arith.constant 0 : i32
        %dma_wait3A_307 = tpu.memref_slice %arg8[%dma_wait3A_303, %dma_wait3A_305, %dma_wait3A_306] : memref<4x128x32xf32, #tpu.memory_space<vmem>> -> memref<1x128x32xf32, #tpu.memory_space<vmem>>
        %dma_wait3A_308 = tpu.memref_squeeze %dma_wait3A_307 : memref<1x128x32xf32, #tpu.memory_space<vmem>> -> memref<128x32xf32, #tpu.memory_space<vmem>>
        %dma_wait3A_309 = arith.constant 0 : i32
        %dma_wait3A_310 = tpu.memref_slice %arg11[%rem3A_100, %dma_wait3A_304, %dma_wait3A_309] : memref<2x8x128xi32, #tpu.memory_space<vmem>> -> memref<1x1x128xi32, #tpu.memory_space<vmem>>
        %dma_wait3A_311 = tpu.memref_squeeze %dma_wait3A_310 : memref<1x1x128xi32, #tpu.memory_space<vmem>> -> memref<128xi32, #tpu.memory_space<vmem>>
        %dma_wait3A_312 = arith.constant 0 : i32
        %dma_wait3A_313 = arith.constant 0 : i32
        %dma_wait3A_314 = tpu.memref_slice %arg7[%dma_wait3A_312, %dma_wait3A_313] : memref<51200x32xf32, #tpu.memory_space<vmem_shared>> -> memref<51200x32xf32, #tpu.memory_space<vmem_shared>>
        tpu.wait_indirect_dma semaphore(%arg16 : memref<!tpu.dma_semaphore, #tpu.memory_space<semaphore_mem>>) src(%dma_wait3A_308 : memref<128x32xf32, #tpu.memory_space<vmem>>) dst(%dma_wait3A_314 : memref<51200x32xf32, #tpu.memory_space<vmem_shared>>)
        %dma_start3A_315 = arith.constant 7 : i32
        %dma_start3A_316 = arith.constant 3 : i32
        %dma_start3A_317 = arith.constant 0 : i32
        %dma_start3A_318 = arith.constant 0 : i32
        %dma_start3A_319 = tpu.memref_slice %arg8[%dma_start3A_316, %dma_start3A_317, %dma_start3A_318] : memref<4x128x32xf32, #tpu.memory_space<vmem>> -> memref<1x128x32xf32, #tpu.memory_space<vmem>>
        %dma_start3A_320 = tpu.memref_squeeze %dma_start3A_319 : memref<1x128x32xf32, #tpu.memory_space<vmem>> -> memref<128x32xf32, #tpu.memory_space<vmem>>
        %dma_start3A_321 = arith.constant 0 : i32
        %dma_start3A_322 = tpu.memref_slice %arg10[%rem3A_100, %dma_start3A_315, %dma_start3A_321] : memref<2x8x128xi32, #tpu.memory_space<vmem>> -> memref<1x1x128xi32, #tpu.memory_space<vmem>>
        %dma_start3A_323 = tpu.memref_squeeze %dma_start3A_322 : memref<1x1x128xi32, #tpu.memory_space<vmem>> -> memref<128xi32, #tpu.memory_space<vmem>>
        %dma_start3A_324 = arith.constant 0 : i32
        %dma_start3A_325 = arith.constant 0 : i32
        %dma_start3A_326 = tpu.memref_slice %arg2[%dma_start3A_324, %dma_start3A_325] : memref<50176x32xf32, #tpu.memory_space<hbm>> -> memref<50176x32xf32, #tpu.memory_space<hbm>>
        tpu.enqueue_indirect_dma source(%dma_start3A_326 : memref<50176x32xf32, #tpu.memory_space<hbm>>) target(%dma_start3A_320 : memref<128x32xf32, #tpu.memory_space<vmem>>) offsets(%dma_start3A_323 : memref<128xi32, #tpu.memory_space<vmem>>) semaphore(%arg15 : memref<!tpu.dma_semaphore, #tpu.memory_space<semaphore_mem>>)
        %dma_start3A_327 = arith.constant 0 : i32
        %dma_start3A_328 = arith.constant 4 : i32
        %dma_start3A_329 = arith.constant 0 : i32
        %dma_start3A_330 = arith.constant 0 : i32
        %dma_start3A_331 = tpu.memref_slice %arg8[%dma_start3A_327, %dma_start3A_329, %dma_start3A_330] : memref<4x128x32xf32, #tpu.memory_space<vmem>> -> memref<1x128x32xf32, #tpu.memory_space<vmem>>
        %dma_start3A_332 = tpu.memref_squeeze %dma_start3A_331 : memref<1x128x32xf32, #tpu.memory_space<vmem>> -> memref<128x32xf32, #tpu.memory_space<vmem>>
        %dma_start3A_333 = arith.constant 0 : i32
        %dma_start3A_334 = tpu.memref_slice %arg11[%rem3A_100, %dma_start3A_328, %dma_start3A_333] : memref<2x8x128xi32, #tpu.memory_space<vmem>> -> memref<1x1x128xi32, #tpu.memory_space<vmem>>
        %dma_start3A_335 = tpu.memref_squeeze %dma_start3A_334 : memref<1x1x128xi32, #tpu.memory_space<vmem>> -> memref<128xi32, #tpu.memory_space<vmem>>
        %dma_start3A_336 = arith.constant 0 : i32
        %dma_start3A_337 = arith.constant 0 : i32
        %dma_start3A_338 = tpu.memref_slice %arg7[%dma_start3A_336, %dma_start3A_337] : memref<51200x32xf32, #tpu.memory_space<vmem_shared>> -> memref<51200x32xf32, #tpu.memory_space<vmem_shared>>
        tpu.enqueue_indirect_dma source(%dma_start3A_332 : memref<128x32xf32, #tpu.memory_space<vmem>>) target(%dma_start3A_338 : memref<51200x32xf32, #tpu.memory_space<vmem_shared>>) offsets(%dma_start3A_335 : memref<128xi32, #tpu.memory_space<vmem>>) semaphore(%arg16 : memref<!tpu.dma_semaphore, #tpu.memory_space<semaphore_mem>>) {add = true}
        %dma_wait3A_339 = arith.constant 5 : i32
        %dma_wait3A_340 = arith.constant 1 : i32
        %dma_wait3A_341 = arith.constant 0 : i32
        %dma_wait3A_342 = arith.constant 0 : i32
        %dma_wait3A_343 = tpu.memref_slice %arg8[%dma_wait3A_340, %dma_wait3A_341, %dma_wait3A_342] : memref<4x128x32xf32, #tpu.memory_space<vmem>> -> memref<1x128x32xf32, #tpu.memory_space<vmem>>
        %dma_wait3A_344 = tpu.memref_squeeze %dma_wait3A_343 : memref<1x128x32xf32, #tpu.memory_space<vmem>> -> memref<128x32xf32, #tpu.memory_space<vmem>>
        %dma_wait3A_345 = arith.constant 0 : i32
        %dma_wait3A_346 = tpu.memref_slice %arg10[%rem3A_100, %dma_wait3A_339, %dma_wait3A_345] : memref<2x8x128xi32, #tpu.memory_space<vmem>> -> memref<1x1x128xi32, #tpu.memory_space<vmem>>
        %dma_wait3A_347 = tpu.memref_squeeze %dma_wait3A_346 : memref<1x1x128xi32, #tpu.memory_space<vmem>> -> memref<128xi32, #tpu.memory_space<vmem>>
        %dma_wait3A_348 = arith.constant 0 : i32
        %dma_wait3A_349 = arith.constant 0 : i32
        %dma_wait3A_350 = tpu.memref_slice %arg2[%dma_wait3A_348, %dma_wait3A_349] : memref<50176x32xf32, #tpu.memory_space<hbm>> -> memref<50176x32xf32, #tpu.memory_space<hbm>>
        tpu.wait_indirect_dma semaphore(%arg13 : memref<!tpu.dma_semaphore, #tpu.memory_space<semaphore_mem>>) src(%dma_wait3A_350 : memref<50176x32xf32, #tpu.memory_space<hbm>>) dst(%dma_wait3A_344 : memref<128x32xf32, #tpu.memory_space<vmem>>)
        %dma_wait3A_351 = arith.constant 0 : i32
        %dma_wait3A_352 = arith.constant 4 : i32
        %dma_wait3A_353 = arith.constant 0 : i32
        %dma_wait3A_354 = arith.constant 0 : i32
        %dma_wait3A_355 = tpu.memref_slice %arg8[%dma_wait3A_351, %dma_wait3A_353, %dma_wait3A_354] : memref<4x128x32xf32, #tpu.memory_space<vmem>> -> memref<1x128x32xf32, #tpu.memory_space<vmem>>
        %dma_wait3A_356 = tpu.memref_squeeze %dma_wait3A_355 : memref<1x128x32xf32, #tpu.memory_space<vmem>> -> memref<128x32xf32, #tpu.memory_space<vmem>>
        %dma_wait3A_357 = arith.constant 0 : i32
        %dma_wait3A_358 = tpu.memref_slice %arg11[%rem3A_100, %dma_wait3A_352, %dma_wait3A_357] : memref<2x8x128xi32, #tpu.memory_space<vmem>> -> memref<1x1x128xi32, #tpu.memory_space<vmem>>
        %dma_wait3A_359 = tpu.memref_squeeze %dma_wait3A_358 : memref<1x1x128xi32, #tpu.memory_space<vmem>> -> memref<128xi32, #tpu.memory_space<vmem>>
        %dma_wait3A_360 = arith.constant 0 : i32
        %dma_wait3A_361 = arith.constant 0 : i32
        %dma_wait3A_362 = tpu.memref_slice %arg7[%dma_wait3A_360, %dma_wait3A_361] : memref<51200x32xf32, #tpu.memory_space<vmem_shared>> -> memref<51200x32xf32, #tpu.memory_space<vmem_shared>>
        tpu.wait_indirect_dma semaphore(%arg16 : memref<!tpu.dma_semaphore, #tpu.memory_space<semaphore_mem>>) src(%dma_wait3A_356 : memref<128x32xf32, #tpu.memory_space<vmem>>) dst(%dma_wait3A_362 : memref<51200x32xf32, #tpu.memory_space<vmem_shared>>)
        %add3A_363 = arith.constant 1 : i32
        %add3A_364 = arith.addi %scan3A_98, %add3A_363 : i32
        %lt3A_365 = arith.constant 49 : i32
        %lt3A_366 = arith.cmpi slt, %add3A_364, %lt3A_365 : i32
        %convert_element_type3A_367 = arith.extui %lt3A_366 : i1 to i32
        %cond3A_368 = arith.constant 0 : i32
        %cond3A_369 = arith.cmpi ne, %convert_element_type3A_367, %cond3A_368 : i32
        scf.if %cond3A_369 {
          %dma_wait3A_469 = arith.constant 0 : i32
          %dma_wait3A_470 = arith.constant 0 : i32
          %dma_wait3A_471 = tpu.memref_slice %arg10[%sub3A_101, %dma_wait3A_469, %dma_wait3A_470] : memref<2x8x128xi32, #tpu.memory_space<vmem>> -> memref<1x8x128xi32, #tpu.memory_space<vmem>>
          %dma_wait3A_472 = tpu.memref_squeeze %dma_wait3A_471 : memref<1x8x128xi32, #tpu.memory_space<vmem>> -> memref<8x128xi32, #tpu.memory_space<vmem>>
          %dma_wait3A_473 = arith.constant 0 : i32
          %dma_wait3A_474 = arith.constant 0 : i32
          %dma_wait3A_475 = tpu.memref_slice %arg4[%dma_wait3A_473, %dma_wait3A_474] : memref<6272x128xi32, #tpu.memory_space<hbm>> -> memref<8x128xi32, #tpu.memory_space<hbm>>
          %dma_wait3A_476 = arith.constant 0 : i32
          %dma_wait3A_477 = arith.constant 0 : i32
          %dma_wait3A_478 = tpu.memref_slice %arg10[%sub3A_101, %dma_wait3A_476, %dma_wait3A_477] : memref<2x8x128xi32, #tpu.memory_space<vmem>> -> memref<1x8x128xi32, #tpu.memory_space<vmem>>
          %dma_wait3A_479 = tpu.memref_squeeze %dma_wait3A_478 : memref<1x8x128xi32, #tpu.memory_space<vmem>> -> memref<8x128xi32, #tpu.memory_space<vmem>>
          %dma_wait3A_480 = arith.constant 0 : i32
          %dma_wait3A_481 = arith.constant 0 : i32
          %dma_wait3A_482 = tpu.memref_slice %arg4[%dma_wait3A_480, %dma_wait3A_481] : memref<6272x128xi32, #tpu.memory_space<hbm>> -> memref<8x128xi32, #tpu.memory_space<hbm>>
          tpu.wait_dma2 semaphore(%arg17 : memref<!tpu.dma_semaphore, #tpu.memory_space<semaphore_mem>>) src(%dma_wait3A_482 : memref<8x128xi32, #tpu.memory_space<hbm>>) dst(%dma_wait3A_479 : memref<8x128xi32, #tpu.memory_space<vmem>>)
          %dma_wait3A_483 = arith.constant 0 : i32
          %dma_wait3A_484 = arith.constant 0 : i32
          %dma_wait3A_485 = tpu.memref_slice %arg11[%sub3A_101, %dma_wait3A_483, %dma_wait3A_484] : memref<2x8x128xi32, #tpu.memory_space<vmem>> -> memref<1x8x128xi32, #tpu.memory_space<vmem>>
          %dma_wait3A_486 = tpu.memref_squeeze %dma_wait3A_485 : memref<1x8x128xi32, #tpu.memory_space<vmem>> -> memref<8x128xi32, #tpu.memory_space<vmem>>
          %dma_wait3A_487 = arith.constant 0 : i32
          %dma_wait3A_488 = arith.constant 0 : i32
          %dma_wait3A_489 = tpu.memref_slice %arg5[%dma_wait3A_487, %dma_wait3A_488] : memref<6272x128xi32, #tpu.memory_space<hbm>> -> memref<8x128xi32, #tpu.memory_space<hbm>>
          %dma_wait3A_490 = arith.constant 0 : i32
          %dma_wait3A_491 = arith.constant 0 : i32
          %dma_wait3A_492 = tpu.memref_slice %arg11[%sub3A_101, %dma_wait3A_490, %dma_wait3A_491] : memref<2x8x128xi32, #tpu.memory_space<vmem>> -> memref<1x8x128xi32, #tpu.memory_space<vmem>>
          %dma_wait3A_493 = tpu.memref_squeeze %dma_wait3A_492 : memref<1x8x128xi32, #tpu.memory_space<vmem>> -> memref<8x128xi32, #tpu.memory_space<vmem>>
          %dma_wait3A_494 = arith.constant 0 : i32
          %dma_wait3A_495 = arith.constant 0 : i32
          %dma_wait3A_496 = tpu.memref_slice %arg5[%dma_wait3A_494, %dma_wait3A_495] : memref<6272x128xi32, #tpu.memory_space<hbm>> -> memref<8x128xi32, #tpu.memory_space<hbm>>
          tpu.wait_dma2 semaphore(%arg17 : memref<!tpu.dma_semaphore, #tpu.memory_space<semaphore_mem>>) src(%dma_wait3A_496 : memref<8x128xi32, #tpu.memory_space<hbm>>) dst(%dma_wait3A_493 : memref<8x128xi32, #tpu.memory_space<vmem>>)
          %dma_start3A_497 = arith.constant 0 : i32
          %dma_start3A_498 = arith.constant 0 : i32
          %dma_start3A_499 = arith.constant 0 : i32
          %dma_start3A_500 = arith.constant 0 : i32
          %dma_start3A_501 = tpu.memref_slice %arg8[%dma_start3A_498, %dma_start3A_499, %dma_start3A_500] : memref<4x128x32xf32, #tpu.memory_space<vmem>> -> memref<1x128x32xf32, #tpu.memory_space<vmem>>
          %dma_start3A_502 = tpu.memref_squeeze %dma_start3A_501 : memref<1x128x32xf32, #tpu.memory_space<vmem>> -> memref<128x32xf32, #tpu.memory_space<vmem>>
          %dma_start3A_503 = arith.constant 0 : i32
          %dma_start3A_504 = tpu.memref_slice %arg10[%sub3A_101, %dma_start3A_497, %dma_start3A_503] : memref<2x8x128xi32, #tpu.memory_space<vmem>> -> memref<1x1x128xi32, #tpu.memory_space<vmem>>
          %dma_start3A_505 = tpu.memref_squeeze %dma_start3A_504 : memref<1x1x128xi32, #tpu.memory_space<vmem>> -> memref<128xi32, #tpu.memory_space<vmem>>
          %dma_start3A_506 = arith.constant 0 : i32
          %dma_start3A_507 = arith.constant 0 : i32
          %dma_start3A_508 = tpu.memref_slice %arg2[%dma_start3A_506, %dma_start3A_507] : memref<50176x32xf32, #tpu.memory_space<hbm>> -> memref<50176x32xf32, #tpu.memory_space<hbm>>
          tpu.enqueue_indirect_dma source(%dma_start3A_508 : memref<50176x32xf32, #tpu.memory_space<hbm>>) target(%dma_start3A_502 : memref<128x32xf32, #tpu.memory_space<vmem>>) offsets(%dma_start3A_505 : memref<128xi32, #tpu.memory_space<vmem>>) semaphore(%arg12 : memref<!tpu.dma_semaphore, #tpu.memory_space<semaphore_mem>>)
        } else {
        }
        %dma_start3A_370 = arith.constant 1 : i32
        %dma_start3A_371 = arith.constant 5 : i32
        %dma_start3A_372 = arith.constant 0 : i32
        %dma_start3A_373 = arith.constant 0 : i32
        %dma_start3A_374 = tpu.memref_slice %arg8[%dma_start3A_370, %dma_start3A_372, %dma_start3A_373] : memref<4x128x32xf32, #tpu.memory_space<vmem>> -> memref<1x128x32xf32, #tpu.memory_space<vmem>>
        %dma_start3A_375 = tpu.memref_squeeze %dma_start3A_374 : memref<1x128x32xf32, #tpu.memory_space<vmem>> -> memref<128x32xf32, #tpu.memory_space<vmem>>
        %dma_start3A_376 = arith.constant 0 : i32
        %dma_start3A_377 = tpu.memref_slice %arg11[%rem3A_100, %dma_start3A_371, %dma_start3A_376] : memref<2x8x128xi32, #tpu.memory_space<vmem>> -> memref<1x1x128xi32, #tpu.memory_space<vmem>>
        %dma_start3A_378 = tpu.memref_squeeze %dma_start3A_377 : memref<1x1x128xi32, #tpu.memory_space<vmem>> -> memref<128xi32, #tpu.memory_space<vmem>>
        %dma_start3A_379 = arith.constant 0 : i32
        %dma_start3A_380 = arith.constant 0 : i32
        %dma_start3A_381 = tpu.memref_slice %arg7[%dma_start3A_379, %dma_start3A_380] : memref<51200x32xf32, #tpu.memory_space<vmem_shared>> -> memref<51200x32xf32, #tpu.memory_space<vmem_shared>>
        tpu.enqueue_indirect_dma source(%dma_start3A_375 : memref<128x32xf32, #tpu.memory_space<vmem>>) target(%dma_start3A_381 : memref<51200x32xf32, #tpu.memory_space<vmem_shared>>) offsets(%dma_start3A_378 : memref<128xi32, #tpu.memory_space<vmem>>) semaphore(%arg16 : memref<!tpu.dma_semaphore, #tpu.memory_space<semaphore_mem>>) {add = true}
        %dma_wait3A_382 = arith.constant 6 : i32
        %dma_wait3A_383 = arith.constant 2 : i32
        %dma_wait3A_384 = arith.constant 0 : i32
        %dma_wait3A_385 = arith.constant 0 : i32
        %dma_wait3A_386 = tpu.memref_slice %arg8[%dma_wait3A_383, %dma_wait3A_384, %dma_wait3A_385] : memref<4x128x32xf32, #tpu.memory_space<vmem>> -> memref<1x128x32xf32, #tpu.memory_space<vmem>>
        %dma_wait3A_387 = tpu.memref_squeeze %dma_wait3A_386 : memref<1x128x32xf32, #tpu.memory_space<vmem>> -> memref<128x32xf32, #tpu.memory_space<vmem>>
        %dma_wait3A_388 = arith.constant 0 : i32
        %dma_wait3A_389 = tpu.memref_slice %arg10[%rem3A_100, %dma_wait3A_382, %dma_wait3A_388] : memref<2x8x128xi32, #tpu.memory_space<vmem>> -> memref<1x1x128xi32, #tpu.memory_space<vmem>>
        %dma_wait3A_390 = tpu.memref_squeeze %dma_wait3A_389 : memref<1x1x128xi32, #tpu.memory_space<vmem>> -> memref<128xi32, #tpu.memory_space<vmem>>
        %dma_wait3A_391 = arith.constant 0 : i32
        %dma_wait3A_392 = arith.constant 0 : i32
        %dma_wait3A_393 = tpu.memref_slice %arg2[%dma_wait3A_391, %dma_wait3A_392] : memref<50176x32xf32, #tpu.memory_space<hbm>> -> memref<50176x32xf32, #tpu.memory_space<hbm>>
        tpu.wait_indirect_dma semaphore(%arg14 : memref<!tpu.dma_semaphore, #tpu.memory_space<semaphore_mem>>) src(%dma_wait3A_393 : memref<50176x32xf32, #tpu.memory_space<hbm>>) dst(%dma_wait3A_387 : memref<128x32xf32, #tpu.memory_space<vmem>>)
        %dma_wait3A_394 = arith.constant 1 : i32
        %dma_wait3A_395 = arith.constant 5 : i32
        %dma_wait3A_396 = arith.constant 0 : i32
        %dma_wait3A_397 = arith.constant 0 : i32
        %dma_wait3A_398 = tpu.memref_slice %arg8[%dma_wait3A_394, %dma_wait3A_396, %dma_wait3A_397] : memref<4x128x32xf32, #tpu.memory_space<vmem>> -> memref<1x128x32xf32, #tpu.memory_space<vmem>>
        %dma_wait3A_399 = tpu.memref_squeeze %dma_wait3A_398 : memref<1x128x32xf32, #tpu.memory_space<vmem>> -> memref<128x32xf32, #tpu.memory_space<vmem>>
        %dma_wait3A_400 = arith.constant 0 : i32
        %dma_wait3A_401 = tpu.memref_slice %arg11[%rem3A_100, %dma_wait3A_395, %dma_wait3A_400] : memref<2x8x128xi32, #tpu.memory_space<vmem>> -> memref<1x1x128xi32, #tpu.memory_space<vmem>>
        %dma_wait3A_402 = tpu.memref_squeeze %dma_wait3A_401 : memref<1x1x128xi32, #tpu.memory_space<vmem>> -> memref<128xi32, #tpu.memory_space<vmem>>
        %dma_wait3A_403 = arith.constant 0 : i32
        %dma_wait3A_404 = arith.constant 0 : i32
        %dma_wait3A_405 = tpu.memref_slice %arg7[%dma_wait3A_403, %dma_wait3A_404] : memref<51200x32xf32, #tpu.memory_space<vmem_shared>> -> memref<51200x32xf32, #tpu.memory_space<vmem_shared>>
        tpu.wait_indirect_dma semaphore(%arg16 : memref<!tpu.dma_semaphore, #tpu.memory_space<semaphore_mem>>) src(%dma_wait3A_399 : memref<128x32xf32, #tpu.memory_space<vmem>>) dst(%dma_wait3A_405 : memref<51200x32xf32, #tpu.memory_space<vmem_shared>>)
        %add3A_406 = arith.constant 1 : i32
        %add3A_407 = arith.addi %scan3A_98, %add3A_406 : i32
        %lt3A_408 = arith.constant 49 : i32
        %lt3A_409 = arith.cmpi slt, %add3A_407, %lt3A_408 : i32
        %convert_element_type3A_410 = arith.extui %lt3A_409 : i1 to i32
        %cond3A_411 = arith.constant 0 : i32
        %cond3A_412 = arith.cmpi ne, %convert_element_type3A_410, %cond3A_411 : i32
        scf.if %cond3A_412 {
          %dma_start3A_469 = arith.constant 1 : i32
          %dma_start3A_470 = arith.constant 1 : i32
          %dma_start3A_471 = arith.constant 0 : i32
          %dma_start3A_472 = arith.constant 0 : i32
          %dma_start3A_473 = tpu.memref_slice %arg8[%dma_start3A_470, %dma_start3A_471, %dma_start3A_472] : memref<4x128x32xf32, #tpu.memory_space<vmem>> -> memref<1x128x32xf32, #tpu.memory_space<vmem>>
          %dma_start3A_474 = tpu.memref_squeeze %dma_start3A_473 : memref<1x128x32xf32, #tpu.memory_space<vmem>> -> memref<128x32xf32, #tpu.memory_space<vmem>>
          %dma_start3A_475 = arith.constant 0 : i32
          %dma_start3A_476 = tpu.memref_slice %arg10[%sub3A_101, %dma_start3A_469, %dma_start3A_475] : memref<2x8x128xi32, #tpu.memory_space<vmem>> -> memref<1x1x128xi32, #tpu.memory_space<vmem>>
          %dma_start3A_477 = tpu.memref_squeeze %dma_start3A_476 : memref<1x1x128xi32, #tpu.memory_space<vmem>> -> memref<128xi32, #tpu.memory_space<vmem>>
          %dma_start3A_478 = arith.constant 0 : i32
          %dma_start3A_479 = arith.constant 0 : i32
          %dma_start3A_480 = tpu.memref_slice %arg2[%dma_start3A_478, %dma_start3A_479] : memref<50176x32xf32, #tpu.memory_space<hbm>> -> memref<50176x32xf32, #tpu.memory_space<hbm>>
          tpu.enqueue_indirect_dma source(%dma_start3A_480 : memref<50176x32xf32, #tpu.memory_space<hbm>>) target(%dma_start3A_474 : memref<128x32xf32, #tpu.memory_space<vmem>>) offsets(%dma_start3A_477 : memref<128xi32, #tpu.memory_space<vmem>>) semaphore(%arg13 : memref<!tpu.dma_semaphore, #tpu.memory_space<semaphore_mem>>)
        } else {
        }
        %dma_start3A_413 = arith.constant 2 : i32
        %dma_start3A_414 = arith.constant 6 : i32
        %dma_start3A_415 = arith.constant 0 : i32
        %dma_start3A_416 = arith.constant 0 : i32
        %dma_start3A_417 = tpu.memref_slice %arg8[%dma_start3A_413, %dma_start3A_415, %dma_start3A_416] : memref<4x128x32xf32, #tpu.memory_space<vmem>> -> memref<1x128x32xf32, #tpu.memory_space<vmem>>
        %dma_start3A_418 = tpu.memref_squeeze %dma_start3A_417 : memref<1x128x32xf32, #tpu.memory_space<vmem>> -> memref<128x32xf32, #tpu.memory_space<vmem>>
        %dma_start3A_419 = arith.constant 0 : i32
        %dma_start3A_420 = tpu.memref_slice %arg11[%rem3A_100, %dma_start3A_414, %dma_start3A_419] : memref<2x8x128xi32, #tpu.memory_space<vmem>> -> memref<1x1x128xi32, #tpu.memory_space<vmem>>
        %dma_start3A_421 = tpu.memref_squeeze %dma_start3A_420 : memref<1x1x128xi32, #tpu.memory_space<vmem>> -> memref<128xi32, #tpu.memory_space<vmem>>
        %dma_start3A_422 = arith.constant 0 : i32
        %dma_start3A_423 = arith.constant 0 : i32
        %dma_start3A_424 = tpu.memref_slice %arg7[%dma_start3A_422, %dma_start3A_423] : memref<51200x32xf32, #tpu.memory_space<vmem_shared>> -> memref<51200x32xf32, #tpu.memory_space<vmem_shared>>
        tpu.enqueue_indirect_dma source(%dma_start3A_418 : memref<128x32xf32, #tpu.memory_space<vmem>>) target(%dma_start3A_424 : memref<51200x32xf32, #tpu.memory_space<vmem_shared>>) offsets(%dma_start3A_421 : memref<128xi32, #tpu.memory_space<vmem>>) semaphore(%arg16 : memref<!tpu.dma_semaphore, #tpu.memory_space<semaphore_mem>>) {add = true}
        %dma_wait3A_425 = arith.constant 7 : i32
        %dma_wait3A_426 = arith.constant 3 : i32
        %dma_wait3A_427 = arith.constant 0 : i32
        %dma_wait3A_428 = arith.constant 0 : i32
        %dma_wait3A_429 = tpu.memref_slice %arg8[%dma_wait3A_426, %dma_wait3A_427, %dma_wait3A_428] : memref<4x128x32xf32, #tpu.memory_space<vmem>> -> memref<1x128x32xf32, #tpu.memory_space<vmem>>
        %dma_wait3A_430 = tpu.memref_squeeze %dma_wait3A_429 : memref<1x128x32xf32, #tpu.memory_space<vmem>> -> memref<128x32xf32, #tpu.memory_space<vmem>>
        %dma_wait3A_431 = arith.constant 0 : i32
        %dma_wait3A_432 = tpu.memref_slice %arg10[%rem3A_100, %dma_wait3A_425, %dma_wait3A_431] : memref<2x8x128xi32, #tpu.memory_space<vmem>> -> memref<1x1x128xi32, #tpu.memory_space<vmem>>
        %dma_wait3A_433 = tpu.memref_squeeze %dma_wait3A_432 : memref<1x1x128xi32, #tpu.memory_space<vmem>> -> memref<128xi32, #tpu.memory_space<vmem>>
        %dma_wait3A_434 = arith.constant 0 : i32
        %dma_wait3A_435 = arith.constant 0 : i32
        %dma_wait3A_436 = tpu.memref_slice %arg2[%dma_wait3A_434, %dma_wait3A_435] : memref<50176x32xf32, #tpu.memory_space<hbm>> -> memref<50176x32xf32, #tpu.memory_space<hbm>>
        tpu.wait_indirect_dma semaphore(%arg15 : memref<!tpu.dma_semaphore, #tpu.memory_space<semaphore_mem>>) src(%dma_wait3A_436 : memref<50176x32xf32, #tpu.memory_space<hbm>>) dst(%dma_wait3A_430 : memref<128x32xf32, #tpu.memory_space<vmem>>)
        %dma_wait3A_437 = arith.constant 2 : i32
        %dma_wait3A_438 = arith.constant 6 : i32
        %dma_wait3A_439 = arith.constant 0 : i32
        %dma_wait3A_440 = arith.constant 0 : i32
        %dma_wait3A_441 = tpu.memref_slice %arg8[%dma_wait3A_437, %dma_wait3A_439, %dma_wait3A_440] : memref<4x128x32xf32, #tpu.memory_space<vmem>> -> memref<1x128x32xf32, #tpu.memory_space<vmem>>
        %dma_wait3A_442 = tpu.memref_squeeze %dma_wait3A_441 : memref<1x128x32xf32, #tpu.memory_space<vmem>> -> memref<128x32xf32, #tpu.memory_space<vmem>>
        %dma_wait3A_443 = arith.constant 0 : i32
        %dma_wait3A_444 = tpu.memref_slice %arg11[%rem3A_100, %dma_wait3A_438, %dma_wait3A_443] : memref<2x8x128xi32, #tpu.memory_space<vmem>> -> memref<1x1x128xi32, #tpu.memory_space<vmem>>
        %dma_wait3A_445 = tpu.memref_squeeze %dma_wait3A_444 : memref<1x1x128xi32, #tpu.memory_space<vmem>> -> memref<128xi32, #tpu.memory_space<vmem>>
        %dma_wait3A_446 = arith.constant 0 : i32
        %dma_wait3A_447 = arith.constant 0 : i32
        %dma_wait3A_448 = tpu.memref_slice %arg7[%dma_wait3A_446, %dma_wait3A_447] : memref<51200x32xf32, #tpu.memory_space<vmem_shared>> -> memref<51200x32xf32, #tpu.memory_space<vmem_shared>>
        tpu.wait_indirect_dma semaphore(%arg16 : memref<!tpu.dma_semaphore, #tpu.memory_space<semaphore_mem>>) src(%dma_wait3A_442 : memref<128x32xf32, #tpu.memory_space<vmem>>) dst(%dma_wait3A_448 : memref<51200x32xf32, #tpu.memory_space<vmem_shared>>)
        %add3A_449 = arith.constant 1 : i32
        %add3A_450 = arith.addi %scan3A_98, %add3A_449 : i32
        %lt3A_451 = arith.constant 49 : i32
        %lt3A_452 = arith.cmpi slt, %add3A_450, %lt3A_451 : i32
        %convert_element_type3A_453 = arith.extui %lt3A_452 : i1 to i32
        %cond3A_454 = arith.constant 0 : i32
        %cond3A_455 = arith.cmpi ne, %convert_element_type3A_453, %cond3A_454 : i32
        scf.if %cond3A_455 {
          %dma_start3A_469 = arith.constant 2 : i32
          %dma_start3A_470 = arith.constant 2 : i32
          %dma_start3A_471 = arith.constant 0 : i32
          %dma_start3A_472 = arith.constant 0 : i32
          %dma_start3A_473 = tpu.memref_slice %arg8[%dma_start3A_470, %dma_start3A_471, %dma_start3A_472] : memref<4x128x32xf32, #tpu.memory_space<vmem>> -> memref<1x128x32xf32, #tpu.memory_space<vmem>>
          %dma_start3A_474 = tpu.memref_squeeze %dma_start3A_473 : memref<1x128x32xf32, #tpu.memory_space<vmem>> -> memref<128x32xf32, #tpu.memory_space<vmem>>
          %dma_start3A_475 = arith.constant 0 : i32
          %dma_start3A_476 = tpu.memref_slice %arg10[%sub3A_101, %dma_start3A_469, %dma_start3A_475] : memref<2x8x128xi32, #tpu.memory_space<vmem>> -> memref<1x1x128xi32, #tpu.memory_space<vmem>>
          %dma_start3A_477 = tpu.memref_squeeze %dma_start3A_476 : memref<1x1x128xi32, #tpu.memory_space<vmem>> -> memref<128xi32, #tpu.memory_space<vmem>>
          %dma_start3A_478 = arith.constant 0 : i32
          %dma_start3A_479 = arith.constant 0 : i32
          %dma_start3A_480 = tpu.memref_slice %arg2[%dma_start3A_478, %dma_start3A_479] : memref<50176x32xf32, #tpu.memory_space<hbm>> -> memref<50176x32xf32, #tpu.memory_space<hbm>>
          tpu.enqueue_indirect_dma source(%dma_start3A_480 : memref<50176x32xf32, #tpu.memory_space<hbm>>) target(%dma_start3A_474 : memref<128x32xf32, #tpu.memory_space<vmem>>) offsets(%dma_start3A_477 : memref<128xi32, #tpu.memory_space<vmem>>) semaphore(%arg14 : memref<!tpu.dma_semaphore, #tpu.memory_space<semaphore_mem>>)
        } else {
        }
        %dma_start3A_456 = arith.constant 3 : i32
        %dma_start3A_457 = arith.constant 7 : i32
        %dma_start3A_458 = arith.constant 0 : i32
        %dma_start3A_459 = arith.constant 0 : i32
        %dma_start3A_460 = tpu.memref_slice %arg8[%dma_start3A_456, %dma_start3A_458, %dma_start3A_459] : memref<4x128x32xf32, #tpu.memory_space<vmem>> -> memref<1x128x32xf32, #tpu.memory_space<vmem>>
        %dma_start3A_461 = tpu.memref_squeeze %dma_start3A_460 : memref<1x128x32xf32, #tpu.memory_space<vmem>> -> memref<128x32xf32, #tpu.memory_space<vmem>>
        %dma_start3A_462 = arith.constant 0 : i32
        %dma_start3A_463 = tpu.memref_slice %arg11[%rem3A_100, %dma_start3A_457, %dma_start3A_462] : memref<2x8x128xi32, #tpu.memory_space<vmem>> -> memref<1x1x128xi32, #tpu.memory_space<vmem>>
        %dma_start3A_464 = tpu.memref_squeeze %dma_start3A_463 : memref<1x1x128xi32, #tpu.memory_space<vmem>> -> memref<128xi32, #tpu.memory_space<vmem>>
        %dma_start3A_465 = arith.constant 0 : i32
        %dma_start3A_466 = arith.constant 0 : i32
        %dma_start3A_467 = tpu.memref_slice %arg7[%dma_start3A_465, %dma_start3A_466] : memref<51200x32xf32, #tpu.memory_space<vmem_shared>> -> memref<51200x32xf32, #tpu.memory_space<vmem_shared>>
        tpu.enqueue_indirect_dma source(%dma_start3A_461 : memref<128x32xf32, #tpu.memory_space<vmem>>) target(%dma_start3A_467 : memref<51200x32xf32, #tpu.memory_space<vmem_shared>>) offsets(%dma_start3A_464 : memref<128xi32, #tpu.memory_space<vmem>>) semaphore(%arg16 : memref<!tpu.dma_semaphore, #tpu.memory_space<semaphore_mem>>) {add = true}
        %scan3A_468 = arith.constant 0 : i32
        scf.yield %scan3A_468 : i32
      }
      %scan3A_85 = arith.constant 49 : i32
      %dma_wait3A = arith.constant 3 : i32
      %dma_wait3A_86 = arith.constant 0 : i32
      %dma_wait3A_87 = arith.constant 7 : i32
      %dma_wait3A_88 = arith.constant 0 : i32
      %dma_wait3A_89 = arith.constant 0 : i32
      %dma_wait3A_90 = tpu.memref_slice %arg8[%dma_wait3A, %dma_wait3A_88, %dma_wait3A_89] : memref<4x128x32xf32, #tpu.memory_space<vmem>> -> memref<1x128x32xf32, #tpu.memory_space<vmem>>
      %dma_wait3A_91 = tpu.memref_squeeze %dma_wait3A_90 : memref<1x128x32xf32, #tpu.memory_space<vmem>> -> memref<128x32xf32, #tpu.memory_space<vmem>>
      %dma_wait3A_92 = arith.constant 0 : i32
      %dma_wait3A_93 = tpu.memref_slice %arg11[%dma_wait3A_86, %dma_wait3A_87, %dma_wait3A_92] : memref<2x8x128xi32, #tpu.memory_space<vmem>> -> memref<1x1x128xi32, #tpu.memory_space<vmem>>
      %dma_wait3A_94 = tpu.memref_squeeze %dma_wait3A_93 : memref<1x1x128xi32, #tpu.memory_space<vmem>> -> memref<128xi32, #tpu.memory_space<vmem>>
      %dma_wait3A_95 = arith.constant 0 : i32
      %dma_wait3A_96 = arith.constant 0 : i32
      %dma_wait3A_97 = tpu.memref_slice %arg7[%dma_wait3A_95, %dma_wait3A_96] : memref<51200x32xf32, #tpu.memory_space<vmem_shared>> -> memref<51200x32xf32, #tpu.memory_space<vmem_shared>>
      tpu.wait_indirect_dma semaphore(%arg16 : memref<!tpu.dma_semaphore, #tpu.memory_space<semaphore_mem>>) src(%dma_wait3A_91 : memref<128x32xf32, #tpu.memory_space<vmem>>) dst(%dma_wait3A_97 : memref<51200x32xf32, #tpu.memory_space<vmem_shared>>)
    } else {
    }
    %eq3A_17 = arith.constant 1 : i32
    %eq3A_18 = arith.cmpi eq, %arg0, %eq3A_17 : i32
    %convert_element_type3A_19 = arith.extui %eq3A_18 : i1 to i32
    %cond3A_20 = arith.constant 0 : i32
    %cond3A_21 = arith.cmpi ne, %convert_element_type3A_19, %cond3A_20 : i32
    scf.if %cond3A_21 {
      %run_scoped3A = arith.constant 0 : i32
      "tpu.region"() ({
        %run_scoped3A_98 = tpu.sem_alloc : memref<!tpu.dma_semaphore, #tpu.memory_space<semaphore_mem>>
        %dma_start3A_99 = arith.constant 0 : i32
        %dma_start3A_100 = arith.constant 0 : i32
        %dma_start3A_101 = tpu.memref_slice %arg10[%run_scoped3A, %dma_start3A_99, %dma_start3A_100] : memref<2x8x128xi32, #tpu.memory_space<vmem>> -> memref<1x8x128xi32, #tpu.memory_space<vmem>>
        %dma_start3A_102 = tpu.memref_squeeze %dma_start3A_101 : memref<1x8x128xi32, #tpu.memory_space<vmem>> -> memref<8x128xi32, #tpu.memory_space<vmem>>
        %dma_start3A_103 = arith.constant 0 : i32
        %dma_start3A_104 = tpu.memref_slice %arg4[%mul3A_14, %dma_start3A_103] : memref<6272x128xi32, #tpu.memory_space<hbm>> -> memref<8x128xi32, #tpu.memory_space<hbm>>
        %dma_start3A_105 = arith.constant 0 : i32
        %dma_start3A_106 = arith.constant 0 : i32
        %dma_start3A_107 = tpu.memref_slice %arg10[%run_scoped3A, %dma_start3A_105, %dma_start3A_106] : memref<2x8x128xi32, #tpu.memory_space<vmem>> -> memref<1x8x128xi32, #tpu.memory_space<vmem>>
        %dma_start3A_108 = tpu.memref_squeeze %dma_start3A_107 : memref<1x8x128xi32, #tpu.memory_space<vmem>> -> memref<8x128xi32, #tpu.memory_space<vmem>>
        %dma_start3A_109 = arith.constant 0 : i32
        %dma_start3A_110 = tpu.memref_slice %arg4[%mul3A_14, %dma_start3A_109] : memref<6272x128xi32, #tpu.memory_space<hbm>> -> memref<8x128xi32, #tpu.memory_space<hbm>>
        tpu.enqueue_dma source(%dma_start3A_110 : memref<8x128xi32, #tpu.memory_space<hbm>>) target(%dma_start3A_108 : memref<8x128xi32, #tpu.memory_space<vmem>>) target_semaphore(%run_scoped3A_98 : memref<!tpu.dma_semaphore, #tpu.memory_space<semaphore_mem>>)
        %dma_wait3A_111 = arith.constant 0 : i32
        %dma_wait3A_112 = arith.constant 0 : i32
        %dma_wait3A_113 = tpu.memref_slice %arg10[%run_scoped3A, %dma_wait3A_111, %dma_wait3A_112] : memref<2x8x128xi32, #tpu.memory_space<vmem>> -> memref<1x8x128xi32, #tpu.memory_space<vmem>>
        %dma_wait3A_114 = tpu.memref_squeeze %dma_wait3A_113 : memref<1x8x128xi32, #tpu.memory_space<vmem>> -> memref<8x128xi32, #tpu.memory_space<vmem>>
        %dma_wait3A_115 = arith.constant 0 : i32
        %dma_wait3A_116 = tpu.memref_slice %arg4[%mul3A_14, %dma_wait3A_115] : memref<6272x128xi32, #tpu.memory_space<hbm>> -> memref<8x128xi32, #tpu.memory_space<hbm>>
        %dma_wait3A_117 = arith.constant 0 : i32
        %dma_wait3A_118 = arith.constant 0 : i32
        %dma_wait3A_119 = tpu.memref_slice %arg10[%run_scoped3A, %dma_wait3A_117, %dma_wait3A_118] : memref<2x8x128xi32, #tpu.memory_space<vmem>> -> memref<1x8x128xi32, #tpu.memory_space<vmem>>
        %dma_wait3A_120 = tpu.memref_squeeze %dma_wait3A_119 : memref<1x8x128xi32, #tpu.memory_space<vmem>> -> memref<8x128xi32, #tpu.memory_space<vmem>>
        %dma_wait3A_121 = arith.constant 0 : i32
        %dma_wait3A_122 = tpu.memref_slice %arg4[%mul3A_14, %dma_wait3A_121] : memref<6272x128xi32, #tpu.memory_space<hbm>> -> memref<8x128xi32, #tpu.memory_space<hbm>>
        tpu.wait_dma2 semaphore(%run_scoped3A_98 : memref<!tpu.dma_semaphore, #tpu.memory_space<semaphore_mem>>) src(%dma_wait3A_122 : memref<8x128xi32, #tpu.memory_space<hbm>>) dst(%dma_wait3A_120 : memref<8x128xi32, #tpu.memory_space<vmem>>)
        tpu.yield
      }) : () -> ()
      %run_scoped3A_32 = arith.constant 0 : i32
      "tpu.region"() ({
        %run_scoped3A_98 = tpu.sem_alloc : memref<!tpu.dma_semaphore, #tpu.memory_space<semaphore_mem>>
        %dma_start3A_99 = arith.constant 0 : i32
        %dma_start3A_100 = arith.constant 0 : i32
        %dma_start3A_101 = tpu.memref_slice %arg11[%run_scoped3A_32, %dma_start3A_99, %dma_start3A_100] : memref<2x8x128xi32, #tpu.memory_space<vmem>> -> memref<1x8x128xi32, #tpu.memory_space<vmem>>
        %dma_start3A_102 = tpu.memref_squeeze %dma_start3A_101 : memref<1x8x128xi32, #tpu.memory_space<vmem>> -> memref<8x128xi32, #tpu.memory_space<vmem>>
        %dma_start3A_103 = arith.constant 0 : i32
        %dma_start3A_104 = tpu.memref_slice %arg5[%mul3A_14, %dma_start3A_103] : memref<6272x128xi32, #tpu.memory_space<hbm>> -> memref<8x128xi32, #tpu.memory_space<hbm>>
        %dma_start3A_105 = arith.constant 0 : i32
        %dma_start3A_106 = arith.constant 0 : i32
        %dma_start3A_107 = tpu.memref_slice %arg11[%run_scoped3A_32, %dma_start3A_105, %dma_start3A_106] : memref<2x8x128xi32, #tpu.memory_space<vmem>> -> memref<1x8x128xi32, #tpu.memory_space<vmem>>
        %dma_start3A_108 = tpu.memref_squeeze %dma_start3A_107 : memref<1x8x128xi32, #tpu.memory_space<vmem>> -> memref<8x128xi32, #tpu.memory_space<vmem>>
        %dma_start3A_109 = arith.constant 0 : i32
        %dma_start3A_110 = tpu.memref_slice %arg5[%mul3A_14, %dma_start3A_109] : memref<6272x128xi32, #tpu.memory_space<hbm>> -> memref<8x128xi32, #tpu.memory_space<hbm>>
        tpu.enqueue_dma source(%dma_start3A_110 : memref<8x128xi32, #tpu.memory_space<hbm>>) target(%dma_start3A_108 : memref<8x128xi32, #tpu.memory_space<vmem>>) target_semaphore(%run_scoped3A_98 : memref<!tpu.dma_semaphore, #tpu.memory_space<semaphore_mem>>)
        %dma_wait3A_111 = arith.constant 0 : i32
        %dma_wait3A_112 = arith.constant 0 : i32
        %dma_wait3A_113 = tpu.memref_slice %arg11[%run_scoped3A_32, %dma_wait3A_111, %dma_wait3A_112] : memref<2x8x128xi32, #tpu.memory_space<vmem>> -> memref<1x8x128xi32, #tpu.memory_space<vmem>>
        %dma_wait3A_114 = tpu.memref_squeeze %dma_wait3A_113 : memref<1x8x128xi32, #tpu.memory_space<vmem>> -> memref<8x128xi32, #tpu.memory_space<vmem>>
        %dma_wait3A_115 = arith.constant 0 : i32
        %dma_wait3A_116 = tpu.memref_slice %arg5[%mul3A_14, %dma_wait3A_115] : memref<6272x128xi32, #tpu.memory_space<hbm>> -> memref<8x128xi32, #tpu.memory_space<hbm>>
        %dma_wait3A_117 = arith.constant 0 : i32
        %dma_wait3A_118 = arith.constant 0 : i32
        %dma_wait3A_119 = tpu.memref_slice %arg11[%run_scoped3A_32, %dma_wait3A_117, %dma_wait3A_118] : memref<2x8x128xi32, #tpu.memory_space<vmem>> -> memref<1x8x128xi32, #tpu.memory_space<vmem>>
        %dma_wait3A_120 = tpu.memref_squeeze %dma_wait3A_119 : memref<1x8x128xi32, #tpu.memory_space<vmem>> -> memref<8x128xi32, #tpu.memory_space<vmem>>
        %dma_wait3A_121 = arith.constant 0 : i32
        %dma_wait3A_122 = tpu.memref_slice %arg5[%mul3A_14, %dma_wait3A_121] : memref<6272x128xi32, #tpu.memory_space<hbm>> -> memref<8x128xi32, #tpu.memory_space<hbm>>
        tpu.wait_dma2 semaphore(%run_scoped3A_98 : memref<!tpu.dma_semaphore, #tpu.memory_space<semaphore_mem>>) src(%dma_wait3A_122 : memref<8x128xi32, #tpu.memory_space<hbm>>) dst(%dma_wait3A_120 : memref<8x128xi32, #tpu.memory_space<vmem>>)
        tpu.yield
      }) : () -> ()
      %dma_start3A = arith.constant 0 : i32
      %dma_start3A_33 = arith.constant 0 : i32
      %dma_start3A_34 = arith.constant 0 : i32
      %dma_start3A_35 = arith.constant 0 : i32
      %dma_start3A_36 = arith.constant 0 : i32
      %dma_start3A_37 = tpu.memref_slice %arg8[%dma_start3A_34, %dma_start3A_35, %dma_start3A_36] : memref<4x128x32xf32, #tpu.memory_space<vmem>> -> memref<1x128x32xf32, #tpu.memory_space<vmem>>
      %dma_start3A_38 = tpu.memref_squeeze %dma_start3A_37 : memref<1x128x32xf32, #tpu.memory_space<vmem>> -> memref<128x32xf32, #tpu.memory_space<vmem>>
      %dma_start3A_39 = arith.constant 0 : i32
      %dma_start3A_40 = tpu.memref_slice %arg10[%dma_start3A, %dma_start3A_33, %dma_start3A_39] : memref<2x8x128xi32, #tpu.memory_space<vmem>> -> memref<1x1x128xi32, #tpu.memory_space<vmem>>
      %dma_start3A_41 = tpu.memref_squeeze %dma_start3A_40 : memref<1x1x128xi32, #tpu.memory_space<vmem>> -> memref<128xi32, #tpu.memory_space<vmem>>
      %dma_start3A_42 = arith.constant 0 : i32
      %dma_start3A_43 = arith.constant 0 : i32
      %dma_start3A_44 = tpu.memref_slice %arg3[%dma_start3A_42, %dma_start3A_43] : memref<50176x32xf32, #tpu.memory_space<hbm>> -> memref<50176x32xf32, #tpu.memory_space<hbm>>
      tpu.enqueue_indirect_dma source(%dma_start3A_44 : memref<50176x32xf32, #tpu.memory_space<hbm>>) target(%dma_start3A_38 : memref<128x32xf32, #tpu.memory_space<vmem>>) offsets(%dma_start3A_41 : memref<128xi32, #tpu.memory_space<vmem>>) semaphore(%arg12 : memref<!tpu.dma_semaphore, #tpu.memory_space<semaphore_mem>>)
      %dma_start3A_45 = arith.constant 0 : i32
      %dma_start3A_46 = arith.constant 1 : i32
      %dma_start3A_47 = arith.constant 1 : i32
      %dma_start3A_48 = arith.constant 0 : i32
      %dma_start3A_49 = arith.constant 0 : i32
      %dma_start3A_50 = tpu.memref_slice %arg8[%dma_start3A_47, %dma_start3A_48, %dma_start3A_49] : memref<4x128x32xf32, #tpu.memory_space<vmem>> -> memref<1x128x32xf32, #tpu.memory_space<vmem>>
      %dma_start3A_51 = tpu.memref_squeeze %dma_start3A_50 : memref<1x128x32xf32, #tpu.memory_space<vmem>> -> memref<128x32xf32, #tpu.memory_space<vmem>>
      %dma_start3A_52 = arith.constant 0 : i32
      %dma_start3A_53 = tpu.memref_slice %arg10[%dma_start3A_45, %dma_start3A_46, %dma_start3A_52] : memref<2x8x128xi32, #tpu.memory_space<vmem>> -> memref<1x1x128xi32, #tpu.memory_space<vmem>>
      %dma_start3A_54 = tpu.memref_squeeze %dma_start3A_53 : memref<1x1x128xi32, #tpu.memory_space<vmem>> -> memref<128xi32, #tpu.memory_space<vmem>>
      %dma_start3A_55 = arith.constant 0 : i32
      %dma_start3A_56 = arith.constant 0 : i32
      %dma_start3A_57 = tpu.memref_slice %arg3[%dma_start3A_55, %dma_start3A_56] : memref<50176x32xf32, #tpu.memory_space<hbm>> -> memref<50176x32xf32, #tpu.memory_space<hbm>>
      tpu.enqueue_indirect_dma source(%dma_start3A_57 : memref<50176x32xf32, #tpu.memory_space<hbm>>) target(%dma_start3A_51 : memref<128x32xf32, #tpu.memory_space<vmem>>) offsets(%dma_start3A_54 : memref<128xi32, #tpu.memory_space<vmem>>) semaphore(%arg13 : memref<!tpu.dma_semaphore, #tpu.memory_space<semaphore_mem>>)
      %dma_start3A_58 = arith.constant 0 : i32
      %dma_start3A_59 = arith.constant 2 : i32
      %dma_start3A_60 = arith.constant 2 : i32
      %dma_start3A_61 = arith.constant 0 : i32
      %dma_start3A_62 = arith.constant 0 : i32
      %dma_start3A_63 = tpu.memref_slice %arg8[%dma_start3A_60, %dma_start3A_61, %dma_start3A_62] : memref<4x128x32xf32, #tpu.memory_space<vmem>> -> memref<1x128x32xf32, #tpu.memory_space<vmem>>
      %dma_start3A_64 = tpu.memref_squeeze %dma_start3A_63 : memref<1x128x32xf32, #tpu.memory_space<vmem>> -> memref<128x32xf32, #tpu.memory_space<vmem>>
      %dma_start3A_65 = arith.constant 0 : i32
      %dma_start3A_66 = tpu.memref_slice %arg10[%dma_start3A_58, %dma_start3A_59, %dma_start3A_65] : memref<2x8x128xi32, #tpu.memory_space<vmem>> -> memref<1x1x128xi32, #tpu.memory_space<vmem>>
      %dma_start3A_67 = tpu.memref_squeeze %dma_start3A_66 : memref<1x1x128xi32, #tpu.memory_space<vmem>> -> memref<128xi32, #tpu.memory_space<vmem>>
      %dma_start3A_68 = arith.constant 0 : i32
      %dma_start3A_69 = arith.constant 0 : i32
      %dma_start3A_70 = tpu.memref_slice %arg3[%dma_start3A_68, %dma_start3A_69] : memref<50176x32xf32, #tpu.memory_space<hbm>> -> memref<50176x32xf32, #tpu.memory_space<hbm>>
      tpu.enqueue_indirect_dma source(%dma_start3A_70 : memref<50176x32xf32, #tpu.memory_space<hbm>>) target(%dma_start3A_64 : memref<128x32xf32, #tpu.memory_space<vmem>>) offsets(%dma_start3A_67 : memref<128xi32, #tpu.memory_space<vmem>>) semaphore(%arg14 : memref<!tpu.dma_semaphore, #tpu.memory_space<semaphore_mem>>)
      %scan3A_71 = arith.constant 0 : i32
      %scan3A_72 = arith.constant 0 : i32
      %scan3A_73 = arith.constant 25 : i32
      %scan3A_74 = arith.addi %scan3A_72, %scan3A_73 : i32
      %scan3A_75 = arith.constant 1 : i32
      %scan3A_76 = scf.for %scan3A_98 = %scan3A_72 to %scan3A_74 step %scan3A_75 iter_args(%scan3A_99 = %scan3A_71) -> (i32)  : i32 {
        %mul3A_100 = arith.constant 3200 : i32
        %mul3A_101 = arith.muli %arg1, %mul3A_100 : i32
        %mul3A_102 = arith.constant 128 : i32
        %mul3A_103 = arith.muli %scan3A_98, %mul3A_102 : i32
        %add3A = arith.addi %mul3A_101, %mul3A_103 : i32
        %dma_wait3A_104 = arith.constant 0 : i32
        %dma_wait3A_105 = tpu.memref_slice %arg7[%add3A, %dma_wait3A_104] : memref<51200x32xf32, #tpu.memory_space<vmem_shared>> -> memref<128x32xf32, #tpu.memory_space<vmem_shared>>
        %dma_wait3A_106 = arith.constant 0 : i32
        %dma_wait3A_107 = tpu.memref_slice %arg7[%add3A, %dma_wait3A_106] : memref<51200x32xf32, #tpu.memory_space<vmem_shared>> -> memref<128x32xf32, #tpu.memory_space<vmem_shared>>
        tpu.wait_dma2 semaphore(%arg18 : memref<!tpu.dma_semaphore, #tpu.memory_space<semaphore_mem>>) src(%arg9 : memref<128x32xf32, #tpu.memory_space<vmem>>) dst(%dma_wait3A_107 : memref<128x32xf32, #tpu.memory_space<vmem_shared>>)
        %scan3A_108 = arith.constant 0 : i32
        scf.yield %scan3A_108 : i32
      }
      %scan3A_77 = arith.constant 25 : i32
      %barrier3A_78 = arith.constant 0 : index
      tpu.barrier barrier_id(%barrier3A_78)
      %scan3A_79 = arith.constant 0 : i32
      %scan3A_80 = arith.constant 0 : i32
      %scan3A_81 = arith.constant 49 : i32
      %scan3A_82 = arith.addi %scan3A_80, %scan3A_81 : i32
      %scan3A_83 = arith.constant 1 : i32
      %scan3A_84 = scf.for %scan3A_98 = %scan3A_80 to %scan3A_82 step %scan3A_83 iter_args(%scan3A_99 = %scan3A_79) -> (i32)  : i32 {
        %rem3A = arith.constant 2 : i32
        %rem3A_100 = arith.remsi %scan3A_98, %rem3A : i32
        %sub3A = arith.constant 1 : i32
        %sub3A_101 = arith.subi %sub3A, %rem3A_100 : i32
        %add3A = arith.constant 1 : i32
        %add3A_102 = arith.addi %scan3A_98, %add3A : i32
        %lt3A = arith.constant 49 : i32
        %lt3A_103 = arith.cmpi slt, %add3A_102, %lt3A : i32
        %convert_element_type3A_104 = arith.extui %lt3A_103 : i1 to i32
        %cond3A_105 = arith.constant 0 : i32
        %cond3A_106 = arith.cmpi ne, %convert_element_type3A_104, %cond3A_105 : i32
        scf.if %cond3A_106 {
          %add3A_469 = arith.constant 1 : i32
          %add3A_470 = arith.addi %scan3A_98, %add3A_469 : i32
          %mul3A_471 = arith.constant 8 : i32
          %mul3A_472 = arith.muli %add3A_470, %mul3A_471 : i32
          %add3A_473 = arith.addi %mul3A_14, %mul3A_472 : i32
          %dma_start3A_474 = arith.constant 0 : i32
          %dma_start3A_475 = arith.constant 0 : i32
          %dma_start3A_476 = tpu.memref_slice %arg10[%sub3A_101, %dma_start3A_474, %dma_start3A_475] : memref<2x8x128xi32, #tpu.memory_space<vmem>> -> memref<1x8x128xi32, #tpu.memory_space<vmem>>
          %dma_start3A_477 = tpu.memref_squeeze %dma_start3A_476 : memref<1x8x128xi32, #tpu.memory_space<vmem>> -> memref<8x128xi32, #tpu.memory_space<vmem>>
          %dma_start3A_478 = arith.constant 0 : i32
          %dma_start3A_479 = tpu.memref_slice %arg4[%add3A_473, %dma_start3A_478] : memref<6272x128xi32, #tpu.memory_space<hbm>> -> memref<8x128xi32, #tpu.memory_space<hbm>>
          %dma_start3A_480 = arith.constant 0 : i32
          %dma_start3A_481 = arith.constant 0 : i32
          %dma_start3A_482 = tpu.memref_slice %arg10[%sub3A_101, %dma_start3A_480, %dma_start3A_481] : memref<2x8x128xi32, #tpu.memory_space<vmem>> -> memref<1x8x128xi32, #tpu.memory_space<vmem>>
          %dma_start3A_483 = tpu.memref_squeeze %dma_start3A_482 : memref<1x8x128xi32, #tpu.memory_space<vmem>> -> memref<8x128xi32, #tpu.memory_space<vmem>>
          %dma_start3A_484 = arith.constant 0 : i32
          %dma_start3A_485 = tpu.memref_slice %arg4[%add3A_473, %dma_start3A_484] : memref<6272x128xi32, #tpu.memory_space<hbm>> -> memref<8x128xi32, #tpu.memory_space<hbm>>
          tpu.enqueue_dma source(%dma_start3A_485 : memref<8x128xi32, #tpu.memory_space<hbm>>) target(%dma_start3A_483 : memref<8x128xi32, #tpu.memory_space<vmem>>) target_semaphore(%arg17 : memref<!tpu.dma_semaphore, #tpu.memory_space<semaphore_mem>>)
          %add3A_486 = arith.constant 1 : i32
          %add3A_487 = arith.addi %scan3A_98, %add3A_486 : i32
          %mul3A_488 = arith.constant 8 : i32
          %mul3A_489 = arith.muli %add3A_487, %mul3A_488 : i32
          %add3A_490 = arith.addi %mul3A_14, %mul3A_489 : i32
          %dma_start3A_491 = arith.constant 0 : i32
          %dma_start3A_492 = arith.constant 0 : i32
          %dma_start3A_493 = tpu.memref_slice %arg11[%sub3A_101, %dma_start3A_491, %dma_start3A_492] : memref<2x8x128xi32, #tpu.memory_space<vmem>> -> memref<1x8x128xi32, #tpu.memory_space<vmem>>
          %dma_start3A_494 = tpu.memref_squeeze %dma_start3A_493 : memref<1x8x128xi32, #tpu.memory_space<vmem>> -> memref<8x128xi32, #tpu.memory_space<vmem>>
          %dma_start3A_495 = arith.constant 0 : i32
          %dma_start3A_496 = tpu.memref_slice %arg5[%add3A_490, %dma_start3A_495] : memref<6272x128xi32, #tpu.memory_space<hbm>> -> memref<8x128xi32, #tpu.memory_space<hbm>>
          %dma_start3A_497 = arith.constant 0 : i32
          %dma_start3A_498 = arith.constant 0 : i32
          %dma_start3A_499 = tpu.memref_slice %arg11[%sub3A_101, %dma_start3A_497, %dma_start3A_498] : memref<2x8x128xi32, #tpu.memory_space<vmem>> -> memref<1x8x128xi32, #tpu.memory_space<vmem>>
          %dma_start3A_500 = tpu.memref_squeeze %dma_start3A_499 : memref<1x8x128xi32, #tpu.memory_space<vmem>> -> memref<8x128xi32, #tpu.memory_space<vmem>>
          %dma_start3A_501 = arith.constant 0 : i32
          %dma_start3A_502 = tpu.memref_slice %arg5[%add3A_490, %dma_start3A_501] : memref<6272x128xi32, #tpu.memory_space<hbm>> -> memref<8x128xi32, #tpu.memory_space<hbm>>
          tpu.enqueue_dma source(%dma_start3A_502 : memref<8x128xi32, #tpu.memory_space<hbm>>) target(%dma_start3A_500 : memref<8x128xi32, #tpu.memory_space<vmem>>) target_semaphore(%arg17 : memref<!tpu.dma_semaphore, #tpu.memory_space<semaphore_mem>>)
        } else {
        }
        %dma_wait3A_107 = arith.constant 0 : i32
        %dma_wait3A_108 = arith.constant 0 : i32
        %dma_wait3A_109 = arith.constant 0 : i32
        %dma_wait3A_110 = arith.constant 0 : i32
        %dma_wait3A_111 = tpu.memref_slice %arg8[%dma_wait3A_108, %dma_wait3A_109, %dma_wait3A_110] : memref<4x128x32xf32, #tpu.memory_space<vmem>> -> memref<1x128x32xf32, #tpu.memory_space<vmem>>
        %dma_wait3A_112 = tpu.memref_squeeze %dma_wait3A_111 : memref<1x128x32xf32, #tpu.memory_space<vmem>> -> memref<128x32xf32, #tpu.memory_space<vmem>>
        %dma_wait3A_113 = arith.constant 0 : i32
        %dma_wait3A_114 = tpu.memref_slice %arg10[%rem3A_100, %dma_wait3A_107, %dma_wait3A_113] : memref<2x8x128xi32, #tpu.memory_space<vmem>> -> memref<1x1x128xi32, #tpu.memory_space<vmem>>
        %dma_wait3A_115 = tpu.memref_squeeze %dma_wait3A_114 : memref<1x1x128xi32, #tpu.memory_space<vmem>> -> memref<128xi32, #tpu.memory_space<vmem>>
        %dma_wait3A_116 = arith.constant 0 : i32
        %dma_wait3A_117 = arith.constant 0 : i32
        %dma_wait3A_118 = tpu.memref_slice %arg3[%dma_wait3A_116, %dma_wait3A_117] : memref<50176x32xf32, #tpu.memory_space<hbm>> -> memref<50176x32xf32, #tpu.memory_space<hbm>>
        tpu.wait_indirect_dma semaphore(%arg12 : memref<!tpu.dma_semaphore, #tpu.memory_space<semaphore_mem>>) src(%dma_wait3A_118 : memref<50176x32xf32, #tpu.memory_space<hbm>>) dst(%dma_wait3A_112 : memref<128x32xf32, #tpu.memory_space<vmem>>)
        %gt3A = arith.constant 0 : i32
        %gt3A_119 = arith.cmpi sgt, %scan3A_98, %gt3A : i32
        %convert_element_type3A_120 = arith.extui %gt3A_119 : i1 to i32
        %cond3A_121 = arith.constant 0 : i32
        %cond3A_122 = arith.cmpi ne, %convert_element_type3A_120, %cond3A_121 : i32
        scf.if %cond3A_122 {
          %add3A_469 = arith.constant 1 : i32
          %add3A_470 = arith.addi %scan3A_98, %add3A_469 : i32
          %rem3A_471 = arith.constant 2 : i32
          %rem3A_472 = arith.remsi %add3A_470, %rem3A_471 : i32
          %dma_wait3A_473 = arith.constant 3 : i32
          %dma_wait3A_474 = arith.constant 7 : i32
          %dma_wait3A_475 = arith.constant 0 : i32
          %dma_wait3A_476 = arith.constant 0 : i32
          %dma_wait3A_477 = tpu.memref_slice %arg8[%dma_wait3A_473, %dma_wait3A_475, %dma_wait3A_476] : memref<4x128x32xf32, #tpu.memory_space<vmem>> -> memref<1x128x32xf32, #tpu.memory_space<vmem>>
          %dma_wait3A_478 = tpu.memref_squeeze %dma_wait3A_477 : memref<1x128x32xf32, #tpu.memory_space<vmem>> -> memref<128x32xf32, #tpu.memory_space<vmem>>
          %dma_wait3A_479 = arith.constant 0 : i32
          %dma_wait3A_480 = tpu.memref_slice %arg11[%rem3A_472, %dma_wait3A_474, %dma_wait3A_479] : memref<2x8x128xi32, #tpu.memory_space<vmem>> -> memref<1x1x128xi32, #tpu.memory_space<vmem>>
          %dma_wait3A_481 = tpu.memref_squeeze %dma_wait3A_480 : memref<1x1x128xi32, #tpu.memory_space<vmem>> -> memref<128xi32, #tpu.memory_space<vmem>>
          %dma_wait3A_482 = arith.constant 0 : i32
          %dma_wait3A_483 = arith.constant 0 : i32
          %dma_wait3A_484 = tpu.memref_slice %arg7[%dma_wait3A_482, %dma_wait3A_483] : memref<51200x32xf32, #tpu.memory_space<vmem_shared>> -> memref<51200x32xf32, #tpu.memory_space<vmem_shared>>
          tpu.wait_indirect_dma semaphore(%arg16 : memref<!tpu.dma_semaphore, #tpu.memory_space<semaphore_mem>>) src(%dma_wait3A_478 : memref<128x32xf32, #tpu.memory_space<vmem>>) dst(%dma_wait3A_484 : memref<51200x32xf32, #tpu.memory_space<vmem_shared>>)
        } else {
        }
        %dma_start3A_123 = arith.constant 3 : i32
        %dma_start3A_124 = arith.constant 3 : i32
        %dma_start3A_125 = arith.constant 0 : i32
        %dma_start3A_126 = arith.constant 0 : i32
        %dma_start3A_127 = tpu.memref_slice %arg8[%dma_start3A_124, %dma_start3A_125, %dma_start3A_126] : memref<4x128x32xf32, #tpu.memory_space<vmem>> -> memref<1x128x32xf32, #tpu.memory_space<vmem>>
        %dma_start3A_128 = tpu.memref_squeeze %dma_start3A_127 : memref<1x128x32xf32, #tpu.memory_space<vmem>> -> memref<128x32xf32, #tpu.memory_space<vmem>>
        %dma_start3A_129 = arith.constant 0 : i32
        %dma_start3A_130 = tpu.memref_slice %arg10[%rem3A_100, %dma_start3A_123, %dma_start3A_129] : memref<2x8x128xi32, #tpu.memory_space<vmem>> -> memref<1x1x128xi32, #tpu.memory_space<vmem>>
        %dma_start3A_131 = tpu.memref_squeeze %dma_start3A_130 : memref<1x1x128xi32, #tpu.memory_space<vmem>> -> memref<128xi32, #tpu.memory_space<vmem>>
        %dma_start3A_132 = arith.constant 0 : i32
        %dma_start3A_133 = arith.constant 0 : i32
        %dma_start3A_134 = tpu.memref_slice %arg3[%dma_start3A_132, %dma_start3A_133] : memref<50176x32xf32, #tpu.memory_space<hbm>> -> memref<50176x32xf32, #tpu.memory_space<hbm>>
        tpu.enqueue_indirect_dma source(%dma_start3A_134 : memref<50176x32xf32, #tpu.memory_space<hbm>>) target(%dma_start3A_128 : memref<128x32xf32, #tpu.memory_space<vmem>>) offsets(%dma_start3A_131 : memref<128xi32, #tpu.memory_space<vmem>>) semaphore(%arg15 : memref<!tpu.dma_semaphore, #tpu.memory_space<semaphore_mem>>)
        %dma_start3A_135 = arith.constant 0 : i32
        %dma_start3A_136 = arith.constant 0 : i32
        %dma_start3A_137 = arith.constant 0 : i32
        %dma_start3A_138 = arith.constant 0 : i32
        %dma_start3A_139 = tpu.memref_slice %arg8[%dma_start3A_135, %dma_start3A_137, %dma_start3A_138] : memref<4x128x32xf32, #tpu.memory_space<vmem>> -> memref<1x128x32xf32, #tpu.memory_space<vmem>>
        %dma_start3A_140 = tpu.memref_squeeze %dma_start3A_139 : memref<1x128x32xf32, #tpu.memory_space<vmem>> -> memref<128x32xf32, #tpu.memory_space<vmem>>
        %dma_start3A_141 = arith.constant 0 : i32
        %dma_start3A_142 = tpu.memref_slice %arg11[%rem3A_100, %dma_start3A_136, %dma_start3A_141] : memref<2x8x128xi32, #tpu.memory_space<vmem>> -> memref<1x1x128xi32, #tpu.memory_space<vmem>>
        %dma_start3A_143 = tpu.memref_squeeze %dma_start3A_142 : memref<1x1x128xi32, #tpu.memory_space<vmem>> -> memref<128xi32, #tpu.memory_space<vmem>>
        %dma_start3A_144 = arith.constant 0 : i32
        %dma_start3A_145 = arith.constant 0 : i32
        %dma_start3A_146 = tpu.memref_slice %arg7[%dma_start3A_144, %dma_start3A_145] : memref<51200x32xf32, #tpu.memory_space<vmem_shared>> -> memref<51200x32xf32, #tpu.memory_space<vmem_shared>>
        tpu.enqueue_indirect_dma source(%dma_start3A_140 : memref<128x32xf32, #tpu.memory_space<vmem>>) target(%dma_start3A_146 : memref<51200x32xf32, #tpu.memory_space<vmem_shared>>) offsets(%dma_start3A_143 : memref<128xi32, #tpu.memory_space<vmem>>) semaphore(%arg16 : memref<!tpu.dma_semaphore, #tpu.memory_space<semaphore_mem>>) {add = true}
        %dma_wait3A_147 = arith.constant 1 : i32
        %dma_wait3A_148 = arith.constant 1 : i32
        %dma_wait3A_149 = arith.constant 0 : i32
        %dma_wait3A_150 = arith.constant 0 : i32
        %dma_wait3A_151 = tpu.memref_slice %arg8[%dma_wait3A_148, %dma_wait3A_149, %dma_wait3A_150] : memref<4x128x32xf32, #tpu.memory_space<vmem>> -> memref<1x128x32xf32, #tpu.memory_space<vmem>>
        %dma_wait3A_152 = tpu.memref_squeeze %dma_wait3A_151 : memref<1x128x32xf32, #tpu.memory_space<vmem>> -> memref<128x32xf32, #tpu.memory_space<vmem>>
        %dma_wait3A_153 = arith.constant 0 : i32
        %dma_wait3A_154 = tpu.memref_slice %arg10[%rem3A_100, %dma_wait3A_147, %dma_wait3A_153] : memref<2x8x128xi32, #tpu.memory_space<vmem>> -> memref<1x1x128xi32, #tpu.memory_space<vmem>>
        %dma_wait3A_155 = tpu.memref_squeeze %dma_wait3A_154 : memref<1x1x128xi32, #tpu.memory_space<vmem>> -> memref<128xi32, #tpu.memory_space<vmem>>
        %dma_wait3A_156 = arith.constant 0 : i32
        %dma_wait3A_157 = arith.constant 0 : i32
        %dma_wait3A_158 = tpu.memref_slice %arg3[%dma_wait3A_156, %dma_wait3A_157] : memref<50176x32xf32, #tpu.memory_space<hbm>> -> memref<50176x32xf32, #tpu.memory_space<hbm>>
        tpu.wait_indirect_dma semaphore(%arg13 : memref<!tpu.dma_semaphore, #tpu.memory_space<semaphore_mem>>) src(%dma_wait3A_158 : memref<50176x32xf32, #tpu.memory_space<hbm>>) dst(%dma_wait3A_152 : memref<128x32xf32, #tpu.memory_space<vmem>>)
        %dma_wait3A_159 = arith.constant 0 : i32
        %dma_wait3A_160 = arith.constant 0 : i32
        %dma_wait3A_161 = arith.constant 0 : i32
        %dma_wait3A_162 = arith.constant 0 : i32
        %dma_wait3A_163 = tpu.memref_slice %arg8[%dma_wait3A_159, %dma_wait3A_161, %dma_wait3A_162] : memref<4x128x32xf32, #tpu.memory_space<vmem>> -> memref<1x128x32xf32, #tpu.memory_space<vmem>>
        %dma_wait3A_164 = tpu.memref_squeeze %dma_wait3A_163 : memref<1x128x32xf32, #tpu.memory_space<vmem>> -> memref<128x32xf32, #tpu.memory_space<vmem>>
        %dma_wait3A_165 = arith.constant 0 : i32
        %dma_wait3A_166 = tpu.memref_slice %arg11[%rem3A_100, %dma_wait3A_160, %dma_wait3A_165] : memref<2x8x128xi32, #tpu.memory_space<vmem>> -> memref<1x1x128xi32, #tpu.memory_space<vmem>>
        %dma_wait3A_167 = tpu.memref_squeeze %dma_wait3A_166 : memref<1x1x128xi32, #tpu.memory_space<vmem>> -> memref<128xi32, #tpu.memory_space<vmem>>
        %dma_wait3A_168 = arith.constant 0 : i32
        %dma_wait3A_169 = arith.constant 0 : i32
        %dma_wait3A_170 = tpu.memref_slice %arg7[%dma_wait3A_168, %dma_wait3A_169] : memref<51200x32xf32, #tpu.memory_space<vmem_shared>> -> memref<51200x32xf32, #tpu.memory_space<vmem_shared>>
        tpu.wait_indirect_dma semaphore(%arg16 : memref<!tpu.dma_semaphore, #tpu.memory_space<semaphore_mem>>) src(%dma_wait3A_164 : memref<128x32xf32, #tpu.memory_space<vmem>>) dst(%dma_wait3A_170 : memref<51200x32xf32, #tpu.memory_space<vmem_shared>>)
        %dma_start3A_171 = arith.constant 4 : i32
        %dma_start3A_172 = arith.constant 0 : i32
        %dma_start3A_173 = arith.constant 0 : i32
        %dma_start3A_174 = arith.constant 0 : i32
        %dma_start3A_175 = tpu.memref_slice %arg8[%dma_start3A_172, %dma_start3A_173, %dma_start3A_174] : memref<4x128x32xf32, #tpu.memory_space<vmem>> -> memref<1x128x32xf32, #tpu.memory_space<vmem>>
        %dma_start3A_176 = tpu.memref_squeeze %dma_start3A_175 : memref<1x128x32xf32, #tpu.memory_space<vmem>> -> memref<128x32xf32, #tpu.memory_space<vmem>>
        %dma_start3A_177 = arith.constant 0 : i32
        %dma_start3A_178 = tpu.memref_slice %arg10[%rem3A_100, %dma_start3A_171, %dma_start3A_177] : memref<2x8x128xi32, #tpu.memory_space<vmem>> -> memref<1x1x128xi32, #tpu.memory_space<vmem>>
        %dma_start3A_179 = tpu.memref_squeeze %dma_start3A_178 : memref<1x1x128xi32, #tpu.memory_space<vmem>> -> memref<128xi32, #tpu.memory_space<vmem>>
        %dma_start3A_180 = arith.constant 0 : i32
        %dma_start3A_181 = arith.constant 0 : i32
        %dma_start3A_182 = tpu.memref_slice %arg3[%dma_start3A_180, %dma_start3A_181] : memref<50176x32xf32, #tpu.memory_space<hbm>> -> memref<50176x32xf32, #tpu.memory_space<hbm>>
        tpu.enqueue_indirect_dma source(%dma_start3A_182 : memref<50176x32xf32, #tpu.memory_space<hbm>>) target(%dma_start3A_176 : memref<128x32xf32, #tpu.memory_space<vmem>>) offsets(%dma_start3A_179 : memref<128xi32, #tpu.memory_space<vmem>>) semaphore(%arg12 : memref<!tpu.dma_semaphore, #tpu.memory_space<semaphore_mem>>)
        %dma_start3A_183 = arith.constant 1 : i32
        %dma_start3A_184 = arith.constant 1 : i32
        %dma_start3A_185 = arith.constant 0 : i32
        %dma_start3A_186 = arith.constant 0 : i32
        %dma_start3A_187 = tpu.memref_slice %arg8[%dma_start3A_183, %dma_start3A_185, %dma_start3A_186] : memref<4x128x32xf32, #tpu.memory_space<vmem>> -> memref<1x128x32xf32, #tpu.memory_space<vmem>>
        %dma_start3A_188 = tpu.memref_squeeze %dma_start3A_187 : memref<1x128x32xf32, #tpu.memory_space<vmem>> -> memref<128x32xf32, #tpu.memory_space<vmem>>
        %dma_start3A_189 = arith.constant 0 : i32
        %dma_start3A_190 = tpu.memref_slice %arg11[%rem3A_100, %dma_start3A_184, %dma_start3A_189] : memref<2x8x128xi32, #tpu.memory_space<vmem>> -> memref<1x1x128xi32, #tpu.memory_space<vmem>>
        %dma_start3A_191 = tpu.memref_squeeze %dma_start3A_190 : memref<1x1x128xi32, #tpu.memory_space<vmem>> -> memref<128xi32, #tpu.memory_space<vmem>>
        %dma_start3A_192 = arith.constant 0 : i32
        %dma_start3A_193 = arith.constant 0 : i32
        %dma_start3A_194 = tpu.memref_slice %arg7[%dma_start3A_192, %dma_start3A_193] : memref<51200x32xf32, #tpu.memory_space<vmem_shared>> -> memref<51200x32xf32, #tpu.memory_space<vmem_shared>>
        tpu.enqueue_indirect_dma source(%dma_start3A_188 : memref<128x32xf32, #tpu.memory_space<vmem>>) target(%dma_start3A_194 : memref<51200x32xf32, #tpu.memory_space<vmem_shared>>) offsets(%dma_start3A_191 : memref<128xi32, #tpu.memory_space<vmem>>) semaphore(%arg16 : memref<!tpu.dma_semaphore, #tpu.memory_space<semaphore_mem>>) {add = true}
        %dma_wait3A_195 = arith.constant 2 : i32
        %dma_wait3A_196 = arith.constant 2 : i32
        %dma_wait3A_197 = arith.constant 0 : i32
        %dma_wait3A_198 = arith.constant 0 : i32
        %dma_wait3A_199 = tpu.memref_slice %arg8[%dma_wait3A_196, %dma_wait3A_197, %dma_wait3A_198] : memref<4x128x32xf32, #tpu.memory_space<vmem>> -> memref<1x128x32xf32, #tpu.memory_space<vmem>>
        %dma_wait3A_200 = tpu.memref_squeeze %dma_wait3A_199 : memref<1x128x32xf32, #tpu.memory_space<vmem>> -> memref<128x32xf32, #tpu.memory_space<vmem>>
        %dma_wait3A_201 = arith.constant 0 : i32
        %dma_wait3A_202 = tpu.memref_slice %arg10[%rem3A_100, %dma_wait3A_195, %dma_wait3A_201] : memref<2x8x128xi32, #tpu.memory_space<vmem>> -> memref<1x1x128xi32, #tpu.memory_space<vmem>>
        %dma_wait3A_203 = tpu.memref_squeeze %dma_wait3A_202 : memref<1x1x128xi32, #tpu.memory_space<vmem>> -> memref<128xi32, #tpu.memory_space<vmem>>
        %dma_wait3A_204 = arith.constant 0 : i32
        %dma_wait3A_205 = arith.constant 0 : i32
        %dma_wait3A_206 = tpu.memref_slice %arg3[%dma_wait3A_204, %dma_wait3A_205] : memref<50176x32xf32, #tpu.memory_space<hbm>> -> memref<50176x32xf32, #tpu.memory_space<hbm>>
        tpu.wait_indirect_dma semaphore(%arg14 : memref<!tpu.dma_semaphore, #tpu.memory_space<semaphore_mem>>) src(%dma_wait3A_206 : memref<50176x32xf32, #tpu.memory_space<hbm>>) dst(%dma_wait3A_200 : memref<128x32xf32, #tpu.memory_space<vmem>>)
        %dma_wait3A_207 = arith.constant 1 : i32
        %dma_wait3A_208 = arith.constant 1 : i32
        %dma_wait3A_209 = arith.constant 0 : i32
        %dma_wait3A_210 = arith.constant 0 : i32
        %dma_wait3A_211 = tpu.memref_slice %arg8[%dma_wait3A_207, %dma_wait3A_209, %dma_wait3A_210] : memref<4x128x32xf32, #tpu.memory_space<vmem>> -> memref<1x128x32xf32, #tpu.memory_space<vmem>>
        %dma_wait3A_212 = tpu.memref_squeeze %dma_wait3A_211 : memref<1x128x32xf32, #tpu.memory_space<vmem>> -> memref<128x32xf32, #tpu.memory_space<vmem>>
        %dma_wait3A_213 = arith.constant 0 : i32
        %dma_wait3A_214 = tpu.memref_slice %arg11[%rem3A_100, %dma_wait3A_208, %dma_wait3A_213] : memref<2x8x128xi32, #tpu.memory_space<vmem>> -> memref<1x1x128xi32, #tpu.memory_space<vmem>>
        %dma_wait3A_215 = tpu.memref_squeeze %dma_wait3A_214 : memref<1x1x128xi32, #tpu.memory_space<vmem>> -> memref<128xi32, #tpu.memory_space<vmem>>
        %dma_wait3A_216 = arith.constant 0 : i32
        %dma_wait3A_217 = arith.constant 0 : i32
        %dma_wait3A_218 = tpu.memref_slice %arg7[%dma_wait3A_216, %dma_wait3A_217] : memref<51200x32xf32, #tpu.memory_space<vmem_shared>> -> memref<51200x32xf32, #tpu.memory_space<vmem_shared>>
        tpu.wait_indirect_dma semaphore(%arg16 : memref<!tpu.dma_semaphore, #tpu.memory_space<semaphore_mem>>) src(%dma_wait3A_212 : memref<128x32xf32, #tpu.memory_space<vmem>>) dst(%dma_wait3A_218 : memref<51200x32xf32, #tpu.memory_space<vmem_shared>>)
        %dma_start3A_219 = arith.constant 5 : i32
        %dma_start3A_220 = arith.constant 1 : i32
        %dma_start3A_221 = arith.constant 0 : i32
        %dma_start3A_222 = arith.constant 0 : i32
        %dma_start3A_223 = tpu.memref_slice %arg8[%dma_start3A_220, %dma_start3A_221, %dma_start3A_222] : memref<4x128x32xf32, #tpu.memory_space<vmem>> -> memref<1x128x32xf32, #tpu.memory_space<vmem>>
        %dma_start3A_224 = tpu.memref_squeeze %dma_start3A_223 : memref<1x128x32xf32, #tpu.memory_space<vmem>> -> memref<128x32xf32, #tpu.memory_space<vmem>>
        %dma_start3A_225 = arith.constant 0 : i32
        %dma_start3A_226 = tpu.memref_slice %arg10[%rem3A_100, %dma_start3A_219, %dma_start3A_225] : memref<2x8x128xi32, #tpu.memory_space<vmem>> -> memref<1x1x128xi32, #tpu.memory_space<vmem>>
        %dma_start3A_227 = tpu.memref_squeeze %dma_start3A_226 : memref<1x1x128xi32, #tpu.memory_space<vmem>> -> memref<128xi32, #tpu.memory_space<vmem>>
        %dma_start3A_228 = arith.constant 0 : i32
        %dma_start3A_229 = arith.constant 0 : i32
        %dma_start3A_230 = tpu.memref_slice %arg3[%dma_start3A_228, %dma_start3A_229] : memref<50176x32xf32, #tpu.memory_space<hbm>> -> memref<50176x32xf32, #tpu.memory_space<hbm>>
        tpu.enqueue_indirect_dma source(%dma_start3A_230 : memref<50176x32xf32, #tpu.memory_space<hbm>>) target(%dma_start3A_224 : memref<128x32xf32, #tpu.memory_space<vmem>>) offsets(%dma_start3A_227 : memref<128xi32, #tpu.memory_space<vmem>>) semaphore(%arg13 : memref<!tpu.dma_semaphore, #tpu.memory_space<semaphore_mem>>)
        %dma_start3A_231 = arith.constant 2 : i32
        %dma_start3A_232 = arith.constant 2 : i32
        %dma_start3A_233 = arith.constant 0 : i32
        %dma_start3A_234 = arith.constant 0 : i32
        %dma_start3A_235 = tpu.memref_slice %arg8[%dma_start3A_231, %dma_start3A_233, %dma_start3A_234] : memref<4x128x32xf32, #tpu.memory_space<vmem>> -> memref<1x128x32xf32, #tpu.memory_space<vmem>>
        %dma_start3A_236 = tpu.memref_squeeze %dma_start3A_235 : memref<1x128x32xf32, #tpu.memory_space<vmem>> -> memref<128x32xf32, #tpu.memory_space<vmem>>
        %dma_start3A_237 = arith.constant 0 : i32
        %dma_start3A_238 = tpu.memref_slice %arg11[%rem3A_100, %dma_start3A_232, %dma_start3A_237] : memref<2x8x128xi32, #tpu.memory_space<vmem>> -> memref<1x1x128xi32, #tpu.memory_space<vmem>>
        %dma_start3A_239 = tpu.memref_squeeze %dma_start3A_238 : memref<1x1x128xi32, #tpu.memory_space<vmem>> -> memref<128xi32, #tpu.memory_space<vmem>>
        %dma_start3A_240 = arith.constant 0 : i32
        %dma_start3A_241 = arith.constant 0 : i32
        %dma_start3A_242 = tpu.memref_slice %arg7[%dma_start3A_240, %dma_start3A_241] : memref<51200x32xf32, #tpu.memory_space<vmem_shared>> -> memref<51200x32xf32, #tpu.memory_space<vmem_shared>>
        tpu.enqueue_indirect_dma source(%dma_start3A_236 : memref<128x32xf32, #tpu.memory_space<vmem>>) target(%dma_start3A_242 : memref<51200x32xf32, #tpu.memory_space<vmem_shared>>) offsets(%dma_start3A_239 : memref<128xi32, #tpu.memory_space<vmem>>) semaphore(%arg16 : memref<!tpu.dma_semaphore, #tpu.memory_space<semaphore_mem>>) {add = true}
        %dma_wait3A_243 = arith.constant 3 : i32
        %dma_wait3A_244 = arith.constant 3 : i32
        %dma_wait3A_245 = arith.constant 0 : i32
        %dma_wait3A_246 = arith.constant 0 : i32
        %dma_wait3A_247 = tpu.memref_slice %arg8[%dma_wait3A_244, %dma_wait3A_245, %dma_wait3A_246] : memref<4x128x32xf32, #tpu.memory_space<vmem>> -> memref<1x128x32xf32, #tpu.memory_space<vmem>>
        %dma_wait3A_248 = tpu.memref_squeeze %dma_wait3A_247 : memref<1x128x32xf32, #tpu.memory_space<vmem>> -> memref<128x32xf32, #tpu.memory_space<vmem>>
        %dma_wait3A_249 = arith.constant 0 : i32
        %dma_wait3A_250 = tpu.memref_slice %arg10[%rem3A_100, %dma_wait3A_243, %dma_wait3A_249] : memref<2x8x128xi32, #tpu.memory_space<vmem>> -> memref<1x1x128xi32, #tpu.memory_space<vmem>>
        %dma_wait3A_251 = tpu.memref_squeeze %dma_wait3A_250 : memref<1x1x128xi32, #tpu.memory_space<vmem>> -> memref<128xi32, #tpu.memory_space<vmem>>
        %dma_wait3A_252 = arith.constant 0 : i32
        %dma_wait3A_253 = arith.constant 0 : i32
        %dma_wait3A_254 = tpu.memref_slice %arg3[%dma_wait3A_252, %dma_wait3A_253] : memref<50176x32xf32, #tpu.memory_space<hbm>> -> memref<50176x32xf32, #tpu.memory_space<hbm>>
        tpu.wait_indirect_dma semaphore(%arg15 : memref<!tpu.dma_semaphore, #tpu.memory_space<semaphore_mem>>) src(%dma_wait3A_254 : memref<50176x32xf32, #tpu.memory_space<hbm>>) dst(%dma_wait3A_248 : memref<128x32xf32, #tpu.memory_space<vmem>>)
        %dma_wait3A_255 = arith.constant 2 : i32
        %dma_wait3A_256 = arith.constant 2 : i32
        %dma_wait3A_257 = arith.constant 0 : i32
        %dma_wait3A_258 = arith.constant 0 : i32
        %dma_wait3A_259 = tpu.memref_slice %arg8[%dma_wait3A_255, %dma_wait3A_257, %dma_wait3A_258] : memref<4x128x32xf32, #tpu.memory_space<vmem>> -> memref<1x128x32xf32, #tpu.memory_space<vmem>>
        %dma_wait3A_260 = tpu.memref_squeeze %dma_wait3A_259 : memref<1x128x32xf32, #tpu.memory_space<vmem>> -> memref<128x32xf32, #tpu.memory_space<vmem>>
        %dma_wait3A_261 = arith.constant 0 : i32
        %dma_wait3A_262 = tpu.memref_slice %arg11[%rem3A_100, %dma_wait3A_256, %dma_wait3A_261] : memref<2x8x128xi32, #tpu.memory_space<vmem>> -> memref<1x1x128xi32, #tpu.memory_space<vmem>>
        %dma_wait3A_263 = tpu.memref_squeeze %dma_wait3A_262 : memref<1x1x128xi32, #tpu.memory_space<vmem>> -> memref<128xi32, #tpu.memory_space<vmem>>
        %dma_wait3A_264 = arith.constant 0 : i32
        %dma_wait3A_265 = arith.constant 0 : i32
        %dma_wait3A_266 = tpu.memref_slice %arg7[%dma_wait3A_264, %dma_wait3A_265] : memref<51200x32xf32, #tpu.memory_space<vmem_shared>> -> memref<51200x32xf32, #tpu.memory_space<vmem_shared>>
        tpu.wait_indirect_dma semaphore(%arg16 : memref<!tpu.dma_semaphore, #tpu.memory_space<semaphore_mem>>) src(%dma_wait3A_260 : memref<128x32xf32, #tpu.memory_space<vmem>>) dst(%dma_wait3A_266 : memref<51200x32xf32, #tpu.memory_space<vmem_shared>>)
        %dma_start3A_267 = arith.constant 6 : i32
        %dma_start3A_268 = arith.constant 2 : i32
        %dma_start3A_269 = arith.constant 0 : i32
        %dma_start3A_270 = arith.constant 0 : i32
        %dma_start3A_271 = tpu.memref_slice %arg8[%dma_start3A_268, %dma_start3A_269, %dma_start3A_270] : memref<4x128x32xf32, #tpu.memory_space<vmem>> -> memref<1x128x32xf32, #tpu.memory_space<vmem>>
        %dma_start3A_272 = tpu.memref_squeeze %dma_start3A_271 : memref<1x128x32xf32, #tpu.memory_space<vmem>> -> memref<128x32xf32, #tpu.memory_space<vmem>>
        %dma_start3A_273 = arith.constant 0 : i32
        %dma_start3A_274 = tpu.memref_slice %arg10[%rem3A_100, %dma_start3A_267, %dma_start3A_273] : memref<2x8x128xi32, #tpu.memory_space<vmem>> -> memref<1x1x128xi32, #tpu.memory_space<vmem>>
        %dma_start3A_275 = tpu.memref_squeeze %dma_start3A_274 : memref<1x1x128xi32, #tpu.memory_space<vmem>> -> memref<128xi32, #tpu.memory_space<vmem>>
        %dma_start3A_276 = arith.constant 0 : i32
        %dma_start3A_277 = arith.constant 0 : i32
        %dma_start3A_278 = tpu.memref_slice %arg3[%dma_start3A_276, %dma_start3A_277] : memref<50176x32xf32, #tpu.memory_space<hbm>> -> memref<50176x32xf32, #tpu.memory_space<hbm>>
        tpu.enqueue_indirect_dma source(%dma_start3A_278 : memref<50176x32xf32, #tpu.memory_space<hbm>>) target(%dma_start3A_272 : memref<128x32xf32, #tpu.memory_space<vmem>>) offsets(%dma_start3A_275 : memref<128xi32, #tpu.memory_space<vmem>>) semaphore(%arg14 : memref<!tpu.dma_semaphore, #tpu.memory_space<semaphore_mem>>)
        %dma_start3A_279 = arith.constant 3 : i32
        %dma_start3A_280 = arith.constant 3 : i32
        %dma_start3A_281 = arith.constant 0 : i32
        %dma_start3A_282 = arith.constant 0 : i32
        %dma_start3A_283 = tpu.memref_slice %arg8[%dma_start3A_279, %dma_start3A_281, %dma_start3A_282] : memref<4x128x32xf32, #tpu.memory_space<vmem>> -> memref<1x128x32xf32, #tpu.memory_space<vmem>>
        %dma_start3A_284 = tpu.memref_squeeze %dma_start3A_283 : memref<1x128x32xf32, #tpu.memory_space<vmem>> -> memref<128x32xf32, #tpu.memory_space<vmem>>
        %dma_start3A_285 = arith.constant 0 : i32
        %dma_start3A_286 = tpu.memref_slice %arg11[%rem3A_100, %dma_start3A_280, %dma_start3A_285] : memref<2x8x128xi32, #tpu.memory_space<vmem>> -> memref<1x1x128xi32, #tpu.memory_space<vmem>>
        %dma_start3A_287 = tpu.memref_squeeze %dma_start3A_286 : memref<1x1x128xi32, #tpu.memory_space<vmem>> -> memref<128xi32, #tpu.memory_space<vmem>>
        %dma_start3A_288 = arith.constant 0 : i32
        %dma_start3A_289 = arith.constant 0 : i32
        %dma_start3A_290 = tpu.memref_slice %arg7[%dma_start3A_288, %dma_start3A_289] : memref<51200x32xf32, #tpu.memory_space<vmem_shared>> -> memref<51200x32xf32, #tpu.memory_space<vmem_shared>>
        tpu.enqueue_indirect_dma source(%dma_start3A_284 : memref<128x32xf32, #tpu.memory_space<vmem>>) target(%dma_start3A_290 : memref<51200x32xf32, #tpu.memory_space<vmem_shared>>) offsets(%dma_start3A_287 : memref<128xi32, #tpu.memory_space<vmem>>) semaphore(%arg16 : memref<!tpu.dma_semaphore, #tpu.memory_space<semaphore_mem>>) {add = true}
        %dma_wait3A_291 = arith.constant 4 : i32
        %dma_wait3A_292 = arith.constant 0 : i32
        %dma_wait3A_293 = arith.constant 0 : i32
        %dma_wait3A_294 = arith.constant 0 : i32
        %dma_wait3A_295 = tpu.memref_slice %arg8[%dma_wait3A_292, %dma_wait3A_293, %dma_wait3A_294] : memref<4x128x32xf32, #tpu.memory_space<vmem>> -> memref<1x128x32xf32, #tpu.memory_space<vmem>>
        %dma_wait3A_296 = tpu.memref_squeeze %dma_wait3A_295 : memref<1x128x32xf32, #tpu.memory_space<vmem>> -> memref<128x32xf32, #tpu.memory_space<vmem>>
        %dma_wait3A_297 = arith.constant 0 : i32
        %dma_wait3A_298 = tpu.memref_slice %arg10[%rem3A_100, %dma_wait3A_291, %dma_wait3A_297] : memref<2x8x128xi32, #tpu.memory_space<vmem>> -> memref<1x1x128xi32, #tpu.memory_space<vmem>>
        %dma_wait3A_299 = tpu.memref_squeeze %dma_wait3A_298 : memref<1x1x128xi32, #tpu.memory_space<vmem>> -> memref<128xi32, #tpu.memory_space<vmem>>
        %dma_wait3A_300 = arith.constant 0 : i32
        %dma_wait3A_301 = arith.constant 0 : i32
        %dma_wait3A_302 = tpu.memref_slice %arg3[%dma_wait3A_300, %dma_wait3A_301] : memref<50176x32xf32, #tpu.memory_space<hbm>> -> memref<50176x32xf32, #tpu.memory_space<hbm>>
        tpu.wait_indirect_dma semaphore(%arg12 : memref<!tpu.dma_semaphore, #tpu.memory_space<semaphore_mem>>) src(%dma_wait3A_302 : memref<50176x32xf32, #tpu.memory_space<hbm>>) dst(%dma_wait3A_296 : memref<128x32xf32, #tpu.memory_space<vmem>>)
        %dma_wait3A_303 = arith.constant 3 : i32
        %dma_wait3A_304 = arith.constant 3 : i32
        %dma_wait3A_305 = arith.constant 0 : i32
        %dma_wait3A_306 = arith.constant 0 : i32
        %dma_wait3A_307 = tpu.memref_slice %arg8[%dma_wait3A_303, %dma_wait3A_305, %dma_wait3A_306] : memref<4x128x32xf32, #tpu.memory_space<vmem>> -> memref<1x128x32xf32, #tpu.memory_space<vmem>>
        %dma_wait3A_308 = tpu.memref_squeeze %dma_wait3A_307 : memref<1x128x32xf32, #tpu.memory_space<vmem>> -> memref<128x32xf32, #tpu.memory_space<vmem>>
        %dma_wait3A_309 = arith.constant 0 : i32
        %dma_wait3A_310 = tpu.memref_slice %arg11[%rem3A_100, %dma_wait3A_304, %dma_wait3A_309] : memref<2x8x128xi32, #tpu.memory_space<vmem>> -> memref<1x1x128xi32, #tpu.memory_space<vmem>>
        %dma_wait3A_311 = tpu.memref_squeeze %dma_wait3A_310 : memref<1x1x128xi32, #tpu.memory_space<vmem>> -> memref<128xi32, #tpu.memory_space<vmem>>
        %dma_wait3A_312 = arith.constant 0 : i32
        %dma_wait3A_313 = arith.constant 0 : i32
        %dma_wait3A_314 = tpu.memref_slice %arg7[%dma_wait3A_312, %dma_wait3A_313] : memref<51200x32xf32, #tpu.memory_space<vmem_shared>> -> memref<51200x32xf32, #tpu.memory_space<vmem_shared>>
        tpu.wait_indirect_dma semaphore(%arg16 : memref<!tpu.dma_semaphore, #tpu.memory_space<semaphore_mem>>) src(%dma_wait3A_308 : memref<128x32xf32, #tpu.memory_space<vmem>>) dst(%dma_wait3A_314 : memref<51200x32xf32, #tpu.memory_space<vmem_shared>>)
        %dma_start3A_315 = arith.constant 7 : i32
        %dma_start3A_316 = arith.constant 3 : i32
        %dma_start3A_317 = arith.constant 0 : i32
        %dma_start3A_318 = arith.constant 0 : i32
        %dma_start3A_319 = tpu.memref_slice %arg8[%dma_start3A_316, %dma_start3A_317, %dma_start3A_318] : memref<4x128x32xf32, #tpu.memory_space<vmem>> -> memref<1x128x32xf32, #tpu.memory_space<vmem>>
        %dma_start3A_320 = tpu.memref_squeeze %dma_start3A_319 : memref<1x128x32xf32, #tpu.memory_space<vmem>> -> memref<128x32xf32, #tpu.memory_space<vmem>>
        %dma_start3A_321 = arith.constant 0 : i32
        %dma_start3A_322 = tpu.memref_slice %arg10[%rem3A_100, %dma_start3A_315, %dma_start3A_321] : memref<2x8x128xi32, #tpu.memory_space<vmem>> -> memref<1x1x128xi32, #tpu.memory_space<vmem>>
        %dma_start3A_323 = tpu.memref_squeeze %dma_start3A_322 : memref<1x1x128xi32, #tpu.memory_space<vmem>> -> memref<128xi32, #tpu.memory_space<vmem>>
        %dma_start3A_324 = arith.constant 0 : i32
        %dma_start3A_325 = arith.constant 0 : i32
        %dma_start3A_326 = tpu.memref_slice %arg3[%dma_start3A_324, %dma_start3A_325] : memref<50176x32xf32, #tpu.memory_space<hbm>> -> memref<50176x32xf32, #tpu.memory_space<hbm>>
        tpu.enqueue_indirect_dma source(%dma_start3A_326 : memref<50176x32xf32, #tpu.memory_space<hbm>>) target(%dma_start3A_320 : memref<128x32xf32, #tpu.memory_space<vmem>>) offsets(%dma_start3A_323 : memref<128xi32, #tpu.memory_space<vmem>>) semaphore(%arg15 : memref<!tpu.dma_semaphore, #tpu.memory_space<semaphore_mem>>)
        %dma_start3A_327 = arith.constant 0 : i32
        %dma_start3A_328 = arith.constant 4 : i32
        %dma_start3A_329 = arith.constant 0 : i32
        %dma_start3A_330 = arith.constant 0 : i32
        %dma_start3A_331 = tpu.memref_slice %arg8[%dma_start3A_327, %dma_start3A_329, %dma_start3A_330] : memref<4x128x32xf32, #tpu.memory_space<vmem>> -> memref<1x128x32xf32, #tpu.memory_space<vmem>>
        %dma_start3A_332 = tpu.memref_squeeze %dma_start3A_331 : memref<1x128x32xf32, #tpu.memory_space<vmem>> -> memref<128x32xf32, #tpu.memory_space<vmem>>
        %dma_start3A_333 = arith.constant 0 : i32
        %dma_start3A_334 = tpu.memref_slice %arg11[%rem3A_100, %dma_start3A_328, %dma_start3A_333] : memref<2x8x128xi32, #tpu.memory_space<vmem>> -> memref<1x1x128xi32, #tpu.memory_space<vmem>>
        %dma_start3A_335 = tpu.memref_squeeze %dma_start3A_334 : memref<1x1x128xi32, #tpu.memory_space<vmem>> -> memref<128xi32, #tpu.memory_space<vmem>>
        %dma_start3A_336 = arith.constant 0 : i32
        %dma_start3A_337 = arith.constant 0 : i32
        %dma_start3A_338 = tpu.memref_slice %arg7[%dma_start3A_336, %dma_start3A_337] : memref<51200x32xf32, #tpu.memory_space<vmem_shared>> -> memref<51200x32xf32, #tpu.memory_space<vmem_shared>>
        tpu.enqueue_indirect_dma source(%dma_start3A_332 : memref<128x32xf32, #tpu.memory_space<vmem>>) target(%dma_start3A_338 : memref<51200x32xf32, #tpu.memory_space<vmem_shared>>) offsets(%dma_start3A_335 : memref<128xi32, #tpu.memory_space<vmem>>) semaphore(%arg16 : memref<!tpu.dma_semaphore, #tpu.memory_space<semaphore_mem>>) {add = true}
        %dma_wait3A_339 = arith.constant 5 : i32
        %dma_wait3A_340 = arith.constant 1 : i32
        %dma_wait3A_341 = arith.constant 0 : i32
        %dma_wait3A_342 = arith.constant 0 : i32
        %dma_wait3A_343 = tpu.memref_slice %arg8[%dma_wait3A_340, %dma_wait3A_341, %dma_wait3A_342] : memref<4x128x32xf32, #tpu.memory_space<vmem>> -> memref<1x128x32xf32, #tpu.memory_space<vmem>>
        %dma_wait3A_344 = tpu.memref_squeeze %dma_wait3A_343 : memref<1x128x32xf32, #tpu.memory_space<vmem>> -> memref<128x32xf32, #tpu.memory_space<vmem>>
        %dma_wait3A_345 = arith.constant 0 : i32
        %dma_wait3A_346 = tpu.memref_slice %arg10[%rem3A_100, %dma_wait3A_339, %dma_wait3A_345] : memref<2x8x128xi32, #tpu.memory_space<vmem>> -> memref<1x1x128xi32, #tpu.memory_space<vmem>>
        %dma_wait3A_347 = tpu.memref_squeeze %dma_wait3A_346 : memref<1x1x128xi32, #tpu.memory_space<vmem>> -> memref<128xi32, #tpu.memory_space<vmem>>
        %dma_wait3A_348 = arith.constant 0 : i32
        %dma_wait3A_349 = arith.constant 0 : i32
        %dma_wait3A_350 = tpu.memref_slice %arg3[%dma_wait3A_348, %dma_wait3A_349] : memref<50176x32xf32, #tpu.memory_space<hbm>> -> memref<50176x32xf32, #tpu.memory_space<hbm>>
        tpu.wait_indirect_dma semaphore(%arg13 : memref<!tpu.dma_semaphore, #tpu.memory_space<semaphore_mem>>) src(%dma_wait3A_350 : memref<50176x32xf32, #tpu.memory_space<hbm>>) dst(%dma_wait3A_344 : memref<128x32xf32, #tpu.memory_space<vmem>>)
        %dma_wait3A_351 = arith.constant 0 : i32
        %dma_wait3A_352 = arith.constant 4 : i32
        %dma_wait3A_353 = arith.constant 0 : i32
        %dma_wait3A_354 = arith.constant 0 : i32
        %dma_wait3A_355 = tpu.memref_slice %arg8[%dma_wait3A_351, %dma_wait3A_353, %dma_wait3A_354] : memref<4x128x32xf32, #tpu.memory_space<vmem>> -> memref<1x128x32xf32, #tpu.memory_space<vmem>>
        %dma_wait3A_356 = tpu.memref_squeeze %dma_wait3A_355 : memref<1x128x32xf32, #tpu.memory_space<vmem>> -> memref<128x32xf32, #tpu.memory_space<vmem>>
        %dma_wait3A_357 = arith.constant 0 : i32
        %dma_wait3A_358 = tpu.memref_slice %arg11[%rem3A_100, %dma_wait3A_352, %dma_wait3A_357] : memref<2x8x128xi32, #tpu.memory_space<vmem>> -> memref<1x1x128xi32, #tpu.memory_space<vmem>>
        %dma_wait3A_359 = tpu.memref_squeeze %dma_wait3A_358 : memref<1x1x128xi32, #tpu.memory_space<vmem>> -> memref<128xi32, #tpu.memory_space<vmem>>
        %dma_wait3A_360 = arith.constant 0 : i32
        %dma_wait3A_361 = arith.constant 0 : i32
        %dma_wait3A_362 = tpu.memref_slice %arg7[%dma_wait3A_360, %dma_wait3A_361] : memref<51200x32xf32, #tpu.memory_space<vmem_shared>> -> memref<51200x32xf32, #tpu.memory_space<vmem_shared>>
        tpu.wait_indirect_dma semaphore(%arg16 : memref<!tpu.dma_semaphore, #tpu.memory_space<semaphore_mem>>) src(%dma_wait3A_356 : memref<128x32xf32, #tpu.memory_space<vmem>>) dst(%dma_wait3A_362 : memref<51200x32xf32, #tpu.memory_space<vmem_shared>>)
        %add3A_363 = arith.constant 1 : i32
        %add3A_364 = arith.addi %scan3A_98, %add3A_363 : i32
        %lt3A_365 = arith.constant 49 : i32
        %lt3A_366 = arith.cmpi slt, %add3A_364, %lt3A_365 : i32
        %convert_element_type3A_367 = arith.extui %lt3A_366 : i1 to i32
        %cond3A_368 = arith.constant 0 : i32
        %cond3A_369 = arith.cmpi ne, %convert_element_type3A_367, %cond3A_368 : i32
        scf.if %cond3A_369 {
          %dma_wait3A_469 = arith.constant 0 : i32
          %dma_wait3A_470 = arith.constant 0 : i32
          %dma_wait3A_471 = tpu.memref_slice %arg10[%sub3A_101, %dma_wait3A_469, %dma_wait3A_470] : memref<2x8x128xi32, #tpu.memory_space<vmem>> -> memref<1x8x128xi32, #tpu.memory_space<vmem>>
          %dma_wait3A_472 = tpu.memref_squeeze %dma_wait3A_471 : memref<1x8x128xi32, #tpu.memory_space<vmem>> -> memref<8x128xi32, #tpu.memory_space<vmem>>
          %dma_wait3A_473 = arith.constant 0 : i32
          %dma_wait3A_474 = arith.constant 0 : i32
          %dma_wait3A_475 = tpu.memref_slice %arg4[%dma_wait3A_473, %dma_wait3A_474] : memref<6272x128xi32, #tpu.memory_space<hbm>> -> memref<8x128xi32, #tpu.memory_space<hbm>>
          %dma_wait3A_476 = arith.constant 0 : i32
          %dma_wait3A_477 = arith.constant 0 : i32
          %dma_wait3A_478 = tpu.memref_slice %arg10[%sub3A_101, %dma_wait3A_476, %dma_wait3A_477] : memref<2x8x128xi32, #tpu.memory_space<vmem>> -> memref<1x8x128xi32, #tpu.memory_space<vmem>>
          %dma_wait3A_479 = tpu.memref_squeeze %dma_wait3A_478 : memref<1x8x128xi32, #tpu.memory_space<vmem>> -> memref<8x128xi32, #tpu.memory_space<vmem>>
          %dma_wait3A_480 = arith.constant 0 : i32
          %dma_wait3A_481 = arith.constant 0 : i32
          %dma_wait3A_482 = tpu.memref_slice %arg4[%dma_wait3A_480, %dma_wait3A_481] : memref<6272x128xi32, #tpu.memory_space<hbm>> -> memref<8x128xi32, #tpu.memory_space<hbm>>
          tpu.wait_dma2 semaphore(%arg17 : memref<!tpu.dma_semaphore, #tpu.memory_space<semaphore_mem>>) src(%dma_wait3A_482 : memref<8x128xi32, #tpu.memory_space<hbm>>) dst(%dma_wait3A_479 : memref<8x128xi32, #tpu.memory_space<vmem>>)
          %dma_wait3A_483 = arith.constant 0 : i32
          %dma_wait3A_484 = arith.constant 0 : i32
          %dma_wait3A_485 = tpu.memref_slice %arg11[%sub3A_101, %dma_wait3A_483, %dma_wait3A_484] : memref<2x8x128xi32, #tpu.memory_space<vmem>> -> memref<1x8x128xi32, #tpu.memory_space<vmem>>
          %dma_wait3A_486 = tpu.memref_squeeze %dma_wait3A_485 : memref<1x8x128xi32, #tpu.memory_space<vmem>> -> memref<8x128xi32, #tpu.memory_space<vmem>>
          %dma_wait3A_487 = arith.constant 0 : i32
          %dma_wait3A_488 = arith.constant 0 : i32
          %dma_wait3A_489 = tpu.memref_slice %arg5[%dma_wait3A_487, %dma_wait3A_488] : memref<6272x128xi32, #tpu.memory_space<hbm>> -> memref<8x128xi32, #tpu.memory_space<hbm>>
          %dma_wait3A_490 = arith.constant 0 : i32
          %dma_wait3A_491 = arith.constant 0 : i32
          %dma_wait3A_492 = tpu.memref_slice %arg11[%sub3A_101, %dma_wait3A_490, %dma_wait3A_491] : memref<2x8x128xi32, #tpu.memory_space<vmem>> -> memref<1x8x128xi32, #tpu.memory_space<vmem>>
          %dma_wait3A_493 = tpu.memref_squeeze %dma_wait3A_492 : memref<1x8x128xi32, #tpu.memory_space<vmem>> -> memref<8x128xi32, #tpu.memory_space<vmem>>
          %dma_wait3A_494 = arith.constant 0 : i32
          %dma_wait3A_495 = arith.constant 0 : i32
          %dma_wait3A_496 = tpu.memref_slice %arg5[%dma_wait3A_494, %dma_wait3A_495] : memref<6272x128xi32, #tpu.memory_space<hbm>> -> memref<8x128xi32, #tpu.memory_space<hbm>>
          tpu.wait_dma2 semaphore(%arg17 : memref<!tpu.dma_semaphore, #tpu.memory_space<semaphore_mem>>) src(%dma_wait3A_496 : memref<8x128xi32, #tpu.memory_space<hbm>>) dst(%dma_wait3A_493 : memref<8x128xi32, #tpu.memory_space<vmem>>)
          %dma_start3A_497 = arith.constant 0 : i32
          %dma_start3A_498 = arith.constant 0 : i32
          %dma_start3A_499 = arith.constant 0 : i32
          %dma_start3A_500 = arith.constant 0 : i32
          %dma_start3A_501 = tpu.memref_slice %arg8[%dma_start3A_498, %dma_start3A_499, %dma_start3A_500] : memref<4x128x32xf32, #tpu.memory_space<vmem>> -> memref<1x128x32xf32, #tpu.memory_space<vmem>>
          %dma_start3A_502 = tpu.memref_squeeze %dma_start3A_501 : memref<1x128x32xf32, #tpu.memory_space<vmem>> -> memref<128x32xf32, #tpu.memory_space<vmem>>
          %dma_start3A_503 = arith.constant 0 : i32
          %dma_start3A_504 = tpu.memref_slice %arg10[%sub3A_101, %dma_start3A_497, %dma_start3A_503] : memref<2x8x128xi32, #tpu.memory_space<vmem>> -> memref<1x1x128xi32, #tpu.memory_space<vmem>>
          %dma_start3A_505 = tpu.memref_squeeze %dma_start3A_504 : memref<1x1x128xi32, #tpu.memory_space<vmem>> -> memref<128xi32, #tpu.memory_space<vmem>>
          %dma_start3A_506 = arith.constant 0 : i32
          %dma_start3A_507 = arith.constant 0 : i32
          %dma_start3A_508 = tpu.memref_slice %arg3[%dma_start3A_506, %dma_start3A_507] : memref<50176x32xf32, #tpu.memory_space<hbm>> -> memref<50176x32xf32, #tpu.memory_space<hbm>>
          tpu.enqueue_indirect_dma source(%dma_start3A_508 : memref<50176x32xf32, #tpu.memory_space<hbm>>) target(%dma_start3A_502 : memref<128x32xf32, #tpu.memory_space<vmem>>) offsets(%dma_start3A_505 : memref<128xi32, #tpu.memory_space<vmem>>) semaphore(%arg12 : memref<!tpu.dma_semaphore, #tpu.memory_space<semaphore_mem>>)
        } else {
        }
        %dma_start3A_370 = arith.constant 1 : i32
        %dma_start3A_371 = arith.constant 5 : i32
        %dma_start3A_372 = arith.constant 0 : i32
        %dma_start3A_373 = arith.constant 0 : i32
        %dma_start3A_374 = tpu.memref_slice %arg8[%dma_start3A_370, %dma_start3A_372, %dma_start3A_373] : memref<4x128x32xf32, #tpu.memory_space<vmem>> -> memref<1x128x32xf32, #tpu.memory_space<vmem>>
        %dma_start3A_375 = tpu.memref_squeeze %dma_start3A_374 : memref<1x128x32xf32, #tpu.memory_space<vmem>> -> memref<128x32xf32, #tpu.memory_space<vmem>>
        %dma_start3A_376 = arith.constant 0 : i32
        %dma_start3A_377 = tpu.memref_slice %arg11[%rem3A_100, %dma_start3A_371, %dma_start3A_376] : memref<2x8x128xi32, #tpu.memory_space<vmem>> -> memref<1x1x128xi32, #tpu.memory_space<vmem>>
        %dma_start3A_378 = tpu.memref_squeeze %dma_start3A_377 : memref<1x1x128xi32, #tpu.memory_space<vmem>> -> memref<128xi32, #tpu.memory_space<vmem>>
        %dma_start3A_379 = arith.constant 0 : i32
        %dma_start3A_380 = arith.constant 0 : i32
        %dma_start3A_381 = tpu.memref_slice %arg7[%dma_start3A_379, %dma_start3A_380] : memref<51200x32xf32, #tpu.memory_space<vmem_shared>> -> memref<51200x32xf32, #tpu.memory_space<vmem_shared>>
        tpu.enqueue_indirect_dma source(%dma_start3A_375 : memref<128x32xf32, #tpu.memory_space<vmem>>) target(%dma_start3A_381 : memref<51200x32xf32, #tpu.memory_space<vmem_shared>>) offsets(%dma_start3A_378 : memref<128xi32, #tpu.memory_space<vmem>>) semaphore(%arg16 : memref<!tpu.dma_semaphore, #tpu.memory_space<semaphore_mem>>) {add = true}
        %dma_wait3A_382 = arith.constant 6 : i32
        %dma_wait3A_383 = arith.constant 2 : i32
        %dma_wait3A_384 = arith.constant 0 : i32
        %dma_wait3A_385 = arith.constant 0 : i32
        %dma_wait3A_386 = tpu.memref_slice %arg8[%dma_wait3A_383, %dma_wait3A_384, %dma_wait3A_385] : memref<4x128x32xf32, #tpu.memory_space<vmem>> -> memref<1x128x32xf32, #tpu.memory_space<vmem>>
        %dma_wait3A_387 = tpu.memref_squeeze %dma_wait3A_386 : memref<1x128x32xf32, #tpu.memory_space<vmem>> -> memref<128x32xf32, #tpu.memory_space<vmem>>
        %dma_wait3A_388 = arith.constant 0 : i32
        %dma_wait3A_389 = tpu.memref_slice %arg10[%rem3A_100, %dma_wait3A_382, %dma_wait3A_388] : memref<2x8x128xi32, #tpu.memory_space<vmem>> -> memref<1x1x128xi32, #tpu.memory_space<vmem>>
        %dma_wait3A_390 = tpu.memref_squeeze %dma_wait3A_389 : memref<1x1x128xi32, #tpu.memory_space<vmem>> -> memref<128xi32, #tpu.memory_space<vmem>>
        %dma_wait3A_391 = arith.constant 0 : i32
        %dma_wait3A_392 = arith.constant 0 : i32
        %dma_wait3A_393 = tpu.memref_slice %arg3[%dma_wait3A_391, %dma_wait3A_392] : memref<50176x32xf32, #tpu.memory_space<hbm>> -> memref<50176x32xf32, #tpu.memory_space<hbm>>
        tpu.wait_indirect_dma semaphore(%arg14 : memref<!tpu.dma_semaphore, #tpu.memory_space<semaphore_mem>>) src(%dma_wait3A_393 : memref<50176x32xf32, #tpu.memory_space<hbm>>) dst(%dma_wait3A_387 : memref<128x32xf32, #tpu.memory_space<vmem>>)
        %dma_wait3A_394 = arith.constant 1 : i32
        %dma_wait3A_395 = arith.constant 5 : i32
        %dma_wait3A_396 = arith.constant 0 : i32
        %dma_wait3A_397 = arith.constant 0 : i32
        %dma_wait3A_398 = tpu.memref_slice %arg8[%dma_wait3A_394, %dma_wait3A_396, %dma_wait3A_397] : memref<4x128x32xf32, #tpu.memory_space<vmem>> -> memref<1x128x32xf32, #tpu.memory_space<vmem>>
        %dma_wait3A_399 = tpu.memref_squeeze %dma_wait3A_398 : memref<1x128x32xf32, #tpu.memory_space<vmem>> -> memref<128x32xf32, #tpu.memory_space<vmem>>
        %dma_wait3A_400 = arith.constant 0 : i32
        %dma_wait3A_401 = tpu.memref_slice %arg11[%rem3A_100, %dma_wait3A_395, %dma_wait3A_400] : memref<2x8x128xi32, #tpu.memory_space<vmem>> -> memref<1x1x128xi32, #tpu.memory_space<vmem>>
        %dma_wait3A_402 = tpu.memref_squeeze %dma_wait3A_401 : memref<1x1x128xi32, #tpu.memory_space<vmem>> -> memref<128xi32, #tpu.memory_space<vmem>>
        %dma_wait3A_403 = arith.constant 0 : i32
        %dma_wait3A_404 = arith.constant 0 : i32
        %dma_wait3A_405 = tpu.memref_slice %arg7[%dma_wait3A_403, %dma_wait3A_404] : memref<51200x32xf32, #tpu.memory_space<vmem_shared>> -> memref<51200x32xf32, #tpu.memory_space<vmem_shared>>
        tpu.wait_indirect_dma semaphore(%arg16 : memref<!tpu.dma_semaphore, #tpu.memory_space<semaphore_mem>>) src(%dma_wait3A_399 : memref<128x32xf32, #tpu.memory_space<vmem>>) dst(%dma_wait3A_405 : memref<51200x32xf32, #tpu.memory_space<vmem_shared>>)
        %add3A_406 = arith.constant 1 : i32
        %add3A_407 = arith.addi %scan3A_98, %add3A_406 : i32
        %lt3A_408 = arith.constant 49 : i32
        %lt3A_409 = arith.cmpi slt, %add3A_407, %lt3A_408 : i32
        %convert_element_type3A_410 = arith.extui %lt3A_409 : i1 to i32
        %cond3A_411 = arith.constant 0 : i32
        %cond3A_412 = arith.cmpi ne, %convert_element_type3A_410, %cond3A_411 : i32
        scf.if %cond3A_412 {
          %dma_start3A_469 = arith.constant 1 : i32
          %dma_start3A_470 = arith.constant 1 : i32
          %dma_start3A_471 = arith.constant 0 : i32
          %dma_start3A_472 = arith.constant 0 : i32
          %dma_start3A_473 = tpu.memref_slice %arg8[%dma_start3A_470, %dma_start3A_471, %dma_start3A_472] : memref<4x128x32xf32, #tpu.memory_space<vmem>> -> memref<1x128x32xf32, #tpu.memory_space<vmem>>
          %dma_start3A_474 = tpu.memref_squeeze %dma_start3A_473 : memref<1x128x32xf32, #tpu.memory_space<vmem>> -> memref<128x32xf32, #tpu.memory_space<vmem>>
          %dma_start3A_475 = arith.constant 0 : i32
          %dma_start3A_476 = tpu.memref_slice %arg10[%sub3A_101, %dma_start3A_469, %dma_start3A_475] : memref<2x8x128xi32, #tpu.memory_space<vmem>> -> memref<1x1x128xi32, #tpu.memory_space<vmem>>
          %dma_start3A_477 = tpu.memref_squeeze %dma_start3A_476 : memref<1x1x128xi32, #tpu.memory_space<vmem>> -> memref<128xi32, #tpu.memory_space<vmem>>
          %dma_start3A_478 = arith.constant 0 : i32
          %dma_start3A_479 = arith.constant 0 : i32
          %dma_start3A_480 = tpu.memref_slice %arg3[%dma_start3A_478, %dma_start3A_479] : memref<50176x32xf32, #tpu.memory_space<hbm>> -> memref<50176x32xf32, #tpu.memory_space<hbm>>
          tpu.enqueue_indirect_dma source(%dma_start3A_480 : memref<50176x32xf32, #tpu.memory_space<hbm>>) target(%dma_start3A_474 : memref<128x32xf32, #tpu.memory_space<vmem>>) offsets(%dma_start3A_477 : memref<128xi32, #tpu.memory_space<vmem>>) semaphore(%arg13 : memref<!tpu.dma_semaphore, #tpu.memory_space<semaphore_mem>>)
        } else {
        }
        %dma_start3A_413 = arith.constant 2 : i32
        %dma_start3A_414 = arith.constant 6 : i32
        %dma_start3A_415 = arith.constant 0 : i32
        %dma_start3A_416 = arith.constant 0 : i32
        %dma_start3A_417 = tpu.memref_slice %arg8[%dma_start3A_413, %dma_start3A_415, %dma_start3A_416] : memref<4x128x32xf32, #tpu.memory_space<vmem>> -> memref<1x128x32xf32, #tpu.memory_space<vmem>>
        %dma_start3A_418 = tpu.memref_squeeze %dma_start3A_417 : memref<1x128x32xf32, #tpu.memory_space<vmem>> -> memref<128x32xf32, #tpu.memory_space<vmem>>
        %dma_start3A_419 = arith.constant 0 : i32
        %dma_start3A_420 = tpu.memref_slice %arg11[%rem3A_100, %dma_start3A_414, %dma_start3A_419] : memref<2x8x128xi32, #tpu.memory_space<vmem>> -> memref<1x1x128xi32, #tpu.memory_space<vmem>>
        %dma_start3A_421 = tpu.memref_squeeze %dma_start3A_420 : memref<1x1x128xi32, #tpu.memory_space<vmem>> -> memref<128xi32, #tpu.memory_space<vmem>>
        %dma_start3A_422 = arith.constant 0 : i32
        %dma_start3A_423 = arith.constant 0 : i32
        %dma_start3A_424 = tpu.memref_slice %arg7[%dma_start3A_422, %dma_start3A_423] : memref<51200x32xf32, #tpu.memory_space<vmem_shared>> -> memref<51200x32xf32, #tpu.memory_space<vmem_shared>>
        tpu.enqueue_indirect_dma source(%dma_start3A_418 : memref<128x32xf32, #tpu.memory_space<vmem>>) target(%dma_start3A_424 : memref<51200x32xf32, #tpu.memory_space<vmem_shared>>) offsets(%dma_start3A_421 : memref<128xi32, #tpu.memory_space<vmem>>) semaphore(%arg16 : memref<!tpu.dma_semaphore, #tpu.memory_space<semaphore_mem>>) {add = true}
        %dma_wait3A_425 = arith.constant 7 : i32
        %dma_wait3A_426 = arith.constant 3 : i32
        %dma_wait3A_427 = arith.constant 0 : i32
        %dma_wait3A_428 = arith.constant 0 : i32
        %dma_wait3A_429 = tpu.memref_slice %arg8[%dma_wait3A_426, %dma_wait3A_427, %dma_wait3A_428] : memref<4x128x32xf32, #tpu.memory_space<vmem>> -> memref<1x128x32xf32, #tpu.memory_space<vmem>>
        %dma_wait3A_430 = tpu.memref_squeeze %dma_wait3A_429 : memref<1x128x32xf32, #tpu.memory_space<vmem>> -> memref<128x32xf32, #tpu.memory_space<vmem>>
        %dma_wait3A_431 = arith.constant 0 : i32
        %dma_wait3A_432 = tpu.memref_slice %arg10[%rem3A_100, %dma_wait3A_425, %dma_wait3A_431] : memref<2x8x128xi32, #tpu.memory_space<vmem>> -> memref<1x1x128xi32, #tpu.memory_space<vmem>>
        %dma_wait3A_433 = tpu.memref_squeeze %dma_wait3A_432 : memref<1x1x128xi32, #tpu.memory_space<vmem>> -> memref<128xi32, #tpu.memory_space<vmem>>
        %dma_wait3A_434 = arith.constant 0 : i32
        %dma_wait3A_435 = arith.constant 0 : i32
        %dma_wait3A_436 = tpu.memref_slice %arg3[%dma_wait3A_434, %dma_wait3A_435] : memref<50176x32xf32, #tpu.memory_space<hbm>> -> memref<50176x32xf32, #tpu.memory_space<hbm>>
        tpu.wait_indirect_dma semaphore(%arg15 : memref<!tpu.dma_semaphore, #tpu.memory_space<semaphore_mem>>) src(%dma_wait3A_436 : memref<50176x32xf32, #tpu.memory_space<hbm>>) dst(%dma_wait3A_430 : memref<128x32xf32, #tpu.memory_space<vmem>>)
        %dma_wait3A_437 = arith.constant 2 : i32
        %dma_wait3A_438 = arith.constant 6 : i32
        %dma_wait3A_439 = arith.constant 0 : i32
        %dma_wait3A_440 = arith.constant 0 : i32
        %dma_wait3A_441 = tpu.memref_slice %arg8[%dma_wait3A_437, %dma_wait3A_439, %dma_wait3A_440] : memref<4x128x32xf32, #tpu.memory_space<vmem>> -> memref<1x128x32xf32, #tpu.memory_space<vmem>>
        %dma_wait3A_442 = tpu.memref_squeeze %dma_wait3A_441 : memref<1x128x32xf32, #tpu.memory_space<vmem>> -> memref<128x32xf32, #tpu.memory_space<vmem>>
        %dma_wait3A_443 = arith.constant 0 : i32
        %dma_wait3A_444 = tpu.memref_slice %arg11[%rem3A_100, %dma_wait3A_438, %dma_wait3A_443] : memref<2x8x128xi32, #tpu.memory_space<vmem>> -> memref<1x1x128xi32, #tpu.memory_space<vmem>>
        %dma_wait3A_445 = tpu.memref_squeeze %dma_wait3A_444 : memref<1x1x128xi32, #tpu.memory_space<vmem>> -> memref<128xi32, #tpu.memory_space<vmem>>
        %dma_wait3A_446 = arith.constant 0 : i32
        %dma_wait3A_447 = arith.constant 0 : i32
        %dma_wait3A_448 = tpu.memref_slice %arg7[%dma_wait3A_446, %dma_wait3A_447] : memref<51200x32xf32, #tpu.memory_space<vmem_shared>> -> memref<51200x32xf32, #tpu.memory_space<vmem_shared>>
        tpu.wait_indirect_dma semaphore(%arg16 : memref<!tpu.dma_semaphore, #tpu.memory_space<semaphore_mem>>) src(%dma_wait3A_442 : memref<128x32xf32, #tpu.memory_space<vmem>>) dst(%dma_wait3A_448 : memref<51200x32xf32, #tpu.memory_space<vmem_shared>>)
        %add3A_449 = arith.constant 1 : i32
        %add3A_450 = arith.addi %scan3A_98, %add3A_449 : i32
        %lt3A_451 = arith.constant 49 : i32
        %lt3A_452 = arith.cmpi slt, %add3A_450, %lt3A_451 : i32
        %convert_element_type3A_453 = arith.extui %lt3A_452 : i1 to i32
        %cond3A_454 = arith.constant 0 : i32
        %cond3A_455 = arith.cmpi ne, %convert_element_type3A_453, %cond3A_454 : i32
        scf.if %cond3A_455 {
          %dma_start3A_469 = arith.constant 2 : i32
          %dma_start3A_470 = arith.constant 2 : i32
          %dma_start3A_471 = arith.constant 0 : i32
          %dma_start3A_472 = arith.constant 0 : i32
          %dma_start3A_473 = tpu.memref_slice %arg8[%dma_start3A_470, %dma_start3A_471, %dma_start3A_472] : memref<4x128x32xf32, #tpu.memory_space<vmem>> -> memref<1x128x32xf32, #tpu.memory_space<vmem>>
          %dma_start3A_474 = tpu.memref_squeeze %dma_start3A_473 : memref<1x128x32xf32, #tpu.memory_space<vmem>> -> memref<128x32xf32, #tpu.memory_space<vmem>>
          %dma_start3A_475 = arith.constant 0 : i32
          %dma_start3A_476 = tpu.memref_slice %arg10[%sub3A_101, %dma_start3A_469, %dma_start3A_475] : memref<2x8x128xi32, #tpu.memory_space<vmem>> -> memref<1x1x128xi32, #tpu.memory_space<vmem>>
          %dma_start3A_477 = tpu.memref_squeeze %dma_start3A_476 : memref<1x1x128xi32, #tpu.memory_space<vmem>> -> memref<128xi32, #tpu.memory_space<vmem>>
          %dma_start3A_478 = arith.constant 0 : i32
          %dma_start3A_479 = arith.constant 0 : i32
          %dma_start3A_480 = tpu.memref_slice %arg3[%dma_start3A_478, %dma_start3A_479] : memref<50176x32xf32, #tpu.memory_space<hbm>> -> memref<50176x32xf32, #tpu.memory_space<hbm>>
          tpu.enqueue_indirect_dma source(%dma_start3A_480 : memref<50176x32xf32, #tpu.memory_space<hbm>>) target(%dma_start3A_474 : memref<128x32xf32, #tpu.memory_space<vmem>>) offsets(%dma_start3A_477 : memref<128xi32, #tpu.memory_space<vmem>>) semaphore(%arg14 : memref<!tpu.dma_semaphore, #tpu.memory_space<semaphore_mem>>)
        } else {
        }
        %dma_start3A_456 = arith.constant 3 : i32
        %dma_start3A_457 = arith.constant 7 : i32
        %dma_start3A_458 = arith.constant 0 : i32
        %dma_start3A_459 = arith.constant 0 : i32
        %dma_start3A_460 = tpu.memref_slice %arg8[%dma_start3A_456, %dma_start3A_458, %dma_start3A_459] : memref<4x128x32xf32, #tpu.memory_space<vmem>> -> memref<1x128x32xf32, #tpu.memory_space<vmem>>
        %dma_start3A_461 = tpu.memref_squeeze %dma_start3A_460 : memref<1x128x32xf32, #tpu.memory_space<vmem>> -> memref<128x32xf32, #tpu.memory_space<vmem>>
        %dma_start3A_462 = arith.constant 0 : i32
        %dma_start3A_463 = tpu.memref_slice %arg11[%rem3A_100, %dma_start3A_457, %dma_start3A_462] : memref<2x8x128xi32, #tpu.memory_space<vmem>> -> memref<1x1x128xi32, #tpu.memory_space<vmem>>
        %dma_start3A_464 = tpu.memref_squeeze %dma_start3A_463 : memref<1x1x128xi32, #tpu.memory_space<vmem>> -> memref<128xi32, #tpu.memory_space<vmem>>
        %dma_start3A_465 = arith.constant 0 : i32
        %dma_start3A_466 = arith.constant 0 : i32
        %dma_start3A_467 = tpu.memref_slice %arg7[%dma_start3A_465, %dma_start3A_466] : memref<51200x32xf32, #tpu.memory_space<vmem_shared>> -> memref<51200x32xf32, #tpu.memory_space<vmem_shared>>
        tpu.enqueue_indirect_dma source(%dma_start3A_461 : memref<128x32xf32, #tpu.memory_space<vmem>>) target(%dma_start3A_467 : memref<51200x32xf32, #tpu.memory_space<vmem_shared>>) offsets(%dma_start3A_464 : memref<128xi32, #tpu.memory_space<vmem>>) semaphore(%arg16 : memref<!tpu.dma_semaphore, #tpu.memory_space<semaphore_mem>>) {add = true}
        %scan3A_468 = arith.constant 0 : i32
        scf.yield %scan3A_468 : i32
      }
      %scan3A_85 = arith.constant 49 : i32
      %dma_wait3A = arith.constant 3 : i32
      %dma_wait3A_86 = arith.constant 0 : i32
      %dma_wait3A_87 = arith.constant 7 : i32
      %dma_wait3A_88 = arith.constant 0 : i32
      %dma_wait3A_89 = arith.constant 0 : i32
      %dma_wait3A_90 = tpu.memref_slice %arg8[%dma_wait3A, %dma_wait3A_88, %dma_wait3A_89] : memref<4x128x32xf32, #tpu.memory_space<vmem>> -> memref<1x128x32xf32, #tpu.memory_space<vmem>>
      %dma_wait3A_91 = tpu.memref_squeeze %dma_wait3A_90 : memref<1x128x32xf32, #tpu.memory_space<vmem>> -> memref<128x32xf32, #tpu.memory_space<vmem>>
      %dma_wait3A_92 = arith.constant 0 : i32
      %dma_wait3A_93 = tpu.memref_slice %arg11[%dma_wait3A_86, %dma_wait3A_87, %dma_wait3A_92] : memref<2x8x128xi32, #tpu.memory_space<vmem>> -> memref<1x1x128xi32, #tpu.memory_space<vmem>>
      %dma_wait3A_94 = tpu.memref_squeeze %dma_wait3A_93 : memref<1x1x128xi32, #tpu.memory_space<vmem>> -> memref<128xi32, #tpu.memory_space<vmem>>
      %dma_wait3A_95 = arith.constant 0 : i32
      %dma_wait3A_96 = arith.constant 0 : i32
      %dma_wait3A_97 = tpu.memref_slice %arg7[%dma_wait3A_95, %dma_wait3A_96] : memref<51200x32xf32, #tpu.memory_space<vmem_shared>> -> memref<51200x32xf32, #tpu.memory_space<vmem_shared>>
      tpu.wait_indirect_dma semaphore(%arg16 : memref<!tpu.dma_semaphore, #tpu.memory_space<semaphore_mem>>) src(%dma_wait3A_91 : memref<128x32xf32, #tpu.memory_space<vmem>>) dst(%dma_wait3A_97 : memref<51200x32xf32, #tpu.memory_space<vmem_shared>>)
    } else {
    }
    %barrier3A = arith.constant 0 : index
    tpu.barrier barrier_id(%barrier3A)
    %eq3A_22 = arith.constant 0 : i32
    %eq3A_23 = arith.cmpi eq, %arg0, %eq3A_22 : i32
    %convert_element_type3A_24 = arith.extui %eq3A_23 : i1 to i32
    %cond3A_25 = arith.constant 0 : i32
    %cond3A_26 = arith.cmpi ne, %convert_element_type3A_24, %cond3A_25 : i32
    scf.if %cond3A_26 {
      %mul3A_32 = arith.constant 3200 : i32
      %mul3A_33 = arith.muli %arg1, %mul3A_32 : i32
      %mul3A_34 = arith.constant 3200 : i32
      %mul3A_35 = arith.muli %arg1, %mul3A_34 : i32
      %run_scoped3A = arith.constant 0 : i32
      "tpu.region"() ({
        %run_scoped3A_36 = tpu.sem_alloc : memref<!tpu.dma_semaphore, #tpu.memory_space<semaphore_mem>>
        %dma_start3A = arith.constant 0 : i32
        %dma_start3A_37 = tpu.memref_slice %arg6[%run_scoped3A, %mul3A_35, %dma_start3A] : memref<2x51200x32xf32, #tpu.memory_space<hbm>> -> memref<1x3200x32xf32, #tpu.memory_space<hbm>>
        %dma_start3A_38 = tpu.memref_squeeze %dma_start3A_37 : memref<1x3200x32xf32, #tpu.memory_space<hbm>> -> memref<3200x32xf32, #tpu.memory_space<hbm>>
        %dma_start3A_39 = arith.constant 0 : i32
        %dma_start3A_40 = tpu.memref_slice %arg7[%mul3A_33, %dma_start3A_39] : memref<51200x32xf32, #tpu.memory_space<vmem_shared>> -> memref<3200x32xf32, #tpu.memory_space<vmem_shared>>
        tpu.enqueue_dma source(%dma_start3A_40 : memref<3200x32xf32, #tpu.memory_space<vmem_shared>>) target(%dma_start3A_38 : memref<3200x32xf32, #tpu.memory_space<hbm>>) target_semaphore(%run_scoped3A_36 : memref<!tpu.dma_semaphore, #tpu.memory_space<semaphore_mem>>)
        %dma_wait3A = arith.constant 0 : i32
        %dma_wait3A_41 = tpu.memref_slice %arg6[%run_scoped3A, %mul3A_35, %dma_wait3A] : memref<2x51200x32xf32, #tpu.memory_space<hbm>> -> memref<1x3200x32xf32, #tpu.memory_space<hbm>>
        %dma_wait3A_42 = tpu.memref_squeeze %dma_wait3A_41 : memref<1x3200x32xf32, #tpu.memory_space<hbm>> -> memref<3200x32xf32, #tpu.memory_space<hbm>>
        %dma_wait3A_43 = arith.constant 0 : i32
        %dma_wait3A_44 = tpu.memref_slice %arg7[%mul3A_33, %dma_wait3A_43] : memref<51200x32xf32, #tpu.memory_space<vmem_shared>> -> memref<3200x32xf32, #tpu.memory_space<vmem_shared>>
        tpu.wait_dma2 semaphore(%run_scoped3A_36 : memref<!tpu.dma_semaphore, #tpu.memory_space<semaphore_mem>>) src(%dma_wait3A_44 : memref<3200x32xf32, #tpu.memory_space<vmem_shared>>) dst(%dma_wait3A_42 : memref<3200x32xf32, #tpu.memory_space<hbm>>)
        tpu.yield
      }) : () -> ()
    } else {
    }
    %eq3A_27 = arith.constant 1 : i32
    %eq3A_28 = arith.cmpi eq, %arg0, %eq3A_27 : i32
    %convert_element_type3A_29 = arith.extui %eq3A_28 : i1 to i32
    %cond3A_30 = arith.constant 0 : i32
    %cond3A_31 = arith.cmpi ne, %convert_element_type3A_29, %cond3A_30 : i32
    scf.if %cond3A_31 {
      %mul3A_32 = arith.constant 3200 : i32
      %mul3A_33 = arith.muli %arg1, %mul3A_32 : i32
      %mul3A_34 = arith.constant 3200 : i32
      %mul3A_35 = arith.muli %arg1, %mul3A_34 : i32
      %run_scoped3A = arith.constant 1 : i32
      "tpu.region"() ({
        %run_scoped3A_36 = tpu.sem_alloc : memref<!tpu.dma_semaphore, #tpu.memory_space<semaphore_mem>>
        %dma_start3A = arith.constant 0 : i32
        %dma_start3A_37 = tpu.memref_slice %arg6[%run_scoped3A, %mul3A_35, %dma_start3A] : memref<2x51200x32xf32, #tpu.memory_space<hbm>> -> memref<1x3200x32xf32, #tpu.memory_space<hbm>>
        %dma_start3A_38 = tpu.memref_squeeze %dma_start3A_37 : memref<1x3200x32xf32, #tpu.memory_space<hbm>> -> memref<3200x32xf32, #tpu.memory_space<hbm>>
        %dma_start3A_39 = arith.constant 0 : i32
        %dma_start3A_40 = tpu.memref_slice %arg7[%mul3A_33, %dma_start3A_39] : memref<51200x32xf32, #tpu.memory_space<vmem_shared>> -> memref<3200x32xf32, #tpu.memory_space<vmem_shared>>
        tpu.enqueue_dma source(%dma_start3A_40 : memref<3200x32xf32, #tpu.memory_space<vmem_shared>>) target(%dma_start3A_38 : memref<3200x32xf32, #tpu.memory_space<hbm>>) target_semaphore(%run_scoped3A_36 : memref<!tpu.dma_semaphore, #tpu.memory_space<semaphore_mem>>)
        %dma_wait3A = arith.constant 0 : i32
        %dma_wait3A_41 = tpu.memref_slice %arg6[%run_scoped3A, %mul3A_35, %dma_wait3A] : memref<2x51200x32xf32, #tpu.memory_space<hbm>> -> memref<1x3200x32xf32, #tpu.memory_space<hbm>>
        %dma_wait3A_42 = tpu.memref_squeeze %dma_wait3A_41 : memref<1x3200x32xf32, #tpu.memory_space<hbm>> -> memref<3200x32xf32, #tpu.memory_space<hbm>>
        %dma_wait3A_43 = arith.constant 0 : i32
        %dma_wait3A_44 = tpu.memref_slice %arg7[%mul3A_33, %dma_wait3A_43] : memref<51200x32xf32, #tpu.memory_space<vmem_shared>> -> memref<3200x32xf32, #tpu.memory_space<vmem_shared>>
        tpu.wait_dma2 semaphore(%run_scoped3A_36 : memref<!tpu.dma_semaphore, #tpu.memory_space<semaphore_mem>>) src(%dma_wait3A_44 : memref<3200x32xf32, #tpu.memory_space<vmem_shared>>) dst(%dma_wait3A_42 : memref<3200x32xf32, #tpu.memory_space<hbm>>)
        tpu.yield
      }) : () -> ()
    } else {
    }
    return
  }
}

#map = affine_map<(d0, d1) -> (0, 0)>
module attributes {stable_mosaic.version = 14 : i64} {
  func.func @_deg_body(%arg0: i32, %arg1: i32, %arg2: memref<6272x128xi32, #tpu.memory_space<hbm>>, %arg3: memref<2x51200xf32, #tpu.memory_space<hbm>>, %arg4: memref<51200xf32, #tpu.memory_space<vmem_shared>>, %arg5: memref<3200xf32, #tpu.memory_space<vmem>>, %arg6: memref<128xf32, #tpu.memory_space<vmem>>, %arg7: memref<2x4x128xi32, #tpu.memory_space<vmem>>, %arg8: memref<!tpu.dma_semaphore, #tpu.memory_space<semaphore_mem>>, %arg9: memref<!tpu.dma_semaphore, #tpu.memory_space<semaphore_mem>>, %arg10: memref<!tpu.dma_semaphore, #tpu.memory_space<semaphore_mem>>) attributes {dimension_semantics = [#tpu.dimension_semantics<core_parallel>, #tpu.dimension_semantics<subcore_parallel>], iteration_bounds = array<i64: 2, 16>, scalar_prefetch = 0 : i64, scratch_operands = 7 : i64, tpu.core_type = #tpu.core_type<sc_vector_subcore>, window_params = [{transform_indices = #map}, {transform_indices = #map}]} {
    %mul3A = arith.constant 2 : i32
    %mul3A_0 = arith.muli %arg1, %mul3A : i32
    %add3A = arith.addi %mul3A_0, %arg0 : i32
    %broadcast_in_dim3A = arith.constant 0.000000e+00 : f32
    %broadcast_in_dim3A_1 = vector.broadcast %broadcast_in_dim3A : f32 to vector<16xf32>
    %scan3A = arith.constant 0 : i32
    %scan3A_2 = arith.constant 0 : i32
    %scan3A_3 = arith.constant 200 : i32
    %scan3A_4 = arith.addi %scan3A_2, %scan3A_3 : i32
    %scan3A_5 = arith.constant 1 : i32
    %scan3A_6 = scf.for %scan3A_47 = %scan3A_2 to %scan3A_4 step %scan3A_5 iter_args(%scan3A_48 = %scan3A) -> (i32)  : i32 {
      %mul3A_49 = arith.constant 16 : i32
      %mul3A_50 = arith.muli %scan3A_47, %mul3A_49 : i32
      %swap3A = arith.index_cast %mul3A_50 : i32 to index
      %swap3A_51 = tpu.vector_load %arg5[%swap3A] {strides = array<i32>} : memref<3200xf32, #tpu.memory_space<vmem>>, vector<16xf32>,
      %swap3A_52 = vector.shape_cast %swap3A_51 : vector<16xf32> to vector<16xf32>
      %swap3A_53 = vector.shape_cast %broadcast_in_dim3A_1 : vector<16xf32> to vector<16xf32>
      tpu.vector_store %arg5[%swap3A], %swap3A_53 {strides = array<i32>} : memref<3200xf32, #tpu.memory_space<vmem>>, vector<16xf32>,
      %scan3A_54 = arith.constant 0 : i32
      scf.yield %scan3A_54 : i32
    }
    %scan3A_7 = arith.constant 200 : i32
    %scan3A_8 = arith.constant 0 : i32
    %scan3A_9 = arith.constant 0 : i32
    %scan3A_10 = arith.constant 8 : i32
    %scan3A_11 = arith.addi %scan3A_9, %scan3A_10 : i32
    %scan3A_12 = arith.constant 1 : i32
    %scan3A_13 = scf.for %scan3A_47 = %scan3A_9 to %scan3A_11 step %scan3A_12 iter_args(%scan3A_48 = %scan3A_8) -> (i32)  : i32 {
      %add3A_49 = arith.constant 1.000000e+00 : f32
      %add3A_50 = vector.broadcast %add3A_49 : f32 to vector<16xf32>
      %add3A_51 = arith.addf %broadcast_in_dim3A_1, %add3A_50 : vector<16xf32>
      %mul3A_52 = arith.constant 16 : i32
      %mul3A_53 = arith.muli %scan3A_47, %mul3A_52 : i32
      %swap3A = arith.index_cast %mul3A_53 : i32 to index
      %swap3A_54 = tpu.vector_load %arg6[%swap3A] {strides = array<i32>} : memref<128xf32, #tpu.memory_space<vmem>>, vector<16xf32>,
      %swap3A_55 = vector.shape_cast %swap3A_54 : vector<16xf32> to vector<16xf32>
      %swap3A_56 = vector.shape_cast %add3A_51 : vector<16xf32> to vector<16xf32>
      tpu.vector_store %arg6[%swap3A], %swap3A_56 {strides = array<i32>} : memref<128xf32, #tpu.memory_space<vmem>>, vector<16xf32>,
      %scan3A_57 = arith.constant 0 : i32
      scf.yield %scan3A_57 : i32
    }
    %scan3A_14 = arith.constant 8 : i32
    %mul3A_15 = arith.constant 3200 : i32
    %mul3A_16 = arith.muli %arg1, %mul3A_15 : i32
    "tpu.region"() ({
      %run_scoped3A_47 = tpu.sem_alloc : memref<!tpu.dma_semaphore, #tpu.memory_space<semaphore_mem>>
      %dma_start3A = tpu.memref_slice %arg4[%mul3A_16] : memref<51200xf32, #tpu.memory_space<vmem_shared>> -> memref<3200xf32, #tpu.memory_space<vmem_shared>>
      %dma_start3A_48 = tpu.memref_slice %arg4[%mul3A_16] : memref<51200xf32, #tpu.memory_space<vmem_shared>> -> memref<3200xf32, #tpu.memory_space<vmem_shared>>
      tpu.enqueue_dma source(%arg5 : memref<3200xf32, #tpu.memory_space<vmem>>) target(%dma_start3A_48 : memref<3200xf32, #tpu.memory_space<vmem_shared>>) target_semaphore(%run_scoped3A_47 : memref<!tpu.dma_semaphore, #tpu.memory_space<semaphore_mem>>)
      %dma_wait3A_49 = tpu.memref_slice %arg4[%mul3A_16] : memref<51200xf32, #tpu.memory_space<vmem_shared>> -> memref<3200xf32, #tpu.memory_space<vmem_shared>>
      %dma_wait3A_50 = tpu.memref_slice %arg4[%mul3A_16] : memref<51200xf32, #tpu.memory_space<vmem_shared>> -> memref<3200xf32, #tpu.memory_space<vmem_shared>>
      tpu.wait_dma2 semaphore(%run_scoped3A_47 : memref<!tpu.dma_semaphore, #tpu.memory_space<semaphore_mem>>) src(%arg5 : memref<3200xf32, #tpu.memory_space<vmem>>) dst(%dma_wait3A_50 : memref<3200xf32, #tpu.memory_space<vmem_shared>>)
      tpu.yield
    }) : () -> ()
    %barrier3A = arith.constant 0 : index
    tpu.barrier barrier_id(%barrier3A)
    %mul3A_17 = arith.constant 196 : i32
    %mul3A_18 = arith.muli %add3A, %mul3A_17 : i32
    %run_scoped3A = arith.constant 0 : i32
    "tpu.region"() ({
      %run_scoped3A_47 = tpu.sem_alloc : memref<!tpu.dma_semaphore, #tpu.memory_space<semaphore_mem>>
      %dma_start3A = arith.constant 0 : i32
      %dma_start3A_48 = arith.constant 0 : i32
      %dma_start3A_49 = tpu.memref_slice %arg7[%run_scoped3A, %dma_start3A, %dma_start3A_48] : memref<2x4x128xi32, #tpu.memory_space<vmem>> -> memref<1x4x128xi32, #tpu.memory_space<vmem>>
      %dma_start3A_50 = tpu.memref_squeeze %dma_start3A_49 : memref<1x4x128xi32, #tpu.memory_space<vmem>> -> memref<4x128xi32, #tpu.memory_space<vmem>>
      %dma_start3A_51 = arith.constant 0 : i32
      %dma_start3A_52 = tpu.memref_slice %arg2[%mul3A_18, %dma_start3A_51] : memref<6272x128xi32, #tpu.memory_space<hbm>> -> memref<4x128xi32, #tpu.memory_space<hbm>>
      %dma_start3A_53 = arith.constant 0 : i32
      %dma_start3A_54 = arith.constant 0 : i32
      %dma_start3A_55 = tpu.memref_slice %arg7[%run_scoped3A, %dma_start3A_53, %dma_start3A_54] : memref<2x4x128xi32, #tpu.memory_space<vmem>> -> memref<1x4x128xi32, #tpu.memory_space<vmem>>
      %dma_start3A_56 = tpu.memref_squeeze %dma_start3A_55 : memref<1x4x128xi32, #tpu.memory_space<vmem>> -> memref<4x128xi32, #tpu.memory_space<vmem>>
      %dma_start3A_57 = arith.constant 0 : i32
      %dma_start3A_58 = tpu.memref_slice %arg2[%mul3A_18, %dma_start3A_57] : memref<6272x128xi32, #tpu.memory_space<hbm>> -> memref<4x128xi32, #tpu.memory_space<hbm>>
      tpu.enqueue_dma source(%dma_start3A_58 : memref<4x128xi32, #tpu.memory_space<hbm>>) target(%dma_start3A_56 : memref<4x128xi32, #tpu.memory_space<vmem>>) target_semaphore(%run_scoped3A_47 : memref<!tpu.dma_semaphore, #tpu.memory_space<semaphore_mem>>)
      %dma_wait3A_59 = arith.constant 0 : i32
      %dma_wait3A_60 = arith.constant 0 : i32
      %dma_wait3A_61 = tpu.memref_slice %arg7[%run_scoped3A, %dma_wait3A_59, %dma_wait3A_60] : memref<2x4x128xi32, #tpu.memory_space<vmem>> -> memref<1x4x128xi32, #tpu.memory_space<vmem>>
      %dma_wait3A_62 = tpu.memref_squeeze %dma_wait3A_61 : memref<1x4x128xi32, #tpu.memory_space<vmem>> -> memref<4x128xi32, #tpu.memory_space<vmem>>
      %dma_wait3A_63 = arith.constant 0 : i32
      %dma_wait3A_64 = tpu.memref_slice %arg2[%mul3A_18, %dma_wait3A_63] : memref<6272x128xi32, #tpu.memory_space<hbm>> -> memref<4x128xi32, #tpu.memory_space<hbm>>
      %dma_wait3A_65 = arith.constant 0 : i32
      %dma_wait3A_66 = arith.constant 0 : i32
      %dma_wait3A_67 = tpu.memref_slice %arg7[%run_scoped3A, %dma_wait3A_65, %dma_wait3A_66] : memref<2x4x128xi32, #tpu.memory_space<vmem>> -> memref<1x4x128xi32, #tpu.memory_space<vmem>>
      %dma_wait3A_68 = tpu.memref_squeeze %dma_wait3A_67 : memref<1x4x128xi32, #tpu.memory_space<vmem>> -> memref<4x128xi32, #tpu.memory_space<vmem>>
      %dma_wait3A_69 = arith.constant 0 : i32
      %dma_wait3A_70 = tpu.memref_slice %arg2[%mul3A_18, %dma_wait3A_69] : memref<6272x128xi32, #tpu.memory_space<hbm>> -> memref<4x128xi32, #tpu.memory_space<hbm>>
      tpu.wait_dma2 semaphore(%run_scoped3A_47 : memref<!tpu.dma_semaphore, #tpu.memory_space<semaphore_mem>>) src(%dma_wait3A_70 : memref<4x128xi32, #tpu.memory_space<hbm>>) dst(%dma_wait3A_68 : memref<4x128xi32, #tpu.memory_space<vmem>>)
      tpu.yield
    }) : () -> ()
    %scan3A_19 = arith.constant 0 : i32
    %scan3A_20 = arith.constant 0 : i32
    %scan3A_21 = arith.constant 49 : i32
    %scan3A_22 = arith.addi %scan3A_20, %scan3A_21 : i32
    %scan3A_23 = arith.constant 1 : i32
    %scan3A_24 = scf.for %scan3A_47 = %scan3A_20 to %scan3A_22 step %scan3A_23 iter_args(%scan3A_48 = %scan3A_19) -> (i32)  : i32 {
      %rem3A = arith.constant 2 : i32
      %rem3A_49 = arith.remsi %scan3A_47, %rem3A : i32
      %sub3A = arith.constant 1 : i32
      %sub3A_50 = arith.subi %sub3A, %rem3A_49 : i32
      %add3A_51 = arith.constant 1 : i32
      %add3A_52 = arith.addi %scan3A_47, %add3A_51 : i32
      %lt3A = arith.constant 49 : i32
      %lt3A_53 = arith.cmpi slt, %add3A_52, %lt3A : i32
      %convert_element_type3A_54 = arith.extui %lt3A_53 : i1 to i32
      %cond3A_55 = arith.constant 0 : i32
      %cond3A_56 = arith.cmpi ne, %convert_element_type3A_54, %cond3A_55 : i32
      scf.if %cond3A_56 {
        %add3A_109 = arith.constant 1 : i32
        %add3A_110 = arith.addi %scan3A_47, %add3A_109 : i32
        %mul3A_111 = arith.constant 4 : i32
        %mul3A_112 = arith.muli %add3A_110, %mul3A_111 : i32
        %add3A_113 = arith.addi %mul3A_18, %mul3A_112 : i32
        %dma_start3A_114 = arith.constant 0 : i32
        %dma_start3A_115 = arith.constant 0 : i32
        %dma_start3A_116 = tpu.memref_slice %arg7[%sub3A_50, %dma_start3A_114, %dma_start3A_115] : memref<2x4x128xi32, #tpu.memory_space<vmem>> -> memref<1x4x128xi32, #tpu.memory_space<vmem>>
        %dma_start3A_117 = tpu.memref_squeeze %dma_start3A_116 : memref<1x4x128xi32, #tpu.memory_space<vmem>> -> memref<4x128xi32, #tpu.memory_space<vmem>>
        %dma_start3A_118 = arith.constant 0 : i32
        %dma_start3A_119 = tpu.memref_slice %arg2[%add3A_113, %dma_start3A_118] : memref<6272x128xi32, #tpu.memory_space<hbm>> -> memref<4x128xi32, #tpu.memory_space<hbm>>
        %dma_start3A_120 = arith.constant 0 : i32
        %dma_start3A_121 = arith.constant 0 : i32
        %dma_start3A_122 = tpu.memref_slice %arg7[%sub3A_50, %dma_start3A_120, %dma_start3A_121] : memref<2x4x128xi32, #tpu.memory_space<vmem>> -> memref<1x4x128xi32, #tpu.memory_space<vmem>>
        %dma_start3A_123 = tpu.memref_squeeze %dma_start3A_122 : memref<1x4x128xi32, #tpu.memory_space<vmem>> -> memref<4x128xi32, #tpu.memory_space<vmem>>
        %dma_start3A_124 = arith.constant 0 : i32
        %dma_start3A_125 = tpu.memref_slice %arg2[%add3A_113, %dma_start3A_124] : memref<6272x128xi32, #tpu.memory_space<hbm>> -> memref<4x128xi32, #tpu.memory_space<hbm>>
        tpu.enqueue_dma source(%dma_start3A_125 : memref<4x128xi32, #tpu.memory_space<hbm>>) target(%dma_start3A_123 : memref<4x128xi32, #tpu.memory_space<vmem>>) target_semaphore(%arg8 : memref<!tpu.dma_semaphore, #tpu.memory_space<semaphore_mem>>)
      } else {
      }
      %gt3A = arith.constant 0 : i32
      %gt3A_57 = arith.cmpi sgt, %scan3A_47, %gt3A : i32
      %convert_element_type3A_58 = arith.extui %gt3A_57 : i1 to i32
      %cond3A_59 = arith.constant 0 : i32
      %cond3A_60 = arith.cmpi ne, %convert_element_type3A_58, %cond3A_59 : i32
      scf.if %cond3A_60 {
        %add3A_109 = arith.constant 1 : i32
        %add3A_110 = arith.addi %scan3A_47, %add3A_109 : i32
        %rem3A_111 = arith.constant 2 : i32
        %rem3A_112 = arith.remsi %add3A_110, %rem3A_111 : i32
        %dma_wait3A_113 = arith.constant 2 : i32
        %dma_wait3A_114 = arith.constant 0 : i32
        %dma_wait3A_115 = tpu.memref_slice %arg7[%rem3A_112, %dma_wait3A_113, %dma_wait3A_114] : memref<2x4x128xi32, #tpu.memory_space<vmem>> -> memref<1x1x128xi32, #tpu.memory_space<vmem>>
        %dma_wait3A_116 = tpu.memref_squeeze %dma_wait3A_115 : memref<1x1x128xi32, #tpu.memory_space<vmem>> -> memref<128xi32, #tpu.memory_space<vmem>>
        %dma_wait3A_117 = arith.constant 0 : i32
        %dma_wait3A_118 = tpu.memref_slice %arg4[%dma_wait3A_117] : memref<51200xf32, #tpu.memory_space<vmem_shared>> -> memref<51200xf32, #tpu.memory_space<vmem_shared>>
        tpu.wait_indirect_dma semaphore(%arg9 : memref<!tpu.dma_semaphore, #tpu.memory_space<semaphore_mem>>) src(%arg6 : memref<128xf32, #tpu.memory_space<vmem>>) dst(%dma_wait3A_118 : memref<51200xf32, #tpu.memory_space<vmem_shared>>)
      } else {
      }
      %dma_start3A = arith.constant 0 : i32
      %dma_start3A_61 = arith.constant 0 : i32
      %dma_start3A_62 = tpu.memref_slice %arg7[%rem3A_49, %dma_start3A, %dma_start3A_61] : memref<2x4x128xi32, #tpu.memory_space<vmem>> -> memref<1x1x128xi32, #tpu.memory_space<vmem>>
      %dma_start3A_63 = tpu.memref_squeeze %dma_start3A_62 : memref<1x1x128xi32, #tpu.memory_space<vmem>> -> memref<128xi32, #tpu.memory_space<vmem>>
      %dma_start3A_64 = arith.constant 0 : i32
      %dma_start3A_65 = tpu.memref_slice %arg4[%dma_start3A_64] : memref<51200xf32, #tpu.memory_space<vmem_shared>> -> memref<51200xf32, #tpu.memory_space<vmem_shared>>
      tpu.enqueue_indirect_dma source(%arg6 : memref<128xf32, #tpu.memory_space<vmem>>) target(%dma_start3A_65 : memref<51200xf32, #tpu.memory_space<vmem_shared>>) offsets(%dma_start3A_63 : memref<128xi32, #tpu.memory_space<vmem>>) semaphore(%arg9 : memref<!tpu.dma_semaphore, #tpu.memory_space<semaphore_mem>>) {add = true}
      %gt3A_66 = arith.constant 0 : i32
      %gt3A_67 = arith.cmpi sgt, %scan3A_47, %gt3A_66 : i32
      %convert_element_type3A_68 = arith.extui %gt3A_67 : i1 to i32
      %cond3A_69 = arith.constant 0 : i32
      %cond3A_70 = arith.cmpi ne, %convert_element_type3A_68, %cond3A_69 : i32
      scf.if %cond3A_70 {
        %add3A_109 = arith.constant 1 : i32
        %add3A_110 = arith.addi %scan3A_47, %add3A_109 : i32
        %rem3A_111 = arith.constant 2 : i32
        %rem3A_112 = arith.remsi %add3A_110, %rem3A_111 : i32
        %dma_wait3A_113 = arith.constant 3 : i32
        %dma_wait3A_114 = arith.constant 0 : i32
        %dma_wait3A_115 = tpu.memref_slice %arg7[%rem3A_112, %dma_wait3A_113, %dma_wait3A_114] : memref<2x4x128xi32, #tpu.memory_space<vmem>> -> memref<1x1x128xi32, #tpu.memory_space<vmem>>
        %dma_wait3A_116 = tpu.memref_squeeze %dma_wait3A_115 : memref<1x1x128xi32, #tpu.memory_space<vmem>> -> memref<128xi32, #tpu.memory_space<vmem>>
        %dma_wait3A_117 = arith.constant 0 : i32
        %dma_wait3A_118 = tpu.memref_slice %arg4[%dma_wait3A_117] : memref<51200xf32, #tpu.memory_space<vmem_shared>> -> memref<51200xf32, #tpu.memory_space<vmem_shared>>
        tpu.wait_indirect_dma semaphore(%arg10 : memref<!tpu.dma_semaphore, #tpu.memory_space<semaphore_mem>>) src(%arg6 : memref<128xf32, #tpu.memory_space<vmem>>) dst(%dma_wait3A_118 : memref<51200xf32, #tpu.memory_space<vmem_shared>>)
      } else {
      }
      %dma_start3A_71 = arith.constant 1 : i32
      %dma_start3A_72 = arith.constant 0 : i32
      %dma_start3A_73 = tpu.memref_slice %arg7[%rem3A_49, %dma_start3A_71, %dma_start3A_72] : memref<2x4x128xi32, #tpu.memory_space<vmem>> -> memref<1x1x128xi32, #tpu.memory_space<vmem>>
      %dma_start3A_74 = tpu.memref_squeeze %dma_start3A_73 : memref<1x1x128xi32, #tpu.memory_space<vmem>> -> memref<128xi32, #tpu.memory_space<vmem>>
      %dma_start3A_75 = arith.constant 0 : i32
      %dma_start3A_76 = tpu.memref_slice %arg4[%dma_start3A_75] : memref<51200xf32, #tpu.memory_space<vmem_shared>> -> memref<51200xf32, #tpu.memory_space<vmem_shared>>
      tpu.enqueue_indirect_dma source(%arg6 : memref<128xf32, #tpu.memory_space<vmem>>) target(%dma_start3A_76 : memref<51200xf32, #tpu.memory_space<vmem_shared>>) offsets(%dma_start3A_74 : memref<128xi32, #tpu.memory_space<vmem>>) semaphore(%arg10 : memref<!tpu.dma_semaphore, #tpu.memory_space<semaphore_mem>>) {add = true}
      %dma_wait3A_77 = arith.constant 0 : i32
      %dma_wait3A_78 = arith.constant 0 : i32
      %dma_wait3A_79 = tpu.memref_slice %arg7[%rem3A_49, %dma_wait3A_77, %dma_wait3A_78] : memref<2x4x128xi32, #tpu.memory_space<vmem>> -> memref<1x1x128xi32, #tpu.memory_space<vmem>>
      %dma_wait3A_80 = tpu.memref_squeeze %dma_wait3A_79 : memref<1x1x128xi32, #tpu.memory_space<vmem>> -> memref<128xi32, #tpu.memory_space<vmem>>
      %dma_wait3A_81 = arith.constant 0 : i32
      %dma_wait3A_82 = tpu.memref_slice %arg4[%dma_wait3A_81] : memref<51200xf32, #tpu.memory_space<vmem_shared>> -> memref<51200xf32, #tpu.memory_space<vmem_shared>>
      tpu.wait_indirect_dma semaphore(%arg9 : memref<!tpu.dma_semaphore, #tpu.memory_space<semaphore_mem>>) src(%arg6 : memref<128xf32, #tpu.memory_space<vmem>>) dst(%dma_wait3A_82 : memref<51200xf32, #tpu.memory_space<vmem_shared>>)
      %dma_start3A_83 = arith.constant 2 : i32
      %dma_start3A_84 = arith.constant 0 : i32
      %dma_start3A_85 = tpu.memref_slice %arg7[%rem3A_49, %dma_start3A_83, %dma_start3A_84] : memref<2x4x128xi32, #tpu.memory_space<vmem>> -> memref<1x1x128xi32, #tpu.memory_space<vmem>>
      %dma_start3A_86 = tpu.memref_squeeze %dma_start3A_85 : memref<1x1x128xi32, #tpu.memory_space<vmem>> -> memref<128xi32, #tpu.memory_space<vmem>>
      %dma_start3A_87 = arith.constant 0 : i32
      %dma_start3A_88 = tpu.memref_slice %arg4[%dma_start3A_87] : memref<51200xf32, #tpu.memory_space<vmem_shared>> -> memref<51200xf32, #tpu.memory_space<vmem_shared>>
      tpu.enqueue_indirect_dma source(%arg6 : memref<128xf32, #tpu.memory_space<vmem>>) target(%dma_start3A_88 : memref<51200xf32, #tpu.memory_space<vmem_shared>>) offsets(%dma_start3A_86 : memref<128xi32, #tpu.memory_space<vmem>>) semaphore(%arg9 : memref<!tpu.dma_semaphore, #tpu.memory_space<semaphore_mem>>) {add = true}
      %dma_wait3A_89 = arith.constant 1 : i32
      %dma_wait3A_90 = arith.constant 0 : i32
      %dma_wait3A_91 = tpu.memref_slice %arg7[%rem3A_49, %dma_wait3A_89, %dma_wait3A_90] : memref<2x4x128xi32, #tpu.memory_space<vmem>> -> memref<1x1x128xi32, #tpu.memory_space<vmem>>
      %dma_wait3A_92 = tpu.memref_squeeze %dma_wait3A_91 : memref<1x1x128xi32, #tpu.memory_space<vmem>> -> memref<128xi32, #tpu.memory_space<vmem>>
      %dma_wait3A_93 = arith.constant 0 : i32
      %dma_wait3A_94 = tpu.memref_slice %arg4[%dma_wait3A_93] : memref<51200xf32, #tpu.memory_space<vmem_shared>> -> memref<51200xf32, #tpu.memory_space<vmem_shared>>
      tpu.wait_indirect_dma semaphore(%arg10 : memref<!tpu.dma_semaphore, #tpu.memory_space<semaphore_mem>>) src(%arg6 : memref<128xf32, #tpu.memory_space<vmem>>) dst(%dma_wait3A_94 : memref<51200xf32, #tpu.memory_space<vmem_shared>>)
      %dma_start3A_95 = arith.constant 3 : i32
      %dma_start3A_96 = arith.constant 0 : i32
      %dma_start3A_97 = tpu.memref_slice %arg7[%rem3A_49, %dma_start3A_95, %dma_start3A_96] : memref<2x4x128xi32, #tpu.memory_space<vmem>> -> memref<1x1x128xi32, #tpu.memory_space<vmem>>
      %dma_start3A_98 = tpu.memref_squeeze %dma_start3A_97 : memref<1x1x128xi32, #tpu.memory_space<vmem>> -> memref<128xi32, #tpu.memory_space<vmem>>
      %dma_start3A_99 = arith.constant 0 : i32
      %dma_start3A_100 = tpu.memref_slice %arg4[%dma_start3A_99] : memref<51200xf32, #tpu.memory_space<vmem_shared>> -> memref<51200xf32, #tpu.memory_space<vmem_shared>>
      tpu.enqueue_indirect_dma source(%arg6 : memref<128xf32, #tpu.memory_space<vmem>>) target(%dma_start3A_100 : memref<51200xf32, #tpu.memory_space<vmem_shared>>) offsets(%dma_start3A_98 : memref<128xi32, #tpu.memory_space<vmem>>) semaphore(%arg10 : memref<!tpu.dma_semaphore, #tpu.memory_space<semaphore_mem>>) {add = true}
      %add3A_101 = arith.constant 1 : i32
      %add3A_102 = arith.addi %scan3A_47, %add3A_101 : i32
      %lt3A_103 = arith.constant 49 : i32
      %lt3A_104 = arith.cmpi slt, %add3A_102, %lt3A_103 : i32
      %convert_element_type3A_105 = arith.extui %lt3A_104 : i1 to i32
      %cond3A_106 = arith.constant 0 : i32
      %cond3A_107 = arith.cmpi ne, %convert_element_type3A_105, %cond3A_106 : i32
      scf.if %cond3A_107 {
        %dma_wait3A_109 = arith.constant 0 : i32
        %dma_wait3A_110 = arith.constant 0 : i32
        %dma_wait3A_111 = tpu.memref_slice %arg7[%sub3A_50, %dma_wait3A_109, %dma_wait3A_110] : memref<2x4x128xi32, #tpu.memory_space<vmem>> -> memref<1x4x128xi32, #tpu.memory_space<vmem>>
        %dma_wait3A_112 = tpu.memref_squeeze %dma_wait3A_111 : memref<1x4x128xi32, #tpu.memory_space<vmem>> -> memref<4x128xi32, #tpu.memory_space<vmem>>
        %dma_wait3A_113 = arith.constant 0 : i32
        %dma_wait3A_114 = arith.constant 0 : i32
        %dma_wait3A_115 = tpu.memref_slice %arg2[%dma_wait3A_113, %dma_wait3A_114] : memref<6272x128xi32, #tpu.memory_space<hbm>> -> memref<4x128xi32, #tpu.memory_space<hbm>>
        %dma_wait3A_116 = arith.constant 0 : i32
        %dma_wait3A_117 = arith.constant 0 : i32
        %dma_wait3A_118 = tpu.memref_slice %arg7[%sub3A_50, %dma_wait3A_116, %dma_wait3A_117] : memref<2x4x128xi32, #tpu.memory_space<vmem>> -> memref<1x4x128xi32, #tpu.memory_space<vmem>>
        %dma_wait3A_119 = tpu.memref_squeeze %dma_wait3A_118 : memref<1x4x128xi32, #tpu.memory_space<vmem>> -> memref<4x128xi32, #tpu.memory_space<vmem>>
        %dma_wait3A_120 = arith.constant 0 : i32
        %dma_wait3A_121 = arith.constant 0 : i32
        %dma_wait3A_122 = tpu.memref_slice %arg2[%dma_wait3A_120, %dma_wait3A_121] : memref<6272x128xi32, #tpu.memory_space<hbm>> -> memref<4x128xi32, #tpu.memory_space<hbm>>
        tpu.wait_dma2 semaphore(%arg8 : memref<!tpu.dma_semaphore, #tpu.memory_space<semaphore_mem>>) src(%dma_wait3A_122 : memref<4x128xi32, #tpu.memory_space<hbm>>) dst(%dma_wait3A_119 : memref<4x128xi32, #tpu.memory_space<vmem>>)
      } else {
      }
      %scan3A_108 = arith.constant 0 : i32
      scf.yield %scan3A_108 : i32
    }
    %scan3A_25 = arith.constant 49 : i32
    %dma_wait3A = arith.constant 0 : i32
    %dma_wait3A_26 = arith.constant 2 : i32
    %dma_wait3A_27 = arith.constant 0 : i32
    %dma_wait3A_28 = tpu.memref_slice %arg7[%dma_wait3A, %dma_wait3A_26, %dma_wait3A_27] : memref<2x4x128xi32, #tpu.memory_space<vmem>> -> memref<1x1x128xi32, #tpu.memory_space<vmem>>
    %dma_wait3A_29 = tpu.memref_squeeze %dma_wait3A_28 : memref<1x1x128xi32, #tpu.memory_space<vmem>> -> memref<128xi32, #tpu.memory_space<vmem>>
    %dma_wait3A_30 = arith.constant 0 : i32
    %dma_wait3A_31 = tpu.memref_slice %arg4[%dma_wait3A_30] : memref<51200xf32, #tpu.memory_space<vmem_shared>> -> memref<51200xf32, #tpu.memory_space<vmem_shared>>
    tpu.wait_indirect_dma semaphore(%arg9 : memref<!tpu.dma_semaphore, #tpu.memory_space<semaphore_mem>>) src(%arg6 : memref<128xf32, #tpu.memory_space<vmem>>) dst(%dma_wait3A_31 : memref<51200xf32, #tpu.memory_space<vmem_shared>>)
    %dma_wait3A_32 = arith.constant 0 : i32
    %dma_wait3A_33 = arith.constant 3 : i32
    %dma_wait3A_34 = arith.constant 0 : i32
    %dma_wait3A_35 = tpu.memref_slice %arg7[%dma_wait3A_32, %dma_wait3A_33, %dma_wait3A_34] : memref<2x4x128xi32, #tpu.memory_space<vmem>> -> memref<1x1x128xi32, #tpu.memory_space<vmem>>
    %dma_wait3A_36 = tpu.memref_squeeze %dma_wait3A_35 : memref<1x1x128xi32, #tpu.memory_space<vmem>> -> memref<128xi32, #tpu.memory_space<vmem>>
    %dma_wait3A_37 = arith.constant 0 : i32
    %dma_wait3A_38 = tpu.memref_slice %arg4[%dma_wait3A_37] : memref<51200xf32, #tpu.memory_space<vmem_shared>> -> memref<51200xf32, #tpu.memory_space<vmem_shared>>
    tpu.wait_indirect_dma semaphore(%arg10 : memref<!tpu.dma_semaphore, #tpu.memory_space<semaphore_mem>>) src(%arg6 : memref<128xf32, #tpu.memory_space<vmem>>) dst(%dma_wait3A_38 : memref<51200xf32, #tpu.memory_space<vmem_shared>>)
    %barrier3A_39 = arith.constant 0 : index
    tpu.barrier barrier_id(%barrier3A_39)
    %eq3A = arith.constant 0 : i32
    %eq3A_40 = arith.cmpi eq, %arg0, %eq3A : i32
    %convert_element_type3A = arith.extui %eq3A_40 : i1 to i32
    %cond3A = arith.constant 0 : i32
    %cond3A_41 = arith.cmpi ne, %convert_element_type3A, %cond3A : i32
    scf.if %cond3A_41 {
      %mul3A_47 = arith.constant 3200 : i32
      %mul3A_48 = arith.muli %arg1, %mul3A_47 : i32
      %mul3A_49 = arith.constant 3200 : i32
      %mul3A_50 = arith.muli %arg1, %mul3A_49 : i32
      %run_scoped3A_51 = arith.constant 0 : i32
      "tpu.region"() ({
        %run_scoped3A_52 = tpu.sem_alloc : memref<!tpu.dma_semaphore, #tpu.memory_space<semaphore_mem>>
        %dma_start3A = tpu.memref_slice %arg3[%run_scoped3A_51, %mul3A_50] : memref<2x51200xf32, #tpu.memory_space<hbm>> -> memref<1x3200xf32, #tpu.memory_space<hbm>>
        %dma_start3A_53 = tpu.memref_squeeze %dma_start3A : memref<1x3200xf32, #tpu.memory_space<hbm>> -> memref<3200xf32, #tpu.memory_space<hbm>>
        %dma_start3A_54 = tpu.memref_slice %arg4[%mul3A_48] : memref<51200xf32, #tpu.memory_space<vmem_shared>> -> memref<3200xf32, #tpu.memory_space<vmem_shared>>
        tpu.enqueue_dma source(%dma_start3A_54 : memref<3200xf32, #tpu.memory_space<vmem_shared>>) target(%dma_start3A_53 : memref<3200xf32, #tpu.memory_space<hbm>>) target_semaphore(%run_scoped3A_52 : memref<!tpu.dma_semaphore, #tpu.memory_space<semaphore_mem>>)
        %dma_wait3A_55 = tpu.memref_slice %arg3[%run_scoped3A_51, %mul3A_50] : memref<2x51200xf32, #tpu.memory_space<hbm>> -> memref<1x3200xf32, #tpu.memory_space<hbm>>
        %dma_wait3A_56 = tpu.memref_squeeze %dma_wait3A_55 : memref<1x3200xf32, #tpu.memory_space<hbm>> -> memref<3200xf32, #tpu.memory_space<hbm>>
        %dma_wait3A_57 = tpu.memref_slice %arg4[%mul3A_48] : memref<51200xf32, #tpu.memory_space<vmem_shared>> -> memref<3200xf32, #tpu.memory_space<vmem_shared>>
        tpu.wait_dma2 semaphore(%run_scoped3A_52 : memref<!tpu.dma_semaphore, #tpu.memory_space<semaphore_mem>>) src(%dma_wait3A_57 : memref<3200xf32, #tpu.memory_space<vmem_shared>>) dst(%dma_wait3A_56 : memref<3200xf32, #tpu.memory_space<hbm>>)
        tpu.yield
      }) : () -> ()
    } else {
    }
    %eq3A_42 = arith.constant 1 : i32
    %eq3A_43 = arith.cmpi eq, %arg0, %eq3A_42 : i32
    %convert_element_type3A_44 = arith.extui %eq3A_43 : i1 to i32
    %cond3A_45 = arith.constant 0 : i32
    %cond3A_46 = arith.cmpi ne, %convert_element_type3A_44, %cond3A_45 : i32
    scf.if %cond3A_46 {
      %mul3A_47 = arith.constant 3200 : i32
      %mul3A_48 = arith.muli %arg1, %mul3A_47 : i32
      %mul3A_49 = arith.constant 3200 : i32
      %mul3A_50 = arith.muli %arg1, %mul3A_49 : i32
      %run_scoped3A_51 = arith.constant 1 : i32
      "tpu.region"() ({
        %run_scoped3A_52 = tpu.sem_alloc : memref<!tpu.dma_semaphore, #tpu.memory_space<semaphore_mem>>
        %dma_start3A = tpu.memref_slice %arg3[%run_scoped3A_51, %mul3A_50] : memref<2x51200xf32, #tpu.memory_space<hbm>> -> memref<1x3200xf32, #tpu.memory_space<hbm>>
        %dma_start3A_53 = tpu.memref_squeeze %dma_start3A : memref<1x3200xf32, #tpu.memory_space<hbm>> -> memref<3200xf32, #tpu.memory_space<hbm>>
        %dma_start3A_54 = tpu.memref_slice %arg4[%mul3A_48] : memref<51200xf32, #tpu.memory_space<vmem_shared>> -> memref<3200xf32, #tpu.memory_space<vmem_shared>>
        tpu.enqueue_dma source(%dma_start3A_54 : memref<3200xf32, #tpu.memory_space<vmem_shared>>) target(%dma_start3A_53 : memref<3200xf32, #tpu.memory_space<hbm>>) target_semaphore(%run_scoped3A_52 : memref<!tpu.dma_semaphore, #tpu.memory_space<semaphore_mem>>)
        %dma_wait3A_55 = tpu.memref_slice %arg3[%run_scoped3A_51, %mul3A_50] : memref<2x51200xf32, #tpu.memory_space<hbm>> -> memref<1x3200xf32, #tpu.memory_space<hbm>>
        %dma_wait3A_56 = tpu.memref_squeeze %dma_wait3A_55 : memref<1x3200xf32, #tpu.memory_space<hbm>> -> memref<3200xf32, #tpu.memory_space<hbm>>
        %dma_wait3A_57 = tpu.memref_slice %arg4[%mul3A_48] : memref<51200xf32, #tpu.memory_space<vmem_shared>> -> memref<3200xf32, #tpu.memory_space<vmem_shared>>
        tpu.wait_dma2 semaphore(%run_scoped3A_52 : memref<!tpu.dma_semaphore, #tpu.memory_space<semaphore_mem>>) src(%dma_wait3A_57 : memref<3200xf32, #tpu.memory_space<vmem_shared>>) dst(%dma_wait3A_56 : memref<3200xf32, #tpu.memory_space<hbm>>)
        tpu.yield
      }) : () -> ()
    } else {
    }
    return
  }
}

module attributes {stable_mosaic.version = 14 : i64} {
  func.func @_proj_body(%arg0: i32, %arg1: memref<256x512xf32, #tpu.memory_space<vmem>>, %arg2: memref<512x128xf32, #tpu.memory_space<vmem>>, %arg3: memref<512x128xf32, #tpu.memory_space<vmem>>, %arg4: memref<256x128xf32, #tpu.memory_space<vmem>>, %arg5: memref<256x128xf32, #tpu.memory_space<vmem>>, %arg6: memref<256x128xf32, #tpu.memory_space<vmem>>) attributes {dimension_semantics = [#tpu.dimension_semantics<arbitrary>], iteration_bounds = array<i64: 49>, scalar_prefetch = 0 : i64, scratch_operands = 0 : i64, tpu.core_type = #tpu.core_type<tc>, window_params = [{transform_indices = @transform_0, window_bounds = array<i64: 256, 512>}, {pipeline_mode = #tpu.pipeline_mode<synchronous>, transform_indices = @transform_1, window_bounds = array<i64: 512, 128>}, {pipeline_mode = #tpu.pipeline_mode<synchronous>, transform_indices = @transform_2, window_bounds = array<i64: 512, 128>}, {transform_indices = @transform_3, window_bounds = array<i64: 256, 128>}, {transform_indices = @transform_4, window_bounds = array<i64: 256, 128>}, {transform_indices = @transform_5, window_bounds = array<i64: 256, 128>}]} {
    %get3A = arith.constant 0 : index
    %get3A_0 = arith.constant 0 : index
    %get3A_1 = vector.load %arg1[%get3A, %get3A_0] : memref<256x512xf32, #tpu.memory_space<vmem>>, vector<256x512xf32>
    %get3A_2 = arith.constant 0 : index
    %get3A_3 = arith.constant 0 : index
    %get3A_4 = vector.load %arg4[%get3A_2, %get3A_3] : memref<256x128xf32, #tpu.memory_space<vmem>>, vector<256x128xf32>
    %get3A_5 = arith.constant 0 : index
    %get3A_6 = arith.constant 0 : index
    %get3A_7 = vector.load %arg2[%get3A_5, %get3A_6] : memref<512x128xf32, #tpu.memory_space<vmem>>, vector<512x128xf32>
    %dot_general3A = arith.constant dense<0.000000e+00> : vector<256x128xf32>
    %dot_general3A_8 = tpu.matmul %get3A_1, %get3A_7, %dot_general3A {dimension_numbers = #tpu.dot_dimension_numbers<[1], [0], [0], [1], [0, 0, 1, 1], [], []>, transpose_lhs_hint = false} : vector<256x512xf32>, vector<512x128xf32>, vector<256x128xf32> -> vector<256x128xf32>
    %mul3A = arith.mulf %get3A_4, %dot_general3A_8 : vector<256x128xf32>
    %swap3A = arith.constant 0 : index
    %swap3A_9 = arith.constant 0 : index
    %swap3A_10 = vector.load %arg5[%swap3A, %swap3A_9] : memref<256x128xf32, #tpu.memory_space<vmem>>, vector<256x128xf32>
    tpu.vector_store %arg5[%swap3A, %swap3A_9], %mul3A {strides = array<i32>} : memref<256x128xf32, #tpu.memory_space<vmem>>, vector<256x128xf32>,
    %get3A_11 = arith.constant 0 : index
    %get3A_12 = arith.constant 0 : index
    %get3A_13 = vector.load %arg3[%get3A_11, %get3A_12] : memref<512x128xf32, #tpu.memory_space<vmem>>, vector<512x128xf32>
    %dot_general3A_14 = arith.constant dense<0.000000e+00> : vector<256x128xf32>
    %dot_general3A_15 = tpu.matmul %get3A_1, %get3A_13, %dot_general3A_14 {dimension_numbers = #tpu.dot_dimension_numbers<[1], [0], [0], [1], [0, 0, 1, 1], [], []>, transpose_lhs_hint = false} : vector<256x512xf32>, vector<512x128xf32>, vector<256x128xf32> -> vector<256x128xf32>
    %mul3A_16 = arith.mulf %get3A_4, %dot_general3A_15 : vector<256x128xf32>
    %swap3A_17 = arith.constant 0 : index
    %swap3A_18 = arith.constant 0 : index
    %swap3A_19 = vector.load %arg6[%swap3A_17, %swap3A_18] : memref<256x128xf32, #tpu.memory_space<vmem>>, vector<256x128xf32>
    tpu.vector_store %arg6[%swap3A_17, %swap3A_18], %mul3A_16 {strides = array<i32>} : memref<256x128xf32, #tpu.memory_space<vmem>>, vector<256x128xf32>,
    return
  }
  func.func @transform_0(%arg0: i32) -> (i32, i32) {
    %c0_i32 = arith.constant 0 : i32
    %c0_i32_0 = arith.constant 0 : i32
    return %arg0, %c0_i32 : i32, i32
  }
  func.func @transform_1(%arg0: i32) -> (i32, i32) {
    %c0_i32 = arith.constant 0 : i32
    %c0_i32_0 = arith.constant 0 : i32
    %c0_i32_1 = arith.constant 0 : i32
    return %c0_i32, %c0_i32_0 : i32, i32
  }
  func.func @transform_2(%arg0: i32) -> (i32, i32) {
    %c0_i32 = arith.constant 0 : i32
    %c0_i32_0 = arith.constant 0 : i32
    %c0_i32_1 = arith.constant 0 : i32
    return %c0_i32, %c0_i32_0 : i32, i32
  }
  func.func @transform_3(%arg0: i32) -> (i32, i32) {
    %c0_i32 = arith.constant 0 : i32
    %c0_i32_0 = arith.constant 0 : i32
    return %arg0, %c0_i32 : i32, i32
  }
  func.func @transform_4(%arg0: i32) -> (i32, i32) {
    %c0_i32 = arith.constant 0 : i32
    %c0_i32_0 = arith.constant 0 : i32
    return %arg0, %c0_i32 : i32, i32
  }
  func.func @transform_5(%arg0: i32) -> (i32, i32) {
    %c0_i32 = arith.constant 0 : i32
    %c0_i32_0 = arith.constant 0 : i32
    return %arg0, %c0_i32 : i32, i32
  }
}

module attributes {stable_mosaic.version = 14 : i64} {
  func.func @_epi_body(%arg0: i32, %arg1: memref<256x128xf32, #tpu.memory_space<vmem>>, %arg2: memref<256x128xf32, #tpu.memory_space<vmem>>, %arg3: memref<256x128xf32, #tpu.memory_space<vmem>>, %arg4: memref<256x128xf32, #tpu.memory_space<vmem>>, %arg5: memref<256x128xf32, #tpu.memory_space<vmem>>, %arg6: memref<1x128xf32, #tpu.memory_space<vmem>>, %arg7: memref<1x128xf32, #tpu.memory_space<vmem>>, %arg8: memref<128x8xf32, #tpu.memory_space<vmem>>, %arg9: memref<128x8xf32, #tpu.memory_space<vmem>>, %arg10: memref<1x8xf32, #tpu.memory_space<vmem>>, %arg11: memref<256x8xf32, #tpu.memory_space<vmem>>) attributes {dimension_semantics = [#tpu.dimension_semantics<arbitrary>], iteration_bounds = array<i64: 49>, scalar_prefetch = 0 : i64, scratch_operands = 0 : i64, tpu.core_type = #tpu.core_type<tc>, window_params = [{transform_indices = @transform_0, window_bounds = array<i64: 256, 128>}, {transform_indices = @transform_1, window_bounds = array<i64: 256, 128>}, {transform_indices = @transform_2, window_bounds = array<i64: 256, 128>}, {transform_indices = @transform_3, window_bounds = array<i64: 256, 128>}, {transform_indices = @transform_4, window_bounds = array<i64: 256, 128>}, {pipeline_mode = #tpu.pipeline_mode<synchronous>, transform_indices = @transform_5, window_bounds = array<i64: 1, 128>}, {pipeline_mode = #tpu.pipeline_mode<synchronous>, transform_indices = @transform_6, window_bounds = array<i64: 1, 128>}, {pipeline_mode = #tpu.pipeline_mode<synchronous>, transform_indices = @transform_7, window_bounds = array<i64: 128, 8>}, {pipeline_mode = #tpu.pipeline_mode<synchronous>, transform_indices = @transform_8, window_bounds = array<i64: 128, 8>}, {pipeline_mode = #tpu.pipeline_mode<synchronous>, transform_indices = @transform_9, window_bounds = array<i64: 1, 8>}, {transform_indices = @transform_10, window_bounds = array<i64: 256, 8>}]} {
    %get3A = arith.constant 0 : index
    %get3A_0 = arith.constant 0 : index
    %get3A_1 = vector.load %arg5[%get3A, %get3A_0] : memref<256x128xf32, #tpu.memory_space<vmem>>, vector<256x128xf32>
    %get3A_2 = arith.constant 0 : index
    %get3A_3 = arith.constant 0 : index
    %get3A_4 = vector.load %arg1[%get3A_2, %get3A_3] : memref<256x128xf32, #tpu.memory_space<vmem>>, vector<256x128xf32>
    %get3A_5 = arith.constant 0 : index
    %get3A_6 = arith.constant 0 : index
    %get3A_7 = vector.load %arg3[%get3A_5, %get3A_6] : memref<256x128xf32, #tpu.memory_space<vmem>>, vector<256x128xf32>
    %add3A = arith.addf %get3A_4, %get3A_7 : vector<256x128xf32>
    %mul3A = arith.mulf %add3A, %get3A_1 : vector<256x128xf32>
    %get3A_8 = arith.constant 0 : index
    %get3A_9 = arith.constant 0 : index
    %get3A_10 = vector.load %arg6[%get3A_8, %get3A_9] : memref<1x128xf32, #tpu.memory_space<vmem>>, vector<1x128xf32>
    %add3A_11 = vector.broadcast %get3A_10 : vector<1x128xf32> to vector<256x128xf32>
    %add3A_12 = arith.addf %mul3A, %add3A_11 : vector<256x128xf32>
    %max3A = arith.constant 0.000000e+00 : f32
    %max3A_13 = vector.broadcast %max3A : f32 to vector<256x128xf32>
    %max3A_14 = arith.maximumf %add3A_12, %max3A_13 : vector<256x128xf32>
    %get3A_15 = arith.constant 0 : index
    %get3A_16 = arith.constant 0 : index
    %get3A_17 = vector.load %arg2[%get3A_15, %get3A_16] : memref<256x128xf32, #tpu.memory_space<vmem>>, vector<256x128xf32>
    %get3A_18 = arith.constant 0 : index
    %get3A_19 = arith.constant 0 : index
    %get3A_20 = vector.load %arg4[%get3A_18, %get3A_19] : memref<256x128xf32, #tpu.memory_space<vmem>>, vector<256x128xf32>
    %add3A_21 = arith.addf %get3A_17, %get3A_20 : vector<256x128xf32>
    %mul3A_22 = arith.mulf %add3A_21, %get3A_1 : vector<256x128xf32>
    %get3A_23 = arith.constant 0 : index
    %get3A_24 = arith.constant 0 : index
    %get3A_25 = vector.load %arg7[%get3A_23, %get3A_24] : memref<1x128xf32, #tpu.memory_space<vmem>>, vector<1x128xf32>
    %add3A_26 = vector.broadcast %get3A_25 : vector<1x128xf32> to vector<256x128xf32>
    %add3A_27 = arith.addf %mul3A_22, %add3A_26 : vector<256x128xf32>
    %max3A_28 = arith.constant 0.000000e+00 : f32
    %max3A_29 = vector.broadcast %max3A_28 : f32 to vector<256x128xf32>
    %max3A_30 = arith.maximumf %add3A_27, %max3A_29 : vector<256x128xf32>
    %get3A_31 = arith.constant 0 : index
    %get3A_32 = arith.constant 0 : index
    %get3A_33 = vector.load %arg8[%get3A_31, %get3A_32] : memref<128x8xf32, #tpu.memory_space<vmem>>, vector<128x8xf32>
    %dot_general3A = arith.constant dense<0.000000e+00> : vector<256x8xf32>
    %dot_general3A_34 = tpu.matmul %max3A_14, %get3A_33, %dot_general3A {dimension_numbers = #tpu.dot_dimension_numbers<[1], [0], [0], [1], [0, 0, 1, 1], [], []>, transpose_lhs_hint = false} : vector<256x128xf32>, vector<128x8xf32>, vector<256x8xf32> -> vector<256x8xf32>
    %get3A_35 = arith.constant 0 : index
    %get3A_36 = arith.constant 0 : index
    %get3A_37 = vector.load %arg9[%get3A_35, %get3A_36] : memref<128x8xf32, #tpu.memory_space<vmem>>, vector<128x8xf32>
    %dot_general3A_38 = arith.constant dense<0.000000e+00> : vector<256x8xf32>
    %dot_general3A_39 = tpu.matmul %max3A_30, %get3A_37, %dot_general3A_38 {dimension_numbers = #tpu.dot_dimension_numbers<[1], [0], [0], [1], [0, 0, 1, 1], [], []>, transpose_lhs_hint = false} : vector<256x128xf32>, vector<128x8xf32>, vector<256x8xf32> -> vector<256x8xf32>
    %add3A_40 = arith.addf %dot_general3A_34, %dot_general3A_39 : vector<256x8xf32>
    %get3A_41 = arith.constant 0 : index
    %get3A_42 = arith.constant 0 : index
    %get3A_43 = vector.load %arg10[%get3A_41, %get3A_42] : memref<1x8xf32, #tpu.memory_space<vmem>>, vector<1x8xf32>
    %add3A_44 = vector.broadcast %get3A_43 : vector<1x8xf32> to vector<256x8xf32>
    %add3A_45 = arith.addf %add3A_40, %add3A_44 : vector<256x8xf32>
    %swap3A = arith.constant 0 : index
    %swap3A_46 = arith.constant 0 : index
    %swap3A_47 = vector.load %arg11[%swap3A, %swap3A_46] : memref<256x8xf32, #tpu.memory_space<vmem>>, vector<256x8xf32>
    tpu.vector_store %arg11[%swap3A, %swap3A_46], %add3A_45 {strides = array<i32>} : memref<256x8xf32, #tpu.memory_space<vmem>>, vector<256x8xf32>,
    return
  }
  func.func @transform_0(%arg0: i32) -> (i32, i32) {
    %c0_i32 = arith.constant 0 : i32
    %c0_i32_0 = arith.constant 0 : i32
    return %arg0, %c0_i32 : i32, i32
  }
  func.func @transform_1(%arg0: i32) -> (i32, i32) {
    %add3A = arith.constant 50 : i32
    %add3A_0 = arith.addi %arg0, %add3A : i32
    %c0_i32 = arith.constant 0 : i32
    %c0_i32_1 = arith.constant 0 : i32
    return %add3A_0, %c0_i32 : i32, i32
  }
  func.func @transform_2(%arg0: i32) -> (i32, i32) {
    %c0_i32 = arith.constant 0 : i32
    %c0_i32_0 = arith.constant 0 : i32
    return %arg0, %c0_i32 : i32, i32
  }
  func.func @transform_3(%arg0: i32) -> (i32, i32) {
    %c0_i32 = arith.constant 0 : i32
    %c0_i32_0 = arith.constant 0 : i32
    return %arg0, %c0_i32 : i32, i32
  }
  func.func @transform_4(%arg0: i32) -> (i32, i32) {
    %c0_i32 = arith.constant 0 : i32
    %c0_i32_0 = arith.constant 0 : i32
    return %arg0, %c0_i32 : i32, i32
  }
  func.func @transform_5(%arg0: i32) -> (i32, i32) {
    %c0_i32 = arith.constant 0 : i32
    %c0_i32_0 = arith.constant 0 : i32
    %c0_i32_1 = arith.constant 0 : i32
    return %c0_i32, %c0_i32_0 : i32, i32
  }
  func.func @transform_6(%arg0: i32) -> (i32, i32) {
    %c0_i32 = arith.constant 0 : i32
    %c0_i32_0 = arith.constant 0 : i32
    %c0_i32_1 = arith.constant 0 : i32
    return %c0_i32, %c0_i32_0 : i32, i32
  }
  func.func @transform_7(%arg0: i32) -> (i32, i32) {
    %c0_i32 = arith.constant 0 : i32
    %c0_i32_0 = arith.constant 0 : i32
    %c0_i32_1 = arith.constant 0 : i32
    return %c0_i32, %c0_i32_0 : i32, i32
  }
  func.func @transform_8(%arg0: i32) -> (i32, i32) {
    %c0_i32 = arith.constant 0 : i32
    %c0_i32_0 = arith.constant 0 : i32
    %c0_i32_1 = arith.constant 0 : i32
    return %c0_i32, %c0_i32_0 : i32, i32
  }
  func.func @transform_9(%arg0: i32) -> (i32, i32) {
    %c0_i32 = arith.constant 0 : i32
    %c0_i32_0 = arith.constant 0 : i32
    %c0_i32_1 = arith.constant 0 : i32
    return %c0_i32, %c0_i32_0 : i32, i32
  }
  func.func @transform_10(%arg0: i32) -> (i32, i32) {
    %c0_i32 = arith.constant 0 : i32
    %c0_i32_0 = arith.constant 0 : i32
    return %arg0, %c0_i32 : i32, i32
  }
}

</mosaic_0001>

<sc_bundles>
// kernel: kernel.6.cloned.1.call-start
scs
__scs_entry_jumppad:
0x0: {  	(pc) =	sbr.rel $0x88, $3  }
0x1: {  	(tag) =	ssettag $0x0;
	lr =	simm.s32 $0x1  }
0x2: {  	[smem:$0x3F9B] =	sst lr;
	_ =	strace $0xD0000000  }
0x3: {  	_ = 	snop  }
0x4: {  	_ = 	snop  }
0x5: {  	_ = 	snop  }
0x6: {  	_ = 	snop  }
0x7: {  	_ = 	snop  }
__scs_overlays_trampoline_lowered:
0x8: {  	[smem:$0x3FAA] =	sst s0  }
0x9: {  	[smem:$0x3FAB] =	sst s1  }
0xa: {  	[smem:$0x3FAC] =	sst s2  }
0xb: {  	[smem:$0x3FAD] =	sst s3  }
0xc: {  	[smem:$0x3FAE] =	sst s4  }
0xd: {  	[smem:$0x3FAF] =	sst s5  }
0xe: {  	[smem:$0x3FB0] =	sst s6  }
0xf: {  	[smem:$0x3FB1] =	sst s7  }
0x10: {  	[smem:$0x3FB2] =	sst s8  }
0x11: {  	[smem:$0x3FB3] =	sst s9;
	s0 =	simm.s32 @!p0 $0x0  }
0x12: {  	s1 =	sld [smem:$0x3F99];
	s0 =	simm.s32 @p0 $0x1  }
0x13: {  	[smem:$0x3FB4] =	sst s0;
	s0 =	simm.s32 @!p1 $0x0  }
0x14: {  	s2 =	sld [smem:$0x3F98];
	s0 =	simm.s32 @p1 $0x1  }
0x15: {  	[smem:$0x3FB5] =	sst s0;
	s0 =	simm.s32 @!p2 $0x0  }
0x16: {  	s3 =	sld [smem:$0x3FDB];
	s0 =	simm.s32 @p2 $0x1  }
0x17: {  	s4 =	simm.s32 $0x1BF5;
	[smem:$0x3FB7] =	sst s0  }
0x18: {  	s0 =	sld [smem:$0x3F9A];
	_ =	swait.ge [sflag:s4], $0x0  }
0x19: {  	s7 =	sld [smem:$0x3F9B]  }
0x1a: {  	s8 =	sadd.s32 $0xFFFFE003, lr  }
0x1b: {  	s9 =	sadd.s32 $0xFFFFFEF7, lr;
	s5 =	simm.s32 $0xFFFFFFFF;
	p2 =	slt.u32 s8, $0xFFFFF086  }
0x1c: {  	p1 =	slt.u32 s9, $0xF7A;
	s5 =	simm.s32 @!p2 $0x0  }
0x1d: {  	s5 =	simm.s32 @p1 $0x1;
	p0 =	seq.s32 s7, s2  }
0x1e: {  	s7 =	smul.u32 @!p0 $0xF7A, s2;
	p2 =	seq.s32 @!p0 s5, $0x0  }
0x1f: {  	s9 =	smul.u32 $0xF7A, s1;
	s8 =	simm.s32 @!p0 $0x1BF5;
	p2 =	por !p2, p0  }
0x20: {  	[sflag:s8] =	ssyncset.s32 @!p0 $0xFFFFF086;
	s6 =	sadd.s32 @!p0 s3, s7;
	s7 =	simm.s32 @!p0 $0x108  }
0x21: {  	s3 =	sadd.s32 s3, s9;
	s6 =	sadd.s32 @!p0 $0x88, s6;
	s7 =	simm.s32 @p2 $0x1082  }
0x22: {  	[simem:s7], [sflag:s8] =	dma.local @!p0 [hbm:s6], $0xF7A  }
0x23: {  	s9 =	sor.u32 $0xD0000000, s2;
	s6 =	simm.s32 $0x108;
	_ =	swait.ge @!p0 [sflag:s8], $0x0  }
0x24: {  	s3 =	sadd.s32 $0x88, s3;
	s6 =	simm.s32 @!p1 $0x1082;
	[sflag:s4] =	ssyncset.s32 $0xFFFFF086  }
0x25: {  	[simem:s6], [sflag:s4] =	dma.local [hbm:s3], $0xF7A  }
0x26: {  	[smem:$0x3F9B] =	sst s1;
	(tag) =	ssettag s2;
	_ =	strace s9  }
0x27: {  	s1 =	sld [smem:$0x3FAB]  }
0x28: {  	s2 =	sld [smem:$0x3FAC]  }
0x29: {  	s4 =	sld [smem:$0x3FAE]  }
0x2a: {  	p0 =	seq.s32 s5, $0x0;
	s5 =	sld [smem:$0x3FAF]  }
0x2b: {  	s6 =	sld [smem:$0x3FB0]  }
0x2c: {  	s7 =	sld [smem:$0x3FB1]  }
0x2d: {  	s3 =	simm.s32 $0x108;
	s8 =	sld [smem:$0x3FB2]  }
0x2e: {  	s3 =	simm.s32 @!p0 $0x1082;
	s9 =	sld [smem:$0x3FB3]  }
0x2f: {  	lr =	sadd.s32 s0, s3;
	s0 =	sld [smem:$0x3FAA]  }
0x30: {  	s3 =	sld [smem:$0x3FAD]  }
0x31: {  	[smem:$0x3FB6] =	sst s10  }
0x32: {  	s10 =	sld [smem:$0x3FB4];
	_ =	sdelay $0x3  }
0x33: {  	p0 =	seq.s32 s10, $0x1;
	s10 =	sld [smem:$0x3FB6];
	_ =	sdelay $0x3  }
0x34: {  	[smem:$0x3FB6] =	sst s10  }
0x35: {  	s10 =	sld [smem:$0x3FB5];
	_ =	sdelay $0x3  }
0x36: {  	p1 =	seq.s32 s10, $0x1;
	s10 =	sld [smem:$0x3FB6];
	_ =	sdelay $0x3  }
0x37: {  	[smem:$0x3FB6] =	sst s10  }
0x38: {  	s10 =	sld [smem:$0x3FB7]  }
0x39: {  	_ = 	snop;
	(pc) =	sbr.ind lr, $3  }
0x3a: {  	_ = 	snop  }
0x3b: {  	_ = 	snop  }
0x3c: {  	p2 =	seq.s32 s10, $0x1;
	s10 =	sld [smem:$0x3FB6]  }
0x3d: {  	_ =	shalt  }
0x3e: {  	_ =	shalt  }
0x3f: {  	_ =	shalt  }
0x40: {  	_ =	shalt  }
0x41: {  	_ =	shalt  }
0x42: {  	_ =	shalt  }
0x43: {  	_ =	shalt  }
0x44: {  	_ =	shalt  }
0x45: {  	_ =	shalt  }
0x46: {  	_ =	shalt  }
0x47: {  	_ =	shalt  }
0x48: {  	_ =	shalt  }
0x49: {  	_ =	shalt  }
0x4a: {  	_ =	shalt  }
0x4b: {  	_ =	shalt  }
0x4c: {  	_ =	shalt  }
0x4d: {  	_ =	shalt  }
0x4e: {  	_ =	shalt  }
0x4f: {  	_ =	shalt  }
0x50: {  	_ =	shalt  }
0x51: {  	_ =	shalt  }
0x52: {  	_ =	shalt  }
0x53: {  	_ =	shalt  }
0x54: {  	_ =	shalt  }
0x55: {  	_ =	shalt  }
0x56: {  	_ =	shalt  }
0x57: {  	_ =	shalt  }
0x58: {  	_ =	shalt  }
0x59: {  	_ =	shalt  }
0x5a: {  	_ =	shalt  }
0x5b: {  	_ =	shalt  }
0x5c: {  	_ =	shalt  }
0x5d: {  	_ =	shalt  }
0x5e: {  	_ =	shalt  }
0x5f: {  	_ =	shalt  }
0x60: {  	_ =	shalt  }
0x61: {  	_ =	shalt  }
0x62: {  	_ =	shalt  }
0x63: {  	_ =	shalt  }
0x64: {  	_ =	shalt  }
0x65: {  	_ =	shalt  }
0x66: {  	_ =	shalt  }
0x67: {  	_ =	shalt  }
0x68: {  	_ =	shalt  }
0x69: {  	_ =	shalt  }
0x6a: {  	_ =	shalt  }
0x6b: {  	_ =	shalt  }
0x6c: {  	_ =	shalt  }
0x6d: {  	_ =	shalt  }
0x6e: {  	_ =	shalt  }
0x6f: {  	_ =	shalt  }
0x70: {  	_ =	shalt  }
0x71: {  	_ =	shalt  }
0x72: {  	_ =	shalt  }
0x73: {  	_ =	shalt  }
0x74: {  	_ =	shalt  }
0x75: {  	_ =	shalt  }
0x76: {  	_ =	shalt  }
0x77: {  	_ =	shalt  }
0x78: {  	_ =	shalt  }
0x79: {  	_ =	shalt  }
0x7a: {  	_ =	shalt  }
0x7b: {  	_ =	shalt  }
0x7c: {  	_ =	shalt  }
0x7d: {  	_ =	shalt  }
0x7e: {  	_ =	shalt  }
0x7f: {  	_ =	shalt  }
0x80: {  	_ =	shalt  }
0x81: {  	_ =	shalt  }
0x82: {  	_ =	shalt  }
0x83: {  	_ =	shalt  }
0x84: {  	_ =	shalt  }
0x85: {  	_ =	shalt  }
0x86: {  	_ =	shalt  }
0x87: {  	_ =	shalt  }
.Lfunc_end0:
.L_simem_size_0:
called_computation_lowered:
.L_overlay_start_0:
0x88: {  	s2 =	sld [smem:$0x3FD9]  }
0x89: {  	s3 =	sld [smem:$0x3FFE];
	_ =	sdelay $0x1  }
0x8a: {  	s1 =	srdreg.scid  }
0x8b: {  	s0 =	sand.u32 $0x1, s1  }
0x8c: {  	s16 =	sshll.u32 s0, $0xA;
	s2 =	sadd.s32 s3, s2  }
0x8d: {  	s2 =	sadd.s32 s2, s16  }
0x8e: {  	[smem:$0x3FC2] =	sst s2  }
0x8f: {  	_ = 	snop  }
0x90: {  	(tm) =	ssettm $0x1  }
0x91: {  	s17 =	sld [smem:$0x3FFB];
	_ =	sdelay $0x3  }
0x92: {  	_ =	strace s17  }
0x93: {  	s2 =	sld [smem:$0x3FFC];
	_ =	sdelay $0x3  }
0x94: {  	_ =	strace s2  }
0x95: {  	s2 =	sld [smem:$0x3FFD];
	_ =	sdelay $0x3  }
0x96: {  	_ =	strace s2  }
0x97: {  	_ =	strace $0x8FFFFFFF  }
0x98: {  	s18 =	sld [smem:$0x3FDB];
	_ =	sdelay $0x1  }
0x99: {  	s19 =	simm.s32 $_scs_section_size  }
0x9a: {  	s4 =	simm.s32 $_size__tile_overlayer_lowered;
	s5 =	simm.s32 $_tile_overlayer_lowered  }
0x9b: {  	s22 =	simm.s32 $0x1BFF;
	s21 =	sshll.u32 s5, $0x1;
	s2 =	sadd.s32 s19, s18  }
0x9c: {  	s6 =	simm.s32 $0x0;
	s20 =	sshll.u32 s4, $0x1;
	s4 =	sadd.s32 s21, s2  }
0x9d: {  	[timem:s6], [sflag:s22] =	dma.local [hbm:s4], s20  }
0x9e: {  	_ =	swait.ge [sflag:s22], s20  }
0x9f: {  	s3 =	ssub.s32 $0x0, s20;
	[sflag:s22] =	ssyncset.done $0x0  }
0xa0: {  	[sflag:s22] =	ssyncadd.s32 s3;
	_ =	sdelay $0x1  }
0xa1: {  	s23 =	simm.s32 $0x1B8B  }
0xa2: {  	_ =	swait.ge [sflag:s23], $0x1  }
0xa3: {  	[sflag:s23] =	ssyncset.done $0x0  }
0xa4: {  	s25 =	simm.s32 $0x1B8E;
	s24 =	sld [smem:$0x3FFE];
	[sflag:s23] =	ssyncadd.s32 $0xFFFFFFFF  }
0xa5: {  	s26 =	simm.s32 $execute0_lowered;
	[smem:$0x3FD2] =	sst s25  }
0xa6: {  	s4 =	sshll.u32 s26, $0x1;
	_ =	strace $0x80000046;
	[dreg:$0x1] =	wrdreg $0xFFFFFFFF  }
0xa7: {  	s28 =	simm.s32 $_size_execute0_lowered;
	s2 =	sadd.s32 s2, s4;
	[dreg:$0x0] =	wrdreg $0x0  }
0xa8: {  	s4 =	sshll.u32 s28, $0x1;
	[dreg:$0x2] =	wrdreg s2  }
0xa9: {  	[dreg:$0x3] =	wrdreg s4  }
0xaa: {  	[dreg:$0x4] =	wrdreg $0xC0  }
0xab: {  	_ =	task [dreg:s6], $0x5FFFF  }
0xac: {  	[dreg:$0x1] =	wrdreg $0xFFFFFFFF  }
0xad: {  	[dreg:$0x0] =	wrdreg $0x60  }
0xae: {  	[dreg:$0x2] =	wrdreg s24  }
0xaf: {  	[dreg:$0x3] =	wrdreg $0x0  }
0xb0: {  	[dreg:$0x4] =	wrdreg $0x9  }
0xb1: {  	_ =	task.clear_ibuf [dreg:s6], $0x5FFFF;
	_ =	strace $0x90000046  }
0xb2: {  	s29 =	simm.s32 $0x9;
	_ =	strace $0x80000048  }
0xb3: {  	_ =	swait.ge [sflag:s29], $0x1  }
0xb4: {  	[sflag:s29] =	ssyncadd.s32 $0xFFFFFFFF  }
0xb5: {  	_ =	strace $0x90000048  }
0xb6: {  	_ =	sfence  }
0xb7: {  	s30 =	sld [smem:$0x0];
	_ =	sdelay $0x2  }
0xb8: {  	s31 =	sshll.u32 s1, $0xD;
	s1 =	sshrl.u32 s1, $0x2  }
0xb9: {  	s3 =	sand.u32 $0x4000, s31;
	s1 =	sadd.s32 s1, s30  }
0xba: {  	s0 =	sor.u32 s3, s0;
	s1 =	sshll.u32 s1, $0x11  }
0xbb: {  	s0 =	sor.u32 s1, s0  }
0xbc: {  	s0 =	sadd.s32 $0x8F2B, s0  }
0xbd: {  	[sflag:s0] =	ssyncadd.remote.s32 $0x1  }
0xbe: {  	_ =	sfence.sel $0xFFFF  }
0xbf: {  	[dreg:$0x0] =	wrdreg $0xFFFFFFFF;
	(pc) =	sbr.abs _section_cstart, $3  }
0xc0: {  	[dreg:$0x1] =	wrdreg $0xFFFFFFFF  }
0xc1: {  	_ =	task.clear_ibuf [dreg:s6], $0x2FFFF;
	_ =	strace $0x9FFFFFFF  }
0xc2: {  	(tm) =	ssettm $0x7FFFFFFF  }
0xc3: {  	_ =	shalt  }
tec
execute0_lowered:
.L_overlay_start_1:
0x0: {  	(tag) =	ssettag $0x1  }
0x1: {  	s5 =	rddreg [dreg:$0x0]  }
0x2: {  	s1 =	rddreg [dreg:$0x1]  }
0x3: {  	s0 =	rddreg [dreg:$0x2];
	s3 =	simm.s32 $0x0  }
0x4: {  	s4 =	srdreg.scid;
	s2 =	stileid.u32;
	s14 =	simm.s32 $0x80  }
0x5: {  	s15 =	simm.s32 $0x1900;
	s16 =	simm.s32 $0x1A00;
	s17 =	simm.s32 $0x2  }
0x6: {  	s18 =	simm.s32 $0x1A80;
	s19 =	simm.s32 $0x3;
	s20 =	simm.s32 $0x1B00  }
0x7: {  	s21 =	simm.s32 $0x1;
	s22 =	simm.s32 $0x0;
	[smem:$0x7FF] =	sst s3  }
0x8: {  	s6 =	smul.u32 $0xC80, s2;
	s7 =	sand.u32 $0x1, s4;
	s23 =	sshll.u32 s2, $0x1  }
0x9: {  	s11 =	sadd.s32 $0x1A00, s5;
	s24 =	smul.u32 $0xC400, s2;
	p0 =	seq.s32 s7, $0x1  }
0xa: {  	s8 =	sor.u32 s7, s23;
	s12 =	ssub.s32 $0x2, s7;
	s7 =	smul.u32 $0x6200, s7  }
0xb: {  	_ =	strace $0x80000047;
	s9 =	sadd.s32 $0xC800, s6;
	s10 =	smul.u32 $0x6200, s8  }
0xc: {  	s4 =	sadd.s32 s6, s1;
	s25 =	sshrl.u32 s12, $0x1;
	s26 =	smul.u32 $0xC40, s8  }
0xd: {  	s6 =	smov.u32 @p0 s9;
	s28 =	ssub.s32 s12, s25;
	s7 =	sadd.s32 s7, s24  }
0xe: {  	s12 =	simm.s32 $0x1980;
	s6 =	sshrl.u32 s6, $0x3;
	s10 =	sshrl.u32 s10, $0x3  }
0xf: {  	s30 =	sadd.s32 $0x400, s7;
	s13 =	sadd.s32 s6, s5;
	s5 =	sadd.s32 s11, s26  }
0x10: {  	s29 =	sadd.s32 s11, s10;
	s6 =	smax.u32 s28, $0x1;
	s31 =	sshrl.u32 s30, $0x3  }
0x11: {  	s10 =	simm.s32 $0xC80;
	s7 =	sadd.s32 $0x40, s29;
	s8 =	sadd.s32 $0x1A200, s13  }
0x12: {  	v0 =	vimm.f32 $0.0e+00;
	v1 =	vimm.f32 $1.000000000e+00;
	s9 =	sadd.s32 s31, s11;
	s11 =	simm.s32 $0x4;
	s13 =	simm.s32 $0x1B80  }
.LBB2_1:
0x13: {  	s23 =	simm.s32 $0x40;
	s24 =	simm.s32 $0x0  }
.LBB2_2:
0x14: {  	p0 =	sne.s32 s23, $0x31C0;
	[tilespmem:s24+$0xC80] =	vst v0;
	s24 =	smov.u32 s23;
	s23 =	sadd.s32 $0x40, s23  }
.Ltmp0:
0x15: {  	(pc) =	sbr.rel @p0 .LBB2_2-.Ltmp0, $2  }
0x16: {  	_ =	sdelay $0x2  }
0x17: {  	s24 =	sshra.s32 s24, $0x2  }
0x18: {  	[tilespmem:s24+$0xC80] =	vst v0  }
0x19: {  	[tilespmem:$0x1900] =	vst v1  }
0x1a: {  	[tilespmem:$0x1910] =	vst v1  }
0x1b: {  	[tilespmem:$0x1920] =	vst v1  }
0x1c: {  	[tilespmem:$0x1930] =	vst v1  }
0x1d: {  	[tilespmem:$0x1940] =	vst v1  }
0x1e: {  	[tilespmem:$0x1950] =	vst v1  }
0x1f: {  	[tilespmem:$0x1960] =	vst v1  }
0x20: {  	[tilespmem:$0x1970] =	vst v1  }
0x21: {  	[spmem:s4] =	stream.linear.scatter [tilespmem:s10], [sflag:$0x4], $0xC80, $0x38;
	[tilespmem:$0x1D80] =	vst v63  }
0x22: {  	_ =	swait.ge [sflag:s11], $0xC80  }
0x23: {  	[sflag:s11] =	ssyncset.done $0x0  }
0x24: {  	[sflag:s11] =	ssyncadd.s32 $0xFFFFF380  }
0x25: {  	[bflag:$0x0] =	sbarrier.arrive $0xFFFF  }
0x26: {  	[tilespmem:s12], [sflag:$0x4] =	stream.linear.gather [hbm4b:s5+s3], $0x200, $0x38;
	[tilespmem:$0x1D80] =	vst v63  }
0x27: {  	_ =	swait.ge [sflag:s11], $0x200  }
0x28: {  	[sflag:s11] =	ssyncset.done $0x0  }
0x29: {  	[sflag:s11] =	ssyncadd.s32 $0xFFFFFE00  }
0x2a: {  	[tilespmem:s13], [sflag:$0x1] =	stream.linear.gather [hbm4b:s7+s3], $0x200, $0x38;
	[tilespmem:$0x1D80] =	vst v63  }
0x2b: {  	_ = 	snop  }
0x2c: {  	[spmem:s1] =	stream.indirect.scatter.add.f32 [tilespmem:s15], [sflag:$0x2], $0x1, s12, s14, $0xb8;
	[tilespmem:$0x1D80] =	vst v63  }
0x2d: {  	_ = 	snop  }
0x2e: {  	[spmem:s1] =	stream.indirect.scatter.add.f32 [tilespmem:s15], [sflag:$0x3], $0x1, s16, s14, $0xb8;
	[tilespmem:$0x1D80] =	vst v63  }
0x2f: {  	_ =	swait.ge [sflag:s17], $0x80  }
0x30: {  	[sflag:s17] =	ssyncset.done $0x0  }
0x31: {  	[sflag:s17] =	ssyncadd.s32 $0xFFFFFF80  }
0x32: {  	[spmem:s1] =	stream.indirect.scatter.add.f32 [tilespmem:s15], [sflag:$0x2], $0x1, s18, s14, $0xb8;
	[tilespmem:$0x1D80] =	vst v63  }
0x33: {  	_ =	swait.ge [sflag:s19], $0x80  }
0x34: {  	[sflag:s19] =	ssyncset.done $0x0  }
0x35: {  	[sflag:s19] =	ssyncadd.s32 $0xFFFFFF80  }
0x36: {  	[spmem:s1] =	stream.indirect.scatter.add.f32 [tilespmem:s15], [sflag:$0x3], $0x1, s20, s14, $0xb8;
	[tilespmem:$0x1D80] =	vst v63  }
0x37: {  	_ =	swait.ge [sflag:s21], $0x200  }
0x38: {  	[sflag:s21] =	ssyncset.done $0x0  }
0x39: {  	s23 =	simm.s32 $0xFFFFFFD0;
	s24 =	smov.u32 s9;
	[sflag:s21] =	ssyncadd.s32 $0xFFFFFE00  }
.LBB2_4:
0x3a: {  	s25 =	sadd.s32 $0xFFFFFFFF, s23  }
0x3b: {  	p0 =	seq.s32 s23, $0xFFFFFFFF;
	s25 =	sand.u32 $0x1, s25  }
0x3c: {  	s26 =	sshll.u32 @!p0 s25, $0x9  }
0x3d: {  	s28 =	simm.s32 @!p0 $0x0;
	s26 =	sxor.u32 @!p0 $0x1B80, s26  }
0x3e: {  	[tilespmem:s26], [sflag:$0x1] =	stream.linear.gather @!p0 [hbm4b:s24+s28], $0x200, $0x38;
	[tilespmem:$0x1D80] =	vst v63  }
0x3f: {  	_ =	swait.ge [sflag:s17], $0x80  }
0x40: {  	s25 =	sshll.u32 s25, $0x9;
	[sflag:s17] =	ssyncset.done $0x0  }
0x41: {  	s29 =	sor.u32 $0x1980, s25;
	[sflag:s17] =	ssyncadd.s32 $0xFFFFFF80  }
0x42: {  	[spmem:s1] =	stream.indirect.scatter.add.f32 [tilespmem:s15], [sflag:$0x2], $0x1, s29, s14, $0xb8;
	[tilespmem:$0x1D80] =	vst v63  }
0x43: {  	_ =	swait.ge [sflag:s19], $0x80  }
0x44: {  	[sflag:s19] =	ssyncset.done $0x0  }
0x45: {  	s30 =	sadd.s32 $0x1A00, s25;
	[sflag:s19] =	ssyncadd.s32 $0xFFFFFF80  }
0x46: {  	[spmem:s1] =	stream.indirect.scatter.add.f32 [tilespmem:s15], [sflag:$0x3], $0x1, s30, s14, $0xb8;
	[tilespmem:$0x1D80] =	vst v63  }
0x47: {  	_ =	swait.ge [sflag:s17], $0x80  }
0x48: {  	[sflag:s17] =	ssyncset.done $0x0  }
0x49: {  	s31 =	sadd.s32 $0x1A80, s25;
	[sflag:s17] =	ssyncadd.s32 $0xFFFFFF80  }
0x4a: {  	[spmem:s1] =	stream.indirect.scatter.add.f32 [tilespmem:s15], [sflag:$0x2], $0x1, s31, s14, $0xb8;
	[tilespmem:$0x1D80] =	vst v63  }
0x4b: {  	s23 =	sadd.s32 @!p0 $0x1, s23;
	_ =	swait.ge [sflag:s19], $0x80  }
0x4c: {  	p1 =	seq.s32 @!p0 s23, $0x0;
	[sflag:s19] =	ssyncset.done $0x0  }
0x4d: {  	s25 =	sadd.s32 $0x1B00, s25;
	p1 =	por p0, p1;
	[sflag:s19] =	ssyncadd.s32 $0xFFFFFF80  }
0x4e: {  	[spmem:s1] =	stream.indirect.scatter.add.f32 [tilespmem:s15], [sflag:$0x3], $0x1, s25, s14, $0xb8;
	[tilespmem:$0x1D80] =	vst v63  }
.Ltmp1:
0x4f: {  	_ = 	snop;
	(pc) =	sbr.rel @!p1 .LBB2_4-.Ltmp1, $4  }
0x50: {  	s25 =	simm.s32 @!p0 $0x1  }
0x51: {  	_ =	swait.ge @!p0 [sflag:s25], $0x200  }
0x52: {  	[sflag:s25] =	ssyncset.done @!p0 $0x0  }
0x53: {  	s24 =	sadd.s32 @!p0 $0x40, s24;
	[sflag:s25] =	ssyncadd.s32 @!p0 $0xFFFFFE00  }
0x54: {  	_ =	swait.ge [sflag:s17], $0x80  }
0x55: {  	[sflag:s17] =	ssyncset.done $0x0  }
0x56: {  	[sflag:s17] =	ssyncadd.s32 $0xFFFFFF80  }
0x57: {  	_ =	swait.ge [sflag:s19], $0x80  }
0x58: {  	s23 =	sshll.u32 s2, $0x6;
	s22 =	sadd.s32 $0x1, s22;
	[sflag:s19] =	ssyncset.done $0x0  }
0x59: {  	s24 =	sshrl.u32 s4, $0x3;
	p0 =	sne.s32 s22, s6;
	[sflag:s19] =	ssyncadd.s32 $0xFFFFFF80  }
.Ltmp2:
0x5a: {  	s23 =	sor.u32 $0x1C04, s23;
	[bflag:$0x0] =	sbarrier.arrive $0xFFFF;
	(pc) =	sbr.rel @p0 .LBB2_1-.Ltmp2, $4  }
0x5b: {  	[hbm:s8], [sflag:s23] =	dma.local [spmem:s24], $0x190  }
0x5c: {  	_ =	swait.ge [sflag:s11], $0x190  }
0x5d: {  	[sflag:s11] =	ssyncset.done $0x0  }
0x5e: {  	[sflag:s11] =	ssyncadd.s32 $0xFFFFFE70  }
0x5f: {  	_ =	sfence.sel $0x180000  }
0x60: {  	[bflag:$0x0] =	sbarrier.arrive $0xFFFF  }
0x61: {  	p0 =	sne.s32 s2, $0x0;
	_ =	strace $0x90000047  }
0x62: {  	s0 =	sadd.s32 @!p0 $0x100000, s0;
	[bflag:$0x2] =	sbarrier.arrive $0xFFFF  }
0x63: {  	[sflag:s0] =	ssyncadd.tile.s32 @!p0 $0x1;
	_ =	shalt  }
.Lfunc_end2:
_tile_overlayer_lowered:
.L_overlay_start_2:
0x64: {  	(tag) =	ssettag $0x2  }
0x65: {  	s0 =	rddreg [dreg:$0x0];
	s2 =	stileid.u32  }
0x66: {  	s1 =	rddreg [dreg:$0x1];
	p0 =	sne.s32 s2, $0x0  }
0x67: {  	s3 =	rddreg [dreg:$0x2];
	[bflag:$0x3] =	sbarrier.arrive $0xFFFF;
	s2 =	simm.s32 @!p0 $0x1C04  }
0x68: {  	[timem:s3], [sflag:s2] =	dma.local @!p0 [hbm:s0], s1  }
0x69: {  	s0 =	simm.s32 @!p0 $0x4  }
0x6a: {  	_ =	swait.ge @!p0 [sflag:s0], s1  }
0x6b: {  	s1 =	ssub.s32 @!p0 $0x0, s1;
	[sflag:s0] =	ssyncset.done @!p0 $0x0  }
0x6c: {  	[sflag:s0] =	ssyncadd.s32 @!p0 s1  }
0x6d: {  	[bflag:$0x3] =	sbarrier.arrive $0xFFFF  }
0x6e: {  	_ =	shalt  }

// kernel: kernel.9.cloned.1.call-start
scs
__scs_entry_jumppad:
0x0: {  	(pc) =	sbr.rel $0x88, $3  }
0x1: {  	(tag) =	ssettag $0x0;
	lr =	simm.s32 $0x1  }
0x2: {  	[smem:$0x3F9B] =	sst lr;
	_ =	strace $0xD0000000  }
0x3: {  	_ = 	snop  }
0x4: {  	_ = 	snop  }
0x5: {  	_ = 	snop  }
0x6: {  	_ = 	snop  }
0x7: {  	_ = 	snop  }
__scs_overlays_trampoline_lowered:
0x8: {  	[smem:$0x3FAA] =	sst s0  }
0x9: {  	[smem:$0x3FAB] =	sst s1  }
0xa: {  	[smem:$0x3FAC] =	sst s2  }
0xb: {  	[smem:$0x3FAD] =	sst s3  }
0xc: {  	[smem:$0x3FAE] =	sst s4  }
0xd: {  	[smem:$0x3FAF] =	sst s5  }
0xe: {  	[smem:$0x3FB0] =	sst s6  }
0xf: {  	[smem:$0x3FB1] =	sst s7  }
0x10: {  	[smem:$0x3FB2] =	sst s8  }
0x11: {  	[smem:$0x3FB3] =	sst s9;
	s0 =	simm.s32 @!p0 $0x0  }
0x12: {  	s1 =	sld [smem:$0x3F99];
	s0 =	simm.s32 @p0 $0x1  }
0x13: {  	[smem:$0x3FB4] =	sst s0;
	s0 =	simm.s32 @!p1 $0x0  }
0x14: {  	s2 =	sld [smem:$0x3F98];
	s0 =	simm.s32 @p1 $0x1  }
0x15: {  	[smem:$0x3FB5] =	sst s0;
	s0 =	simm.s32 @!p2 $0x0  }
0x16: {  	s3 =	sld [smem:$0x3FDB];
	s0 =	simm.s32 @p2 $0x1  }
0x17: {  	s4 =	simm.s32 $0x1BF5;
	[smem:$0x3FB7] =	sst s0  }
0x18: {  	s0 =	sld [smem:$0x3F9A];
	_ =	swait.ge [sflag:s4], $0x0  }
0x19: {  	s7 =	sld [smem:$0x3F9B]  }
0x1a: {  	s8 =	sadd.s32 $0xFFFFE003, lr  }
0x1b: {  	s9 =	sadd.s32 $0xFFFFFEF7, lr;
	s5 =	simm.s32 $0xFFFFFFFF;
	p2 =	slt.u32 s8, $0xFFFFF086  }
0x1c: {  	p1 =	slt.u32 s9, $0xF7A;
	s5 =	simm.s32 @!p2 $0x0  }
0x1d: {  	s5 =	simm.s32 @p1 $0x1;
	p0 =	seq.s32 s7, s2  }
0x1e: {  	s7 =	smul.u32 @!p0 $0xF7A, s2;
	p2 =	seq.s32 @!p0 s5, $0x0  }
0x1f: {  	s9 =	smul.u32 $0xF7A, s1;
	s8 =	simm.s32 @!p0 $0x1BF5;
	p2 =	por !p2, p0  }
0x20: {  	[sflag:s8] =	ssyncset.s32 @!p0 $0xFFFFF086;
	s6 =	sadd.s32 @!p0 s3, s7;
	s7 =	simm.s32 @!p0 $0x108  }
0x21: {  	s3 =	sadd.s32 s3, s9;
	s6 =	sadd.s32 @!p0 $0x88, s6;
	s7 =	simm.s32 @p2 $0x1082  }
0x22: {  	[simem:s7], [sflag:s8] =	dma.local @!p0 [hbm:s6], $0xF7A  }
0x23: {  	s9 =	sor.u32 $0xD0000000, s2;
	s6 =	simm.s32 $0x108;
	_ =	swait.ge @!p0 [sflag:s8], $0x0  }
0x24: {  	s3 =	sadd.s32 $0x88, s3;
	s6 =	simm.s32 @!p1 $0x1082;
	[sflag:s4] =	ssyncset.s32 $0xFFFFF086  }
0x25: {  	[simem:s6], [sflag:s4] =	dma.local [hbm:s3], $0xF7A  }
0x26: {  	[smem:$0x3F9B] =	sst s1;
	(tag) =	ssettag s2;
	_ =	strace s9  }
0x27: {  	s1 =	sld [smem:$0x3FAB]  }
0x28: {  	s2 =	sld [smem:$0x3FAC]  }
0x29: {  	s4 =	sld [smem:$0x3FAE]  }
0x2a: {  	p0 =	seq.s32 s5, $0x0;
	s5 =	sld [smem:$0x3FAF]  }
0x2b: {  	s6 =	sld [smem:$0x3FB0]  }
0x2c: {  	s7 =	sld [smem:$0x3FB1]  }
0x2d: {  	s3 =	simm.s32 $0x108;
	s8 =	sld [smem:$0x3FB2]  }
0x2e: {  	s3 =	simm.s32 @!p0 $0x1082;
	s9 =	sld [smem:$0x3FB3]  }
0x2f: {  	lr =	sadd.s32 s0, s3;
	s0 =	sld [smem:$0x3FAA]  }
0x30: {  	s3 =	sld [smem:$0x3FAD]  }
0x31: {  	[smem:$0x3FB6] =	sst s10  }
0x32: {  	s10 =	sld [smem:$0x3FB4];
	_ =	sdelay $0x3  }
0x33: {  	p0 =	seq.s32 s10, $0x1;
	s10 =	sld [smem:$0x3FB6];
	_ =	sdelay $0x3  }
0x34: {  	[smem:$0x3FB6] =	sst s10  }
0x35: {  	s10 =	sld [smem:$0x3FB5];
	_ =	sdelay $0x3  }
0x36: {  	p1 =	seq.s32 s10, $0x1;
	s10 =	sld [smem:$0x3FB6];
	_ =	sdelay $0x3  }
0x37: {  	[smem:$0x3FB6] =	sst s10  }
0x38: {  	s10 =	sld [smem:$0x3FB7]  }
0x39: {  	_ = 	snop;
	(pc) =	sbr.ind lr, $3  }
0x3a: {  	_ = 	snop  }
0x3b: {  	_ = 	snop  }
0x3c: {  	p2 =	seq.s32 s10, $0x1;
	s10 =	sld [smem:$0x3FB6]  }
0x3d: {  	_ =	shalt  }
0x3e: {  	_ =	shalt  }
0x3f: {  	_ =	shalt  }
0x40: {  	_ =	shalt  }
0x41: {  	_ =	shalt  }
0x42: {  	_ =	shalt  }
0x43: {  	_ =	shalt  }
0x44: {  	_ =	shalt  }
0x45: {  	_ =	shalt  }
0x46: {  	_ =	shalt  }
0x47: {  	_ =	shalt  }
0x48: {  	_ =	shalt  }
0x49: {  	_ =	shalt  }
0x4a: {  	_ =	shalt  }
0x4b: {  	_ =	shalt  }
0x4c: {  	_ =	shalt  }
0x4d: {  	_ =	shalt  }
0x4e: {  	_ =	shalt  }
0x4f: {  	_ =	shalt  }
0x50: {  	_ =	shalt  }
0x51: {  	_ =	shalt  }
0x52: {  	_ =	shalt  }
0x53: {  	_ =	shalt  }
0x54: {  	_ =	shalt  }
0x55: {  	_ =	shalt  }
0x56: {  	_ =	shalt  }
0x57: {  	_ =	shalt  }
0x58: {  	_ =	shalt  }
0x59: {  	_ =	shalt  }
0x5a: {  	_ =	shalt  }
0x5b: {  	_ =	shalt  }
0x5c: {  	_ =	shalt  }
0x5d: {  	_ =	shalt  }
0x5e: {  	_ =	shalt  }
0x5f: {  	_ =	shalt  }
0x60: {  	_ =	shalt  }
0x61: {  	_ =	shalt  }
0x62: {  	_ =	shalt  }
0x63: {  	_ =	shalt  }
0x64: {  	_ =	shalt  }
0x65: {  	_ =	shalt  }
0x66: {  	_ =	shalt  }
0x67: {  	_ =	shalt  }
0x68: {  	_ =	shalt  }
0x69: {  	_ =	shalt  }
0x6a: {  	_ =	shalt  }
0x6b: {  	_ =	shalt  }
0x6c: {  	_ =	shalt  }
0x6d: {  	_ =	shalt  }
0x6e: {  	_ =	shalt  }
0x6f: {  	_ =	shalt  }
0x70: {  	_ =	shalt  }
0x71: {  	_ =	shalt  }
0x72: {  	_ =	shalt  }
0x73: {  	_ =	shalt  }
0x74: {  	_ =	shalt  }
0x75: {  	_ =	shalt  }
0x76: {  	_ =	shalt  }
0x77: {  	_ =	shalt  }
0x78: {  	_ =	shalt  }
0x79: {  	_ =	shalt  }
0x7a: {  	_ =	shalt  }
0x7b: {  	_ =	shalt  }
0x7c: {  	_ =	shalt  }
0x7d: {  	_ =	shalt  }
0x7e: {  	_ =	shalt  }
0x7f: {  	_ =	shalt  }
0x80: {  	_ =	shalt  }
0x81: {  	_ =	shalt  }
0x82: {  	_ =	shalt  }
0x83: {  	_ =	shalt  }
0x84: {  	_ =	shalt  }
0x85: {  	_ =	shalt  }
0x86: {  	_ =	shalt  }
0x87: {  	_ =	shalt  }
.Lfunc_end0:
.L_simem_size_0:
called_computation.1_lowered:
.L_overlay_start_0:
0x88: {  	s2 =	sld [smem:$0x3FD9]  }
0x89: {  	s3 =	sld [smem:$0x3FFE];
	_ =	sdelay $0x1  }
0x8a: {  	s1 =	srdreg.scid  }
0x8b: {  	s0 =	sand.u32 $0x1, s1  }
0x8c: {  	s16 =	sshll.u32 s0, $0xA;
	s2 =	sadd.s32 s3, s2  }
0x8d: {  	s2 =	sadd.s32 s2, s16  }
0x8e: {  	[smem:$0x3FC2] =	sst s2  }
0x8f: {  	_ = 	snop  }
0x90: {  	(tm) =	ssettm $0x1  }
0x91: {  	s17 =	sld [smem:$0x3FFB];
	_ =	sdelay $0x3  }
0x92: {  	_ =	strace s17  }
0x93: {  	s2 =	sld [smem:$0x3FFC];
	_ =	sdelay $0x3  }
0x94: {  	_ =	strace s2  }
0x95: {  	s2 =	sld [smem:$0x3FFD];
	_ =	sdelay $0x3  }
0x96: {  	_ =	strace s2  }
0x97: {  	_ =	strace $0x8FFFFFFF  }
0x98: {  	s18 =	sld [smem:$0x3FDB];
	_ =	sdelay $0x1  }
0x99: {  	s19 =	simm.s32 $_scs_section_size  }
0x9a: {  	s4 =	simm.s32 $_size__tile_overlayer_lowered;
	s5 =	simm.s32 $_tile_overlayer_lowered  }
0x9b: {  	s22 =	simm.s32 $0x1BFF;
	s21 =	sshll.u32 s5, $0x1;
	s2 =	sadd.s32 s19, s18  }
0x9c: {  	s6 =	simm.s32 $0x0;
	s20 =	sshll.u32 s4, $0x1;
	s4 =	sadd.s32 s21, s2  }
0x9d: {  	[timem:s6], [sflag:s22] =	dma.local [hbm:s4], s20  }
0x9e: {  	_ =	swait.ge [sflag:s22], s20  }
0x9f: {  	s3 =	ssub.s32 $0x0, s20;
	[sflag:s22] =	ssyncset.done $0x0  }
0xa0: {  	[sflag:s22] =	ssyncadd.s32 s3;
	_ =	sdelay $0x1  }
0xa1: {  	s23 =	simm.s32 $0x1B8B  }
0xa2: {  	_ =	swait.ge [sflag:s23], $0x1  }
0xa3: {  	[sflag:s23] =	ssyncset.done $0x0  }
0xa4: {  	s25 =	simm.s32 $0x1B8E;
	s24 =	sld [smem:$0x3FFE];
	[sflag:s23] =	ssyncadd.s32 $0xFFFFFFFF  }
0xa5: {  	s26 =	simm.s32 $execute0_lowered;
	[smem:$0x3FD2] =	sst s25  }
0xa6: {  	s4 =	sshll.u32 s26, $0x1;
	_ =	strace $0x80000049;
	[dreg:$0x1] =	wrdreg $0xFFFFFFFF  }
0xa7: {  	s28 =	simm.s32 $_size_execute0_lowered;
	s2 =	sadd.s32 s2, s4;
	[dreg:$0x0] =	wrdreg $0x0  }
0xa8: {  	s4 =	sshll.u32 s28, $0x1;
	[dreg:$0x2] =	wrdreg s2  }
0xa9: {  	[dreg:$0x3] =	wrdreg s4  }
0xaa: {  	[dreg:$0x4] =	wrdreg $0xC0  }
0xab: {  	_ =	task [dreg:s6], $0x5FFFF  }
0xac: {  	[dreg:$0x1] =	wrdreg $0xFFFFFFFF  }
0xad: {  	[dreg:$0x0] =	wrdreg $0x60  }
0xae: {  	[dreg:$0x2] =	wrdreg s24  }
0xaf: {  	[dreg:$0x3] =	wrdreg $0x0  }
0xb0: {  	[dreg:$0x4] =	wrdreg $0x9  }
0xb1: {  	_ =	task.clear_ibuf [dreg:s6], $0x5FFFF;
	_ =	strace $0x90000049  }
0xb2: {  	s29 =	simm.s32 $0x9;
	_ =	strace $0x8000004B  }
0xb3: {  	_ =	swait.ge [sflag:s29], $0x1  }
0xb4: {  	[sflag:s29] =	ssyncadd.s32 $0xFFFFFFFF  }
0xb5: {  	_ =	strace $0x9000004B  }
0xb6: {  	_ =	sfence  }
0xb7: {  	s30 =	sld [smem:$0x0];
	_ =	sdelay $0x2  }
0xb8: {  	s31 =	sshll.u32 s1, $0xD;
	s1 =	sshrl.u32 s1, $0x2  }
0xb9: {  	s3 =	sand.u32 $0x4000, s31;
	s1 =	sadd.s32 s1, s30  }
0xba: {  	s0 =	sor.u32 s3, s0;
	s1 =	sshll.u32 s1, $0x11  }
0xbb: {  	s0 =	sor.u32 s1, s0  }
0xbc: {  	s0 =	sadd.s32 $0x8F2B, s0  }
0xbd: {  	[sflag:s0] =	ssyncadd.remote.s32 $0x1  }
0xbe: {  	_ =	sfence.sel $0xFFFF  }
0xbf: {  	[dreg:$0x0] =	wrdreg $0xFFFFFFFF;
	(pc) =	sbr.abs _section_cstart, $3  }
0xc0: {  	[dreg:$0x1] =	wrdreg $0xFFFFFFFF  }
0xc1: {  	_ =	task.clear_ibuf [dreg:s6], $0x2FFFF;
	_ =	strace $0x9FFFFFFF  }
0xc2: {  	(tm) =	ssettm $0x7FFFFFFF  }
0xc3: {  	_ =	shalt  }
tec
execute0_lowered:
.L_overlay_start_1:
0x0: {  	(tag) =	ssettag $0x1  }
0x1: {  	s0 =	rddreg [dreg:$0x0]  }
0x2: {  	s2 =	rddreg [dreg:$0x1];
	s8 =	stileid.u32  }
0x3: {  	s1 =	simm.s32 $0x0;
	s6 =	srdreg.scid;
	s16 =	smul.u32 $0x1880, s8  }
0x4: {  	[smem:$0x7FF] =	sst s1;
	s4 =	sadd.s32 $0x1A200, s0;
	s3 =	smul.u32 $0x19000, s8  }
0x5: {  	s5 =	sadd.s32 $0x4B200, s0;
	s7 =	sand.u32 $0x1, s6;
	s17 =	smul.u32 $0x64000, s8  }
0x6: {  	_ =	strace $0x8000004A;
	s9 =	ssub.s32 $0x2, s7;
	s1 =	sadd.s32 s16, s0  }
0x7: {  	s18 =	sshrl.u32 s3, $0x3;
	s19 =	sshrl.u32 s9, $0x1;
	s20 =	sadd.s32 $0xE0A00, s1  }
0x8: {  	s3 =	sadd.s32 s3, s2;
	s21 =	sadd.s32 $0x1A00, s1;
	[dreg:$0x3] =	wrdreg s20  }
0x9: {  	s0 =	sadd.s32 s18, s0;
	s14 =	sshrl.u32 s3, $0x3;
	[dreg:$0x4] =	wrdreg s21  }
0xa: {  	s6 =	sshrl.u32 s17, $0x2;
	s22 =	sadd.s32 $0xAE200, s0;
	[dreg:$0x13] =	wrdreg s14  }
0xb: {  	s8 =	ssub.s32 s9, s19;
	s0 =	sadd.s32 $0x7C200, s0;
	[dreg:$0x5] =	wrdreg s22  }
0xc: {  	s6 =	sadd.s32 s6, s2;
	s23 =	smax.u32 s8, $0x1;
	[dreg:$0x6] =	wrdreg s0  }
0xd: {  	s24 =	sadd.s32 $0x1000, s6;
	[dreg:$0x7] =	wrdreg s23  }
0xe: {  	s25 =	sadd.s32 $0x2000, s6;
	[dreg:$0x8] =	wrdreg s24  }
0xf: {  	s26 =	sadd.s32 $0x3000, s6;
	[dreg:$0x9] =	wrdreg s25  }
0x10: {  	s30 =	sadd.s32 $0x4000, s6;
	[dreg:$0xa] =	wrdreg s26  }
0x11: {  	s31 =	sadd.s32 $0x5000, s6;
	[dreg:$0xb] =	wrdreg s30  }
0x12: {  	s8 =	sadd.s32 $0x6000, s6;
	[dreg:$0xc] =	wrdreg s31  }
0x13: {  	s9 =	sadd.s32 $0x7000, s6;
	[dreg:$0xd] =	wrdreg s8  }
0x14: {  	s10 =	sadd.s32 $0x8000, s6;
	[dreg:$0xe] =	wrdreg s9  }
0x15: {  	s11 =	sadd.s32 $0x9000, s6;
	[dreg:$0xf] =	wrdreg s10  }
0x16: {  	s12 =	sadd.s32 $0xA000, s6;
	[dreg:$0x10] =	wrdreg s11  }
0x17: {  	s13 =	sadd.s32 $0xB000, s6;
	[dreg:$0x11] =	wrdreg s12  }
0x18: {  	s28 =	simm.s32 $0x4;
	s15 =	sadd.s32 $0xC000, s6;
	[dreg:$0x12] =	wrdreg s13  }
0x19: {  	s29 =	simm.s32 $0x0;
	s16 =	sadd.s32 $0xD000, s6;
	[dreg:$0x14] =	wrdreg s15  }
0x1a: {  	p0 =	sne.s32 s7, $0x0;
	s17 =	sadd.s32 $0xE000, s6;
	[dreg:$0x15] =	wrdreg s16  }
0x1b: {  	s7 =	simm.s32 $0x1E000;
	s18 =	sadd.s32 $0xF000, s6;
	[dreg:$0x16] =	wrdreg s17  }
0x1c: {  	s19 =	sadd.s32 $0x10000, s6;
	s20 =	sadd.s32 $0x11000, s6;
	[dreg:$0x17] =	wrdreg s18  }
0x1d: {  	s21 =	sadd.s32 $0x12000, s6;
	s14 =	simm.s32 $0x8;
	[dreg:$0x18] =	wrdreg s19  }
0x1e: {  	s23 =	sadd.s32 $0x1A80, s1;
	s24 =	sadd.s32 $0xE0A80, s1;
	[dreg:$0x19] =	wrdreg s20  }
0x1f: {  	[dreg:$0x1a] =	wrdreg s21;
	s22 =	sadd.s32 $0x13000, s6;
	s25 =	sadd.s32 $0x14000, s6  }
0x20: {  	s26 =	sadd.s32 $0x15000, s6;
	s30 =	sadd.s32 $0x16000, s6;
	s31 =	sadd.s32 $0x17000, s6  }
0x21: {  	s11 =	sadd.s32 $0x18000, s6;
	s12 =	simm.s32 $0x1D000;
	[dreg:$0x1b] =	wrdreg s22  }
.Ltmp0:
0x22: {  	s15 =	simm.s32 $0x80;
	[dreg:$0x1c] =	wrdreg s25;
	(pc) =	sbr.rel .LBB2_1-.Ltmp0, $4  }
0x23: {  	s16 =	simm.s32 $0x19000;
	s17 =	simm.s32 $0x1A000;
	[dreg:$0x1d] =	wrdreg s26  }
0x24: {  	s18 =	simm.s32 $0x1B000;
	s19 =	simm.s32 $0x7;
	[dreg:$0x1e] =	wrdreg s30  }
0x25: {  	s20 =	simm.s32 $0x1;
	s21 =	simm.s32 $0x1C000;
	[dreg:$0x1f] =	wrdreg s31  }
0x26: {  	v0 =	vimm.f32 $0.0e+00;
	s22 =	simm.s32 $0x2;
	s25 =	simm.s32 $0x5;
	s26 =	simm.s32 $0x3  }
.LBB2_11:
0x27: {  	s0 =	rddreg [dreg:$0x5]  }
.LBB2_12:
0x28: {  	s1 =	sor.u32 $0x1E800, s9;
	s7 =	simm.s32 $0x1E000  }
0x29: {  	[spmem:s2] =	stream.indirect.scatter.add.f32 [tilespmem:s21], [sflag:$0x5], $0x20, s1, s15, $0xb8;
	[tilespmem:$0x1F000] =	vst v63  }
.LBB2_15:
0x2a: {  	_ =	swait.ge [sflag:s25], $0x1000  }
0x2b: {  	[sflag:s25] =	ssyncset.done $0x0  }
0x2c: {  	s1 =	stileid.u32;
	[sflag:s25] =	ssyncadd.s32 $0xFFFFF000  }
0x2d: {  	s1 =	sshll.u32 s1, $0x6;
	[bflag:$0x0] =	sbarrier.arrive $0xFFFF  }
0x2e: {  	s1 =	sor.u32 $0x1C08, s1;
	s3 =	rddreg [dreg:$0x13]  }
0x2f: {  	[hbm:s0], [sflag:s1] =	dma.local [spmem:s3], $0x3200  }
0x30: {  	_ =	swait.ge [sflag:s14], $0x3200  }
0x31: {  	s29 =	sadd.s32 $0x1, s29;
	s31 =	rddreg [dreg:$0x7]  }
0x32: {  	p1 =	sne.s32 s29, s31  }
.Ltmp1:
0x33: {  	_ = 	snop;
	(pc) =	sbr.rel @!p1 .LBB2_16-.Ltmp1, $3  }
0x34: {  	_ =	sdelay $0x1  }
0x35: {  	[sflag:s14] =	ssyncset.done $0x0  }
0x36: {  	[sflag:s14] =	ssyncadd.s32 $0xFFFFCE00  }
.LBB2_1:
0x37: {  	s0 =	simm.s32 $0x80;
	s9 =	simm.s32 $0x0  }
.LBB2_2:
0x38: {  	p1 =	sne.s32 s0, $0x3F80;
	[tilespmem:s9+$0x1D000] =	vst v0;
	s10 =	smov.u32 s0;
	s0 =	sadd.s32 $0x80, s0  }
.Ltmp2:
0x39: {  	[tilespmem:s9+$0x1D010] =	vst v0;
	(pc) =	sbr.rel @p1 .LBB2_2-.Ltmp2, $2  }
0x3a: {  	_ =	sdelay $0x2  }
0x3b: {  	s9 =	sshra.s32 s10, $0x2  }
0x3c: {  	[tilespmem:s9+$0x1D000] =	vst v0  }
0x3d: {  	[tilespmem:s9+$0x1D010] =	vst v0  }
0x3e: {  	[spmem:s6] =	stream.linear.scatter [tilespmem:s12], [sflag:$0x7], $0x1000, $0x38;
	[tilespmem:$0x1F000] =	vst v63  }
0x3f: {  	s0 =	rddreg [dreg:$0x8]  }
0x40: {  	[spmem:s0] =	stream.linear.scatter [tilespmem:s12], [sflag:$0x7], $0x1000, $0x38;
	[tilespmem:$0x1F000] =	vst v63  }
0x41: {  	s1 =	rddreg [dreg:$0x9]  }
0x42: {  	[spmem:s1] =	stream.linear.scatter [tilespmem:s12], [sflag:$0x7], $0x1000, $0x38;
	[tilespmem:$0x1F000] =	vst v63  }
0x43: {  	s3 =	rddreg [dreg:$0xa]  }
0x44: {  	[spmem:s3] =	stream.linear.scatter [tilespmem:s12], [sflag:$0x7], $0x1000, $0x38;
	[tilespmem:$0x1F000] =	vst v63  }
0x45: {  	s8 =	rddreg [dreg:$0xb]  }
0x46: {  	[spmem:s8] =	stream.linear.scatter [tilespmem:s12], [sflag:$0x7], $0x1000, $0x38;
	[tilespmem:$0x1F000] =	vst v63  }
0x47: {  	s9 =	rddreg [dreg:$0xc]  }
0x48: {  	[spmem:s9] =	stream.linear.scatter [tilespmem:s12], [sflag:$0x7], $0x1000, $0x38;
	[tilespmem:$0x1F000] =	vst v63  }
0x49: {  	s10 =	rddreg [dreg:$0xd]  }
0x4a: {  	[spmem:s10] =	stream.linear.scatter [tilespmem:s12], [sflag:$0x7], $0x1000, $0x38;
	[tilespmem:$0x1F000] =	vst v63  }
0x4b: {  	s13 =	rddreg [dreg:$0xe]  }
0x4c: {  	[spmem:s13] =	stream.linear.scatter [tilespmem:s12], [sflag:$0x7], $0x1000, $0x38;
	[tilespmem:$0x1F000] =	vst v63  }
0x4d: {  	s30 =	rddreg [dreg:$0xf]  }
0x4e: {  	[spmem:s30] =	stream.linear.scatter [tilespmem:s12], [sflag:$0x7], $0x1000, $0x38;
	[tilespmem:$0x1F000] =	vst v63  }
0x4f: {  	s31 =	rddreg [dreg:$0x10]  }
0x50: {  	[spmem:s31] =	stream.linear.scatter [tilespmem:s12], [sflag:$0x7], $0x1000, $0x38;
	[tilespmem:$0x1F000] =	vst v63  }
0x51: {  	s1 =	rddreg [dreg:$0x11]  }
0x52: {  	[spmem:s1] =	stream.linear.scatter [tilespmem:s12], [sflag:$0x7], $0x1000, $0x38;
	[tilespmem:$0x1F000] =	vst v63  }
0x53: {  	s3 =	rddreg [dreg:$0x12]  }
0x54: {  	[spmem:s3] =	stream.linear.scatter [tilespmem:s12], [sflag:$0x7], $0x1000, $0x38;
	[tilespmem:$0x1F000] =	vst v63  }
0x55: {  	s8 =	rddreg [dreg:$0x14]  }
0x56: {  	[spmem:s8] =	stream.linear.scatter [tilespmem:s12], [sflag:$0x7], $0x1000, $0x38;
	[tilespmem:$0x1F000] =	vst v63  }
0x57: {  	s9 =	rddreg [dreg:$0x15]  }
0x58: {  	[spmem:s9] =	stream.linear.scatter [tilespmem:s12], [sflag:$0x7], $0x1000, $0x38;
	[tilespmem:$0x1F000] =	vst v63  }
0x59: {  	s10 =	rddreg [dreg:$0x16]  }
0x5a: {  	[spmem:s10] =	stream.linear.scatter [tilespmem:s12], [sflag:$0x7], $0x1000, $0x38;
	[tilespmem:$0x1F000] =	vst v63  }
0x5b: {  	s13 =	rddreg [dreg:$0x17]  }
0x5c: {  	[spmem:s13] =	stream.linear.scatter [tilespmem:s12], [sflag:$0x7], $0x1000, $0x38;
	[tilespmem:$0x1F000] =	vst v63  }
0x5d: {  	s30 =	rddreg [dreg:$0x18]  }
0x5e: {  	[spmem:s30] =	stream.linear.scatter [tilespmem:s12], [sflag:$0x7], $0x1000, $0x38;
	[tilespmem:$0x1F000] =	vst v63  }
0x5f: {  	s31 =	rddreg [dreg:$0x19]  }
0x60: {  	[spmem:s31] =	stream.linear.scatter [tilespmem:s12], [sflag:$0x7], $0x1000, $0x38;
	[tilespmem:$0x1F000] =	vst v63  }
0x61: {  	s1 =	rddreg [dreg:$0x1a]  }
0x62: {  	[spmem:s1] =	stream.linear.scatter [tilespmem:s12], [sflag:$0x7], $0x1000, $0x38;
	[tilespmem:$0x1F000] =	vst v63  }
0x63: {  	s3 =	rddreg [dreg:$0x1b]  }
0x64: {  	[spmem:s3] =	stream.linear.scatter [tilespmem:s12], [sflag:$0x7], $0x1000, $0x38;
	[tilespmem:$0x1F000] =	vst v63  }
0x65: {  	s8 =	rddreg [dreg:$0x1c]  }
0x66: {  	[spmem:s8] =	stream.linear.scatter [tilespmem:s12], [sflag:$0x7], $0x1000, $0x38;
	[tilespmem:$0x1F000] =	vst v63  }
0x67: {  	s9 =	rddreg [dreg:$0x1d]  }
0x68: {  	[spmem:s9] =	stream.linear.scatter [tilespmem:s12], [sflag:$0x7], $0x1000, $0x38;
	[tilespmem:$0x1F000] =	vst v63  }
0x69: {  	s10 =	rddreg [dreg:$0x1e]  }
0x6a: {  	[spmem:s10] =	stream.linear.scatter [tilespmem:s12], [sflag:$0x7], $0x1000, $0x38;
	[tilespmem:$0x1F000] =	vst v63  }
0x6b: {  	s13 =	rddreg [dreg:$0x1f]  }
0x6c: {  	[spmem:s13] =	stream.linear.scatter [tilespmem:s12], [sflag:$0x7], $0x1000, $0x38;
	[tilespmem:$0x1F000] =	vst v63  }
0x6d: {  	_ = 	snop  }
0x6e: {  	[spmem:s11] =	stream.linear.scatter [tilespmem:s12], [sflag:$0x7], $0x1000, $0x38;
	[tilespmem:$0x1F000] =	vst v63  }
0x6f: {  	s30 =	simm.s32 $0x0;
	s1 =	rddreg [dreg:$0x3]  }
0x70: {  	[tilespmem:s7], [sflag:$0x8] =	stream.linear.gather [hbm4b:s1+s30], $0x400, $0x38;
	[tilespmem:$0x1F000] =	vst v63  }
0x71: {  	_ =	swait.ge [sflag:s14], $0x400  }
0x72: {  	s3 =	simm.s32 $0x1E800;
	[sflag:s14] =	ssyncset.done $0x0  }
.Ltmp3:
0x73: {  	s31 =	rddreg [dreg:$0x4];
	[sflag:s14] =	ssyncadd.s32 $0xFFFFFC00;
	(pc) =	sbr.rel @p0 .LBB2_9-.Ltmp3, $4  }
0x74: {  	[tilespmem:s3], [sflag:$0x8] =	stream.linear.gather [hbm4b:s31+s30], $0x400, $0x38;
	[tilespmem:$0x1F000] =	vst v63  }
0x75: {  	_ =	swait.ge [sflag:s14], $0x400  }
0x76: {  	[sflag:s14] =	ssyncset.done $0x0  }
0x77: {  	[sflag:s14] =	ssyncadd.s32 $0xFFFFFC00  }
0x78: {  	[tilespmem:s16], [sflag:$0x1] =	stream.indirect.gather [hbm4b:s4+s15], $0x20, s7, s15, $0xb8;
	[tilespmem:$0x1F000] =	vst v63  }
0x79: {  	s0 =	simm.s32 $0x1E080  }
0x7a: {  	[tilespmem:s17], [sflag:$0x2] =	stream.indirect.gather [hbm4b:s4+s15], $0x20, s0, s15, $0xb8;
	[tilespmem:$0x1F000] =	vst v63  }
0x7b: {  	s13 =	simm.s32 $0x1E100  }
0x7c: {  	[tilespmem:s18], [sflag:$0x3] =	stream.indirect.gather [hbm4b:s4+s15], $0x20, s13, s15, $0xb8;
	[tilespmem:$0x1F000] =	vst v63  }
0x7d: {  	_ =	swait.ge [sflag:s19], $0x1000  }
0x7e: {  	[sflag:s19] =	ssyncset.done $0x0  }
0x7f: {  	[sflag:s19] =	ssyncadd.s32 $0xFFFFF000  }
0x80: {  	_ =	swait.ge [sflag:s19], $0x1000  }
0x81: {  	[sflag:s19] =	ssyncset.done $0x0  }
0x82: {  	[sflag:s19] =	ssyncadd.s32 $0xFFFFF000  }
0x83: {  	_ =	swait.ge [sflag:s19], $0x1000  }
0x84: {  	[sflag:s19] =	ssyncset.done $0x0  }
0x85: {  	[sflag:s19] =	ssyncadd.s32 $0xFFFFF000  }
0x86: {  	_ =	swait.ge [sflag:s19], $0x1000  }
0x87: {  	[sflag:s19] =	ssyncset.done $0x0  }
0x88: {  	[sflag:s19] =	ssyncadd.s32 $0xFFFFF000  }
0x89: {  	_ =	swait.ge [sflag:s19], $0x1000  }
0x8a: {  	[sflag:s19] =	ssyncset.done $0x0  }
0x8b: {  	[sflag:s19] =	ssyncadd.s32 $0xFFFFF000  }
0x8c: {  	_ =	swait.ge [sflag:s19], $0x1000  }
0x8d: {  	[sflag:s19] =	ssyncset.done $0x0  }
0x8e: {  	[sflag:s19] =	ssyncadd.s32 $0xFFFFF000  }
0x8f: {  	_ =	swait.ge [sflag:s19], $0x1000  }
0x90: {  	[sflag:s19] =	ssyncset.done $0x0  }
0x91: {  	[sflag:s19] =	ssyncadd.s32 $0xFFFFF000  }
0x92: {  	_ =	swait.ge [sflag:s19], $0x1000  }
0x93: {  	[sflag:s19] =	ssyncset.done $0x0  }
0x94: {  	[sflag:s19] =	ssyncadd.s32 $0xFFFFF000  }
0x95: {  	_ =	swait.ge [sflag:s19], $0x1000  }
0x96: {  	[sflag:s19] =	ssyncset.done $0x0  }
0x97: {  	[sflag:s19] =	ssyncadd.s32 $0xFFFFF000  }
0x98: {  	_ =	swait.ge [sflag:s19], $0x1000  }
0x99: {  	[sflag:s19] =	ssyncset.done $0x0  }
0x9a: {  	[sflag:s19] =	ssyncadd.s32 $0xFFFFF000  }
0x9b: {  	_ =	swait.ge [sflag:s19], $0x1000  }
0x9c: {  	[sflag:s19] =	ssyncset.done $0x0  }
0x9d: {  	[sflag:s19] =	ssyncadd.s32 $0xFFFFF000  }
0x9e: {  	_ =	swait.ge [sflag:s19], $0x1000  }
0x9f: {  	[sflag:s19] =	ssyncset.done $0x0  }
0xa0: {  	[sflag:s19] =	ssyncadd.s32 $0xFFFFF000  }
0xa1: {  	_ =	swait.ge [sflag:s19], $0x1000  }
0xa2: {  	[sflag:s19] =	ssyncset.done $0x0  }
0xa3: {  	[sflag:s19] =	ssyncadd.s32 $0xFFFFF000  }
0xa4: {  	_ =	swait.ge [sflag:s19], $0x1000  }
0xa5: {  	[sflag:s19] =	ssyncset.done $0x0  }
0xa6: {  	[sflag:s19] =	ssyncadd.s32 $0xFFFFF000  }
0xa7: {  	_ =	swait.ge [sflag:s19], $0x1000  }
0xa8: {  	[sflag:s19] =	ssyncset.done $0x0  }
0xa9: {  	[sflag:s19] =	ssyncadd.s32 $0xFFFFF000  }
0xaa: {  	_ =	swait.ge [sflag:s19], $0x1000  }
0xab: {  	[sflag:s19] =	ssyncset.done $0x0  }
0xac: {  	[sflag:s19] =	ssyncadd.s32 $0xFFFFF000  }
0xad: {  	_ =	swait.ge [sflag:s19], $0x1000  }
0xae: {  	[sflag:s19] =	ssyncset.done $0x0  }
0xaf: {  	[sflag:s19] =	ssyncadd.s32 $0xFFFFF000  }
0xb0: {  	_ =	swait.ge [sflag:s19], $0x1000  }
0xb1: {  	[sflag:s19] =	ssyncset.done $0x0  }
0xb2: {  	[sflag:s19] =	ssyncadd.s32 $0xFFFFF000  }
0xb3: {  	_ =	swait.ge [sflag:s19], $0x1000  }
0xb4: {  	[sflag:s19] =	ssyncset.done $0x0  }
0xb5: {  	[sflag:s19] =	ssyncadd.s32 $0xFFFFF000  }
0xb6: {  	_ =	swait.ge [sflag:s19], $0x1000  }
0xb7: {  	[sflag:s19] =	ssyncset.done $0x0  }
0xb8: {  	[sflag:s19] =	ssyncadd.s32 $0xFFFFF000  }
0xb9: {  	_ =	swait.ge [sflag:s19], $0x1000  }
0xba: {  	[sflag:s19] =	ssyncset.done $0x0  }
0xbb: {  	[sflag:s19] =	ssyncadd.s32 $0xFFFFF000  }
0xbc: {  	_ =	swait.ge [sflag:s19], $0x1000  }
0xbd: {  	[sflag:s19] =	ssyncset.done $0x0  }
0xbe: {  	[sflag:s19] =	ssyncadd.s32 $0xFFFFF000  }
0xbf: {  	_ =	swait.ge [sflag:s19], $0x1000  }
0xc0: {  	[sflag:s19] =	ssyncset.done $0x0  }
0xc1: {  	[sflag:s19] =	ssyncadd.s32 $0xFFFFF000  }
0xc2: {  	_ =	swait.ge [sflag:s19], $0x1000  }
0xc3: {  	[sflag:s19] =	ssyncset.done $0x0  }
0xc4: {  	[sflag:s19] =	ssyncadd.s32 $0xFFFFF000  }
0xc5: {  	_ =	swait.ge [sflag:s19], $0x1000  }
0xc6: {  	[sflag:s19] =	ssyncset.done $0x0  }
0xc7: {  	[sflag:s19] =	ssyncadd.s32 $0xFFFFF000  }
0xc8: {  	s30 =	simm.s32 $0x0;
	s31 =	simm.s32 $0x0;
	[bflag:$0x0] =	sbarrier.arrive $0xFFFF  }
.LBB2_5:
0xc9: {  	s9 =	sand.u32 $0x1, s31  }
0xca: {  	p1 =	seq.s32 s30, $0x1800;
	s0 =	sxor.u32 $0x1, s9  }
0xcb: {  	s13 =	sshll.u32 @!p1 s0, $0xA  }
0xcc: {  	s1 =	sadd.s32 @!p1 s30, s24;
	s3 =	simm.s32 @!p1 $0x0;
	s10 =	sor.u32 @!p1 $0x1E000, s13  }
0xcd: {  	[tilespmem:s10], [sflag:$0x6] =	stream.linear.gather @!p1 [hbm4b:s1+s3], $0x400, $0x38;
	[tilespmem:$0x1F000] =	vst v63  }
0xce: {  	s7 =	sadd.s32 @!p1 s30, s23;
	s1 =	sor.u32 @!p1 $0x1E800, s13  }
0xcf: {  	[tilespmem:s1], [sflag:$0x6] =	stream.linear.gather @!p1 [hbm4b:s7+s3], $0x400, $0x38;
	[tilespmem:$0x1F000] =	vst v63  }
0xd0: {  	_ =	swait.ge [sflag:s20], $0x1000  }
0xd1: {  	p2 =	seq.s32 s30, $0x0;
	[sflag:s20] =	ssyncset.done $0x0  }
0xd2: {  	s1 =	simm.s32 @!p2 $0x5;
	[sflag:s20] =	ssyncadd.s32 $0xFFFFF000  }
0xd3: {  	_ =	swait.ge @!p2 [sflag:s1], $0x1000  }
0xd4: {  	s9 =	sshll.u32 s9, $0xA;
	[sflag:s1] =	ssyncset.done @!p2 $0x0  }
0xd5: {  	s8 =	sor.u32 $0x1E180, s9;
	[sflag:s1] =	ssyncadd.s32 @!p2 $0xFFFFF000  }
0xd6: {  	[tilespmem:s21], [sflag:$0x4] =	stream.indirect.gather [hbm4b:s4+s15], $0x20, s8, s15, $0xb8;
	[tilespmem:$0x1F000] =	vst v63  }
0xd7: {  	s3 =	sor.u32 $0x1E800, s9  }
0xd8: {  	[spmem:s2] =	stream.indirect.scatter.add.f32 [tilespmem:s16], [sflag:$0x5], $0x20, s3, s15, $0xb8;
	[tilespmem:$0x1F000] =	vst v63  }
0xd9: {  	_ =	swait.ge [sflag:s22], $0x1000  }
0xda: {  	[sflag:s22] =	ssyncset.done $0x0  }
0xdb: {  	[sflag:s22] =	ssyncadd.s32 $0xFFFFF000  }
0xdc: {  	_ =	swait.ge [sflag:s25], $0x1000  }
0xdd: {  	[sflag:s25] =	ssyncset.done $0x0  }
0xde: {  	s7 =	sor.u32 $0x1E200, s9;
	[sflag:s25] =	ssyncadd.s32 $0xFFFFF000  }
0xdf: {  	[tilespmem:s16], [sflag:$0x1] =	stream.indirect.gather [hbm4b:s4+s15], $0x20, s7, s15, $0xb8;
	[tilespmem:$0x1F000] =	vst v63  }
0xe0: {  	s8 =	sor.u32 $0x1E880, s9  }
0xe1: {  	[spmem:s2] =	stream.indirect.scatter.add.f32 [tilespmem:s17], [sflag:$0x5], $0x20, s8, s15, $0xb8;
	[tilespmem:$0x1F000] =	vst v63  }
0xe2: {  	_ =	swait.ge [sflag:s26], $0x1000  }
0xe3: {  	[sflag:s26] =	ssyncset.done $0x0  }
0xe4: {  	[sflag:s26] =	ssyncadd.s32 $0xFFFFF000  }
0xe5: {  	_ =	swait.ge [sflag:s25], $0x1000  }
0xe6: {  	[sflag:s25] =	ssyncset.done $0x0  }
0xe7: {  	s3 =	sor.u32 $0x1E280, s9;
	[sflag:s25] =	ssyncadd.s32 $0xFFFFF000  }
0xe8: {  	[tilespmem:s17], [sflag:$0x2] =	stream.indirect.gather [hbm4b:s4+s15], $0x20, s3, s15, $0xb8;
	[tilespmem:$0x1F000] =	vst v63  }
0xe9: {  	s7 =	sor.u32 $0x1E900, s9  }
0xea: {  	[spmem:s2] =	stream.indirect.scatter.add.f32 [tilespmem:s18], [sflag:$0x5], $0x20, s7, s15, $0xb8;
	[tilespmem:$0x1F000] =	vst v63  }
0xeb: {  	_ =	swait.ge [sflag:s28], $0x1000  }
0xec: {  	[sflag:s28] =	ssyncset.done $0x0  }
0xed: {  	[sflag:s28] =	ssyncadd.s32 $0xFFFFF000  }
0xee: {  	_ =	swait.ge [sflag:s25], $0x1000  }
0xef: {  	[sflag:s25] =	ssyncset.done $0x0  }
0xf0: {  	s8 =	sor.u32 $0x1E300, s9;
	[sflag:s25] =	ssyncadd.s32 $0xFFFFF000  }
0xf1: {  	[tilespmem:s18], [sflag:$0x3] =	stream.indirect.gather [hbm4b:s4+s15], $0x20, s8, s15, $0xb8;
	[tilespmem:$0x1F000] =	vst v63  }
0xf2: {  	s3 =	sor.u32 $0x1E980, s9  }
0xf3: {  	[spmem:s2] =	stream.indirect.scatter.add.f32 [tilespmem:s21], [sflag:$0x5], $0x20, s3, s15, $0xb8;
	[tilespmem:$0x1F000] =	vst v63  }
0xf4: {  	_ =	swait.ge [sflag:s20], $0x1000  }
0xf5: {  	[sflag:s20] =	ssyncset.done $0x0  }
0xf6: {  	[sflag:s20] =	ssyncadd.s32 $0xFFFFF000  }
0xf7: {  	_ =	swait.ge [sflag:s25], $0x1000  }
0xf8: {  	[sflag:s25] =	ssyncset.done $0x0  }
0xf9: {  	s7 =	sor.u32 $0x1E380, s9;
	[sflag:s25] =	ssyncadd.s32 $0xFFFFF000  }
0xfa: {  	[tilespmem:s21], [sflag:$0x4] =	stream.indirect.gather [hbm4b:s4+s15], $0x20, s7, s15, $0xb8;
	[tilespmem:$0x1F000] =	vst v63  }
0xfb: {  	s8 =	sor.u32 $0x1EA00, s9  }
0xfc: {  	[spmem:s2] =	stream.indirect.scatter.add.f32 [tilespmem:s16], [sflag:$0x5], $0x20, s8, s15, $0xb8;
	[tilespmem:$0x1F000] =	vst v63  }
0xfd: {  	_ =	swait.ge [sflag:s22], $0x1000  }
0xfe: {  	[sflag:s22] =	ssyncset.done $0x0  }
0xff: {  	[sflag:s22] =	ssyncadd.s32 $0xFFFFF000  }
0x100: {  	s1 =	sor.u32 $0x280, s9;
	_ =	swait.ge [sflag:s25], $0x1000  }
0x101: {  	s3 =	sor.u32 @p1 $0x1E800, s1;
	[sflag:s25] =	ssyncset.done $0x0  }
0x102: {  	s7 =	simm.s32 @p1 $0x80;
	s8 =	simm.s32 @p1 $0x1A000;
	[sflag:s25] =	ssyncadd.s32 $0xFFFFF000  }
0x103: {  	[spmem:s2] =	stream.indirect.scatter.add.f32 @p1 [tilespmem:s8], [sflag:$0x5], $0x20, s3, s7, $0xb8;
	[tilespmem:$0x1F000] =	vst v63  }
0x104: {  	s3 =	simm.s32 @p1 $0x3  }
0x105: {  	_ =	swait.ge @p1 [sflag:s3], $0x1000  }
0x106: {  	[sflag:s3] =	ssyncset.done @p1 $0x0  }
0x107: {  	[sflag:s3] =	ssyncadd.s32 @p1 $0xFFFFF000;
	s3 =	simm.s32 @p1 $0x5  }
0x108: {  	_ =	swait.ge @p1 [sflag:s3], $0x1000  }
0x109: {  	[sflag:s3] =	ssyncset.done @p1 $0x0  }
0x10a: {  	[sflag:s3] =	ssyncadd.s32 @p1 $0xFFFFF000;
	s3 =	simm.s32 @!p1 $0x6  }
0x10b: {  	_ =	swait.ge @!p1 [sflag:s3], $0x400  }
0x10c: {  	[sflag:s3] =	ssyncset.done @!p1 $0x0  }
0x10d: {  	[sflag:s3] =	ssyncadd.s32 @!p1 $0xFFFFFC00  }
0x10e: {  	_ =	swait.ge @!p1 [sflag:s3], $0x400  }
0x10f: {  	[sflag:s3] =	ssyncset.done @!p1 $0x0  }
0x110: {  	s7 =	simm.s32 @!p1 $0x19000;
	[sflag:s3] =	ssyncadd.s32 @!p1 $0xFFFFFC00;
	s3 =	simm.s32 @!p1 $0x80  }
0x111: {  	[tilespmem:s7], [sflag:$0x1] =	stream.indirect.gather @!p1 [hbm4b:s4+s3], $0x20, s10, s3, $0xb8;
	[tilespmem:$0x1F000] =	vst v63  }
0x112: {  	s1 =	sor.u32 @!p1 $0x1E800, s1;
	s7 =	simm.s32 @!p1 $0x1A000  }
0x113: {  	[spmem:s2] =	stream.indirect.scatter.add.f32 @!p1 [tilespmem:s7], [sflag:$0x5], $0x20, s1, s3, $0xb8;
	[tilespmem:$0x1F000] =	vst v63  }
0x114: {  	s1 =	simm.s32 @!p1 $0x3  }
0x115: {  	_ =	swait.ge @!p1 [sflag:s1], $0x1000  }
0x116: {  	[sflag:s1] =	ssyncset.done @!p1 $0x0  }
0x117: {  	[sflag:s1] =	ssyncadd.s32 @!p1 $0xFFFFF000;
	s1 =	simm.s32 @!p1 $0x5  }
0x118: {  	_ =	swait.ge @!p1 [sflag:s1], $0x1000  }
0x119: {  	[sflag:s1] =	ssyncset.done @!p1 $0x0  }
0x11a: {  	s10 =	sor.u32 $0x300, s9;
	[sflag:s1] =	ssyncadd.s32 @!p1 $0xFFFFF000;
	s1 =	sor.u32 @!p1 $0x1E080, s13  }
0x11b: {  	[tilespmem:s7], [sflag:$0x2] =	stream.indirect.gather @!p1 [hbm4b:s4+s3], $0x20, s1, s3, $0xb8;
	[tilespmem:$0x1F000] =	vst v63  }
0x11c: {  	s13 =	sor.u32 $0x1E800, s10  }
0x11d: {  	[spmem:s2] =	stream.indirect.scatter.add.f32 [tilespmem:s18], [sflag:$0x5], $0x20, s13, s15, $0xb8;
	[tilespmem:$0x1F000] =	vst v63  }
0x11e: {  	_ =	swait.ge [sflag:s28], $0x1000  }
.Ltmp4:
0x11f: {  	[sflag:s28] =	ssyncset.done $0x0;
	(pc) =	sbr.rel @p1 .LBB2_6-.Ltmp4, $4  }
0x120: {  	[sflag:s28] =	ssyncadd.s32 $0xFFFFF000  }
0x121: {  	_ =	swait.ge [sflag:s25], $0x1000  }
0x122: {  	[sflag:s25] =	ssyncset.done $0x0  }
0x123: {  	s9 =	sor.u32 $0x380, s9;
	[sflag:s25] =	ssyncadd.s32 $0xFFFFF000  }
0x124: {  	s30 =	sadd.s32 $0x80, s30  }
0x125: {  	p1 =	seq.s32 s30, $0x1880  }
.Ltmp5:
0x126: {  	s0 =	sshll.u32 s0, $0xA;
	(pc) =	sbr.rel @!p1 .LBB2_5-.Ltmp5, $4  }
0x127: {  	s0 =	sor.u32 $0x1E100, s0  }
0x128: {  	[tilespmem:s18], [sflag:$0x3] =	stream.indirect.gather [hbm4b:s4+s15], $0x20, s0, s15, $0xb8;
	[tilespmem:$0x1F000] =	vst v63  }
0x129: {  	s13 =	sor.u32 $0x1E800, s9;
	s31 =	sadd.s32 $0x1, s31  }
0x12a: {  	[spmem:s2] =	stream.indirect.scatter.add.f32 [tilespmem:s21], [sflag:$0x5], $0x20, s13, s15, $0xb8;
	[tilespmem:$0x1F000] =	vst v63  }
.Ltmp6:
0x12b: {  	(pc) =	sbr.rel .LBB2_15-.Ltmp6, $2  }
0x12c: {  	_ =	sdelay $0x2  }
0x12d: {  	s0 =	rddreg [dreg:$0x6];
	s7 =	simm.s32 $0x1E000  }
.LBB2_9:
0x12e: {  	[tilespmem:s16], [sflag:$0x1] =	stream.indirect.gather [hbm4b:s5+s15], $0x20, s7, s15, $0xb8;
	[tilespmem:$0x1F000] =	vst v63  }
0x12f: {  	s0 =	simm.s32 $0x1E080  }
0x130: {  	[tilespmem:s17], [sflag:$0x2] =	stream.indirect.gather [hbm4b:s5+s15], $0x20, s0, s15, $0xb8;
	[tilespmem:$0x1F000] =	vst v63  }
0x131: {  	s13 =	simm.s32 $0x1E100  }
0x132: {  	[tilespmem:s18], [sflag:$0x3] =	stream.indirect.gather [hbm4b:s5+s15], $0x20, s13, s15, $0xb8;
	[tilespmem:$0x1F000] =	vst v63  }
0x133: {  	_ =	swait.ge [sflag:s19], $0x1000  }
0x134: {  	[sflag:s19] =	ssyncset.done $0x0  }
0x135: {  	[sflag:s19] =	ssyncadd.s32 $0xFFFFF000  }
0x136: {  	_ =	swait.ge [sflag:s19], $0x1000  }
0x137: {  	[sflag:s19] =	ssyncset.done $0x0  }
0x138: {  	[sflag:s19] =	ssyncadd.s32 $0xFFFFF000  }
0x139: {  	_ =	swait.ge [sflag:s19], $0x1000  }
0x13a: {  	[sflag:s19] =	ssyncset.done $0x0  }
0x13b: {  	[sflag:s19] =	ssyncadd.s32 $0xFFFFF000  }
0x13c: {  	_ =	swait.ge [sflag:s19], $0x1000  }
0x13d: {  	[sflag:s19] =	ssyncset.done $0x0  }
0x13e: {  	[sflag:s19] =	ssyncadd.s32 $0xFFFFF000  }
0x13f: {  	_ =	swait.ge [sflag:s19], $0x1000  }
0x140: {  	[sflag:s19] =	ssyncset.done $0x0  }
0x141: {  	[sflag:s19] =	ssyncadd.s32 $0xFFFFF000  }
0x142: {  	_ =	swait.ge [sflag:s19], $0x1000  }
0x143: {  	[sflag:s19] =	ssyncset.done $0x0  }
0x144: {  	[sflag:s19] =	ssyncadd.s32 $0xFFFFF000  }
0x145: {  	_ =	swait.ge [sflag:s19], $0x1000  }
0x146: {  	[sflag:s19] =	ssyncset.done $0x0  }
0x147: {  	[sflag:s19] =	ssyncadd.s32 $0xFFFFF000  }
0x148: {  	_ =	swait.ge [sflag:s19], $0x1000  }
0x149: {  	[sflag:s19] =	ssyncset.done $0x0  }
0x14a: {  	[sflag:s19] =	ssyncadd.s32 $0xFFFFF000  }
0x14b: {  	_ =	swait.ge [sflag:s19], $0x1000  }
0x14c: {  	[sflag:s19] =	ssyncset.done $0x0  }
0x14d: {  	[sflag:s19] =	ssyncadd.s32 $0xFFFFF000  }
0x14e: {  	_ =	swait.ge [sflag:s19], $0x1000  }
0x14f: {  	[sflag:s19] =	ssyncset.done $0x0  }
0x150: {  	[sflag:s19] =	ssyncadd.s32 $0xFFFFF000  }
0x151: {  	_ =	swait.ge [sflag:s19], $0x1000  }
0x152: {  	[sflag:s19] =	ssyncset.done $0x0  }
0x153: {  	[sflag:s19] =	ssyncadd.s32 $0xFFFFF000  }
0x154: {  	_ =	swait.ge [sflag:s19], $0x1000  }
0x155: {  	[sflag:s19] =	ssyncset.done $0x0  }
0x156: {  	[sflag:s19] =	ssyncadd.s32 $0xFFFFF000  }
0x157: {  	_ =	swait.ge [sflag:s19], $0x1000  }
0x158: {  	[sflag:s19] =	ssyncset.done $0x0  }
0x159: {  	[sflag:s19] =	ssyncadd.s32 $0xFFFFF000  }
0x15a: {  	_ =	swait.ge [sflag:s19], $0x1000  }
0x15b: {  	[sflag:s19] =	ssyncset.done $0x0  }
0x15c: {  	[sflag:s19] =	ssyncadd.s32 $0xFFFFF000  }
0x15d: {  	_ =	swait.ge [sflag:s19], $0x1000  }
0x15e: {  	[sflag:s19] =	ssyncset.done $0x0  }
0x15f: {  	[sflag:s19] =	ssyncadd.s32 $0xFFFFF000  }
0x160: {  	_ =	swait.ge [sflag:s19], $0x1000  }
0x161: {  	[sflag:s19] =	ssyncset.done $0x0  }
0x162: {  	[sflag:s19] =	ssyncadd.s32 $0xFFFFF000  }
0x163: {  	_ =	swait.ge [sflag:s19], $0x1000  }
0x164: {  	[sflag:s19] =	ssyncset.done $0x0  }
0x165: {  	[sflag:s19] =	ssyncadd.s32 $0xFFFFF000  }
0x166: {  	_ =	swait.ge [sflag:s19], $0x1000  }
0x167: {  	[sflag:s19] =	ssyncset.done $0x0  }
0x168: {  	[sflag:s19] =	ssyncadd.s32 $0xFFFFF000  }
0x169: {  	_ =	swait.ge [sflag:s19], $0x1000  }
0x16a: {  	[sflag:s19] =	ssyncset.done $0x0  }
0x16b: {  	[sflag:s19] =	ssyncadd.s32 $0xFFFFF000  }
0x16c: {  	_ =	swait.ge [sflag:s19], $0x1000  }
0x16d: {  	[sflag:s19] =	ssyncset.done $0x0  }
0x16e: {  	[sflag:s19] =	ssyncadd.s32 $0xFFFFF000  }
0x16f: {  	_ =	swait.ge [sflag:s19], $0x1000  }
0x170: {  	[sflag:s19] =	ssyncset.done $0x0  }
0x171: {  	[sflag:s19] =	ssyncadd.s32 $0xFFFFF000  }
0x172: {  	_ =	swait.ge [sflag:s19], $0x1000  }
0x173: {  	[sflag:s19] =	ssyncset.done $0x0  }
0x174: {  	[sflag:s19] =	ssyncadd.s32 $0xFFFFF000  }
0x175: {  	_ =	swait.ge [sflag:s19], $0x1000  }
0x176: {  	[sflag:s19] =	ssyncset.done $0x0  }
0x177: {  	[sflag:s19] =	ssyncadd.s32 $0xFFFFF000  }
0x178: {  	_ =	swait.ge [sflag:s19], $0x1000  }
0x179: {  	[sflag:s19] =	ssyncset.done $0x0  }
0x17a: {  	[sflag:s19] =	ssyncadd.s32 $0xFFFFF000  }
0x17b: {  	_ =	swait.ge [sflag:s19], $0x1000  }
0x17c: {  	[sflag:s19] =	ssyncset.done $0x0  }
0x17d: {  	[sflag:s19] =	ssyncadd.s32 $0xFFFFF000  }
0x17e: {  	s30 =	simm.s32 $0x0;
	s31 =	simm.s32 $0x0;
	[bflag:$0x0] =	sbarrier.arrive $0xFFFF  }
.LBB2_10:
0x17f: {  	s1 =	sand.u32 $0x1, s31  }
0x180: {  	p1 =	seq.s32 s30, $0x1800;
	s0 =	sxor.u32 $0x1, s1  }
0x181: {  	s13 =	sshll.u32 @!p1 s0, $0xA  }
0x182: {  	s3 =	sadd.s32 @!p1 s30, s24;
	s7 =	simm.s32 @!p1 $0x0;
	s10 =	sor.u32 @!p1 $0x1E000, s13  }
0x183: {  	[tilespmem:s10], [sflag:$0x6] =	stream.linear.gather @!p1 [hbm4b:s3+s7], $0x400, $0x38;
	[tilespmem:$0x1F000] =	vst v63  }
0x184: {  	s8 =	sadd.s32 @!p1 s30, s23;
	s3 =	sor.u32 @!p1 $0x1E800, s13  }
0x185: {  	[tilespmem:s3], [sflag:$0x6] =	stream.linear.gather @!p1 [hbm4b:s8+s7], $0x400, $0x38;
	[tilespmem:$0x1F000] =	vst v63  }
0x186: {  	_ =	swait.ge [sflag:s20], $0x1000  }
0x187: {  	p2 =	seq.s32 s30, $0x0;
	[sflag:s20] =	ssyncset.done $0x0  }
0x188: {  	s3 =	simm.s32 @!p2 $0x5;
	[sflag:s20] =	ssyncadd.s32 $0xFFFFF000  }
0x189: {  	_ =	swait.ge @!p2 [sflag:s3], $0x1000  }
0x18a: {  	s9 =	sshll.u32 s1, $0xA;
	[sflag:s3] =	ssyncset.done @!p2 $0x0  }
0x18b: {  	s1 =	sor.u32 $0x1E180, s9;
	[sflag:s3] =	ssyncadd.s32 @!p2 $0xFFFFF000  }
0x18c: {  	[tilespmem:s21], [sflag:$0x4] =	stream.indirect.gather [hbm4b:s5+s15], $0x20, s1, s15, $0xb8;
	[tilespmem:$0x1F000] =	vst v63  }
0x18d: {  	s3 =	sor.u32 $0x1E800, s9  }
0x18e: {  	[spmem:s2] =	stream.indirect.scatter.add.f32 [tilespmem:s16], [sflag:$0x5], $0x20, s3, s15, $0xb8;
	[tilespmem:$0x1F000] =	vst v63  }
0x18f: {  	_ =	swait.ge [sflag:s22], $0x1000  }
0x190: {  	[sflag:s22] =	ssyncset.done $0x0  }
0x191: {  	[sflag:s22] =	ssyncadd.s32 $0xFFFFF000  }
0x192: {  	_ =	swait.ge [sflag:s25], $0x1000  }
0x193: {  	[sflag:s25] =	ssyncset.done $0x0  }
0x194: {  	s7 =	sor.u32 $0x1E200, s9;
	[sflag:s25] =	ssyncadd.s32 $0xFFFFF000  }
0x195: {  	[tilespmem:s16], [sflag:$0x1] =	stream.indirect.gather [hbm4b:s5+s15], $0x20, s7, s15, $0xb8;
	[tilespmem:$0x1F000] =	vst v63  }
0x196: {  	s8 =	sor.u32 $0x1E880, s9  }
0x197: {  	[spmem:s2] =	stream.indirect.scatter.add.f32 [tilespmem:s17], [sflag:$0x5], $0x20, s8, s15, $0xb8;
	[tilespmem:$0x1F000] =	vst v63  }
0x198: {  	_ =	swait.ge [sflag:s26], $0x1000  }
0x199: {  	[sflag:s26] =	ssyncset.done $0x0  }
0x19a: {  	[sflag:s26] =	ssyncadd.s32 $0xFFFFF000  }
0x19b: {  	_ =	swait.ge [sflag:s25], $0x1000  }
0x19c: {  	[sflag:s25] =	ssyncset.done $0x0  }
0x19d: {  	s3 =	sor.u32 $0x1E280, s9;
	[sflag:s25] =	ssyncadd.s32 $0xFFFFF000  }
0x19e: {  	[tilespmem:s17], [sflag:$0x2] =	stream.indirect.gather [hbm4b:s5+s15], $0x20, s3, s15, $0xb8;
	[tilespmem:$0x1F000] =	vst v63  }
0x19f: {  	s7 =	sor.u32 $0x1E900, s9  }
0x1a0: {  	[spmem:s2] =	stream.indirect.scatter.add.f32 [tilespmem:s18], [sflag:$0x5], $0x20, s7, s15, $0xb8;
	[tilespmem:$0x1F000] =	vst v63  }
0x1a1: {  	_ =	swait.ge [sflag:s28], $0x1000  }
0x1a2: {  	[sflag:s28] =	ssyncset.done $0x0  }
0x1a3: {  	[sflag:s28] =	ssyncadd.s32 $0xFFFFF000  }
0x1a4: {  	_ =	swait.ge [sflag:s25], $0x1000  }
0x1a5: {  	[sflag:s25] =	ssyncset.done $0x0  }
0x1a6: {  	s8 =	sor.u32 $0x1E300, s9;
	[sflag:s25] =	ssyncadd.s32 $0xFFFFF000  }
0x1a7: {  	[tilespmem:s18], [sflag:$0x3] =	stream.indirect.gather [hbm4b:s5+s15], $0x20, s8, s15, $0xb8;
	[tilespmem:$0x1F000] =	vst v63  }
0x1a8: {  	s3 =	sor.u32 $0x1E980, s9  }
0x1a9: {  	[spmem:s2] =	stream.indirect.scatter.add.f32 [tilespmem:s21], [sflag:$0x5], $0x20, s3, s15, $0xb8;
	[tilespmem:$0x1F000] =	vst v63  }
0x1aa: {  	_ =	swait.ge [sflag:s20], $0x1000  }
0x1ab: {  	[sflag:s20] =	ssyncset.done $0x0  }
0x1ac: {  	[sflag:s20] =	ssyncadd.s32 $0xFFFFF000  }
0x1ad: {  	_ =	swait.ge [sflag:s25], $0x1000  }
0x1ae: {  	[sflag:s25] =	ssyncset.done $0x0  }
0x1af: {  	s7 =	sor.u32 $0x1E380, s9;
	[sflag:s25] =	ssyncadd.s32 $0xFFFFF000  }
0x1b0: {  	[tilespmem:s21], [sflag:$0x4] =	stream.indirect.gather [hbm4b:s5+s15], $0x20, s7, s15, $0xb8;
	[tilespmem:$0x1F000] =	vst v63  }
0x1b1: {  	s8 =	sor.u32 $0x1EA00, s9  }
0x1b2: {  	[spmem:s2] =	stream.indirect.scatter.add.f32 [tilespmem:s16], [sflag:$0x5], $0x20, s8, s15, $0xb8;
	[tilespmem:$0x1F000] =	vst v63  }
0x1b3: {  	_ =	swait.ge [sflag:s22], $0x1000  }
0x1b4: {  	[sflag:s22] =	ssyncset.done $0x0  }
0x1b5: {  	[sflag:s22] =	ssyncadd.s32 $0xFFFFF000  }
0x1b6: {  	s1 =	sor.u32 $0x280, s9;
	_ =	swait.ge [sflag:s25], $0x1000  }
0x1b7: {  	s3 =	sor.u32 @p1 $0x1E800, s1;
	[sflag:s25] =	ssyncset.done $0x0  }
0x1b8: {  	s7 =	simm.s32 @p1 $0x80;
	s8 =	simm.s32 @p1 $0x1A000;
	[sflag:s25] =	ssyncadd.s32 $0xFFFFF000  }
0x1b9: {  	[spmem:s2] =	stream.indirect.scatter.add.f32 @p1 [tilespmem:s8], [sflag:$0x5], $0x20, s3, s7, $0xb8;
	[tilespmem:$0x1F000] =	vst v63  }
0x1ba: {  	s3 =	simm.s32 @p1 $0x3  }
0x1bb: {  	_ =	swait.ge @p1 [sflag:s3], $0x1000  }
0x1bc: {  	[sflag:s3] =	ssyncset.done @p1 $0x0  }
0x1bd: {  	[sflag:s3] =	ssyncadd.s32 @p1 $0xFFFFF000;
	s3 =	simm.s32 @p1 $0x5  }
0x1be: {  	_ =	swait.ge @p1 [sflag:s3], $0x1000  }
0x1bf: {  	[sflag:s3] =	ssyncset.done @p1 $0x0  }
0x1c0: {  	[sflag:s3] =	ssyncadd.s32 @p1 $0xFFFFF000;
	s3 =	simm.s32 @!p1 $0x6  }
0x1c1: {  	_ =	swait.ge @!p1 [sflag:s3], $0x400  }
0x1c2: {  	[sflag:s3] =	ssyncset.done @!p1 $0x0  }
0x1c3: {  	[sflag:s3] =	ssyncadd.s32 @!p1 $0xFFFFFC00  }
0x1c4: {  	_ =	swait.ge @!p1 [sflag:s3], $0x400  }
0x1c5: {  	[sflag:s3] =	ssyncset.done @!p1 $0x0  }
0x1c6: {  	s7 =	simm.s32 @!p1 $0x19000;
	[sflag:s3] =	ssyncadd.s32 @!p1 $0xFFFFFC00;
	s3 =	simm.s32 @!p1 $0x80  }
0x1c7: {  	[tilespmem:s7], [sflag:$0x1] =	stream.indirect.gather @!p1 [hbm4b:s5+s3], $0x20, s10, s3, $0xb8;
	[tilespmem:$0x1F000] =	vst v63  }
0x1c8: {  	s1 =	sor.u32 @!p1 $0x1E800, s1;
	s7 =	simm.s32 @!p1 $0x1A000  }
0x1c9: {  	[spmem:s2] =	stream.indirect.scatter.add.f32 @!p1 [tilespmem:s7], [sflag:$0x5], $0x20, s1, s3, $0xb8;
	[tilespmem:$0x1F000] =	vst v63  }
0x1ca: {  	s1 =	simm.s32 @!p1 $0x3  }
0x1cb: {  	_ =	swait.ge @!p1 [sflag:s1], $0x1000  }
0x1cc: {  	[sflag:s1] =	ssyncset.done @!p1 $0x0  }
0x1cd: {  	[sflag:s1] =	ssyncadd.s32 @!p1 $0xFFFFF000;
	s1 =	simm.s32 @!p1 $0x5  }
0x1ce: {  	_ =	swait.ge @!p1 [sflag:s1], $0x1000  }
0x1cf: {  	[sflag:s1] =	ssyncset.done @!p1 $0x0  }
0x1d0: {  	s10 =	sor.u32 $0x300, s9;
	[sflag:s1] =	ssyncadd.s32 @!p1 $0xFFFFF000;
	s1 =	sor.u32 @!p1 $0x1E080, s13  }
0x1d1: {  	[tilespmem:s7], [sflag:$0x2] =	stream.indirect.gather @!p1 [hbm4b:s5+s3], $0x20, s1, s3, $0xb8;
	[tilespmem:$0x1F000] =	vst v63  }
0x1d2: {  	s13 =	sor.u32 $0x1E800, s10  }
0x1d3: {  	[spmem:s2] =	stream.indirect.scatter.add.f32 [tilespmem:s18], [sflag:$0x5], $0x20, s13, s15, $0xb8;
	[tilespmem:$0x1F000] =	vst v63  }
0x1d4: {  	_ =	swait.ge [sflag:s28], $0x1000  }
.Ltmp7:
0x1d5: {  	[sflag:s28] =	ssyncset.done $0x0;
	(pc) =	sbr.rel @p1 .LBB2_11-.Ltmp7, $4  }
0x1d6: {  	[sflag:s28] =	ssyncadd.s32 $0xFFFFF000  }
0x1d7: {  	_ =	swait.ge [sflag:s25], $0x1000  }
0x1d8: {  	[sflag:s25] =	ssyncset.done $0x0  }
0x1d9: {  	s9 =	sor.u32 $0x380, s9;
	[sflag:s25] =	ssyncadd.s32 $0xFFFFF000  }
0x1da: {  	s30 =	sadd.s32 $0x80, s30  }
0x1db: {  	p1 =	seq.s32 s30, $0x1880  }
.Ltmp8:
0x1dc: {  	s0 =	sshll.u32 s0, $0xA;
	(pc) =	sbr.rel @!p1 .LBB2_10-.Ltmp8, $4  }
0x1dd: {  	s0 =	sor.u32 $0x1E100, s0  }
0x1de: {  	[tilespmem:s18], [sflag:$0x3] =	stream.indirect.gather [hbm4b:s5+s15], $0x20, s0, s15, $0xb8;
	[tilespmem:$0x1F000] =	vst v63  }
0x1df: {  	s13 =	sor.u32 $0x1E800, s9;
	s31 =	sadd.s32 $0x1, s31  }
0x1e0: {  	[spmem:s2] =	stream.indirect.scatter.add.f32 [tilespmem:s21], [sflag:$0x5], $0x20, s13, s15, $0xb8;
	[tilespmem:$0x1F000] =	vst v63  }
.Ltmp9:
0x1e1: {  	(pc) =	sbr.rel .LBB2_15-.Ltmp9, $2  }
0x1e2: {  	_ =	sdelay $0x2  }
0x1e3: {  	s0 =	rddreg [dreg:$0x5];
	s7 =	simm.s32 $0x1E000  }
.LBB2_6:
.Ltmp10:
0x1e4: {  	(pc) =	sbr.rel .LBB2_12-.Ltmp10, $2  }
0x1e5: {  	_ =	sdelay $0x2  }
0x1e6: {  	s0 =	rddreg [dreg:$0x6]  }
.LBB2_16:
0x1e7: {  	_ =	sfence.sel $0x180000  }
0x1e8: {  	[bflag:$0x0] =	sbarrier.arrive $0xFFFF  }
0x1e9: {  	_ =	strace $0x9000004A  }
0x1ea: {  	s0 =	stileid.u32;
	[bflag:$0x2] =	sbarrier.arrive $0xFFFF  }
0x1eb: {  	p0 =	sne.s32 s0, $0x0;
	s0 =	rddreg [dreg:$0x2]  }
0x1ec: {  	s0 =	sadd.s32 @!p0 $0x100000, s0  }
0x1ed: {  	[sflag:s0] =	ssyncadd.tile.s32 @!p0 $0x1;
	_ =	shalt  }
.Lfunc_end2:
_tile_overlayer_lowered:
.L_overlay_start_2:
0x1ee: {  	(tag) =	ssettag $0x2  }
0x1ef: {  	s0 =	rddreg [dreg:$0x0];
	s2 =	stileid.u32  }
0x1f0: {  	s1 =	rddreg [dreg:$0x1];
	p0 =	sne.s32 s2, $0x0  }
0x1f1: {  	s3 =	rddreg [dreg:$0x2];
	[bflag:$0x3] =	sbarrier.arrive $0xFFFF;
	s2 =	simm.s32 @!p0 $0x1C08  }
0x1f2: {  	[timem:s3], [sflag:s2] =	dma.local @!p0 [hbm:s0], s1  }
0x1f3: {  	s0 =	simm.s32 @!p0 $0x8  }
0x1f4: {  	_ =	swait.ge @!p0 [sflag:s0], s1  }
0x1f5: {  	s1 =	ssub.s32 @!p0 $0x0, s1;
	[sflag:s0] =	ssyncset.done @!p0 $0x0  }
0x1f6: {  	[sflag:s0] =	ssyncadd.s32 @!p0 s1  }
0x1f7: {  	[bflag:$0x3] =	sbarrier.arrive $0xFFFF  }
0x1f8: {  	_ =	shalt  }

</sc_bundles>
